<compile_context>
chip_gen: v7x
topology: tpu7x:2x2x1
jax: 0.10.2.dev20260603
libtpu: 0.0.44.dev20260713+nightly
codegen_flags: <defaults>
</compile_context>

<pallas_src>
import jax
import jax.numpy as jnp
from jax import lax
from jax.experimental import pallas as pl
from jax.experimental.pallas import tpu as pltpu
from jax.experimental.pallas import tpu_sc as plsc

N = 10000
E = 320000
HID = 128
NFEAT = 9
VOCAB = 64
NGRAPHS = 64

NC, NS = 2, 16
NW = NC * NS
CHUNK = 128
EPW = 10240
E_PAD = NW * EPW
NCH = EPW // CHUNK
N_ACC = 10240
ZROWS = 40

BLK = 1000
GRID = N // BLK

def _mesh():
    return plsc.VectorSubcoreMesh(core_axis_name="c", subcore_axis_name="s",
                                  num_cores=NC, num_subcores=NS)



def _fill_zeros(buf, nrows):
    @pl.loop(0, nrows)
    def _(i):
        for j in range(HID // 16):
            buf[i, pl.ds(j * 16, 16)] = jnp.zeros((16,), jnp.float32)


def _zero_shared(zbuf, acc, buf_rows):
    _fill_zeros(zbuf, buf_rows)
    sid = lax.axis_index("s")
    rows_per_sub = N_ACC // NS

    @pl.loop(0, rows_per_sub, step=buf_rows)
    def _(r):
        pltpu.sync_copy(zbuf, acc.at[pl.ds(sid * rows_per_sub + r, buf_rows)])


HALF = NCH // 2


def _mp_body(g_hbm, src_hbm, dst_hbm, out_hbm, sidx, didx, rows0, rows1,
             acc, sem_g0, sem_g1):
    cid = lax.axis_index("c")
    sid = lax.axis_index("s")
    wid = sid * NC + cid

    _zero_shared(rows0, acc, CHUNK)
    plsc.subcore_barrier()

    for h in range(2):
        base = wid * NCH + h * HALF
        pltpu.sync_copy(src_hbm.at[pl.ds(base, HALF)], sidx)
        pltpu.sync_copy(dst_hbm.at[pl.ds(base, HALF)], didx)
        pltpu.async_copy(g_hbm.at[sidx.at[0]], rows0, sem_g0)

        @pl.loop(0, HALF, step=2)
        def _(c):
            pltpu.async_copy(g_hbm.at[sidx.at[c + 1]], rows1, sem_g1)
            pltpu.make_async_copy(g_hbm.at[sidx.at[c]], rows0, sem_g0).wait()
            pltpu.sync_copy(rows0, acc.at[didx.at[c]], add=True)

            @pl.when(c + 2 < HALF)
            def _():
                pltpu.async_copy(g_hbm.at[sidx.at[c + 2]], rows0, sem_g0)

            pltpu.make_async_copy(g_hbm.at[sidx.at[c + 1]], rows1, sem_g1).wait()
            pltpu.sync_copy(rows1, acc.at[didx.at[c + 1]], add=True)

    plsc.subcore_barrier()
    orows = N_ACC // NS
    pltpu.sync_copy(acc.at[pl.ds(sid * orows, orows)],
                    out_hbm.at[cid].at[pl.ds(sid * orows, orows)])


def _message_pass(g, src2d, dst2d):
    k = pl.kernel(
        _mp_body,
        out_type=jax.ShapeDtypeStruct((NC, N_ACC, HID), jnp.float32),
        mesh=_mesh(),
        scratch_types=[
            pltpu.VMEM((HALF, CHUNK), jnp.int32),
            pltpu.VMEM((HALF, CHUNK), jnp.int32),
            pltpu.VMEM((CHUNK, HID), jnp.float32),
            pltpu.VMEM((CHUNK, HID), jnp.float32),
            pltpu.VMEM_SHARED((N_ACC, HID), jnp.float32),
            pltpu.SemaphoreType.DMA,
            pltpu.SemaphoreType.DMA,
        ],
    )
    return k(g, src2d, dst2d)


def _deg_body(dst_hbm, ones_hbm, out_hbm, didx, ones_v, zbuf, acc, sem):
    del sem
    cid = lax.axis_index("c")
    sid = lax.axis_index("s")
    wid = sid * NC + cid

    _zero_shared(zbuf, acc, ZROWS)
    pltpu.sync_copy(ones_hbm, ones_v)
    plsc.subcore_barrier()
    pltpu.sync_copy(dst_hbm.at[pl.ds(wid * NCH, NCH)], didx)

    @pl.loop(0, NCH)
    def _(c):
        pltpu.sync_copy(ones_v, acc.at[didx.at[c]], add=True)

    plsc.subcore_barrier()
    orows = N_ACC // NS
    pltpu.sync_copy(acc.at[pl.ds(sid * orows, orows)],
                    out_hbm.at[cid].at[pl.ds(sid * orows, orows)])


def _degrees(dst2d):
    ones128 = jnp.ones((CHUNK, HID), jnp.float32)
    k = pl.kernel(
        _deg_body,
        out_type=jax.ShapeDtypeStruct((NC, N_ACC, HID), jnp.float32),
        mesh=_mesh(),
        scratch_types=[
            pltpu.VMEM((NCH, CHUNK), jnp.int32),
            pltpu.VMEM((CHUNK, HID), jnp.float32),
            pltpu.VMEM((ZROWS, HID), jnp.float32),
            pltpu.VMEM_SHARED((N_ACC, HID), jnp.float32),
            pltpu.SemaphoreType.DMA,
        ],
    )
    return k(dst2d, ones128)



def _dinv(d0, d1):
    return lax.rsqrt(d0[:, 0:1] + d1[:, 0:1] + 1.0)


def _enc_body(x_ref, emb_ref, o_ref):
    xb = x_ref[...]
    iota = lax.broadcasted_iota(jnp.int32, (1, VOCAB), 1)
    acc = jnp.zeros((BLK, HID), jnp.float32)
    for i in range(NFEAT):
        oh = (xb[:, i:i + 1] == iota).astype(jnp.float32)
        acc = acc + jnp.dot(oh, emb_ref[i], preferred_element_type=jnp.float32)
    o_ref[...] = acc


def _encoder(x, atom_emb):
    return pl.pallas_call(
        _enc_body,
        grid=(GRID,),
        in_specs=[
            pl.BlockSpec((BLK, NFEAT), lambda i: (i, 0)),
            pl.BlockSpec((NFEAT, VOCAB, HID), lambda i: (0, 0, 0)),
        ],
        out_specs=pl.BlockSpec((BLK, HID), lambda i: (i, 0)),
        out_shape=jax.ShapeDtypeStruct((N, HID), jnp.float32),
    )(x, atom_emb)


def _pre_body(h_ref, w_ref, d0_ref, d1_ref, g_ref):
    dinv = _dinv(d0_ref[...], d1_ref[...])
    g_ref[...] = jnp.dot(h_ref[...], w_ref[...],
                         preferred_element_type=jnp.float32) * dinv


def _pre(h, W, d0, d1):
    return pl.pallas_call(
        _pre_body,
        grid=(GRID,),
        in_specs=[
            pl.BlockSpec((BLK, HID), lambda i: (i, 0)),
            pl.BlockSpec((HID, HID), lambda i: (0, 0)),
            pl.BlockSpec((BLK, HID), lambda i: (i, 0)),
            pl.BlockSpec((BLK, HID), lambda i: (i, 0)),
        ],
        out_specs=pl.BlockSpec((BLK, HID), lambda i: (i, 0)),
        out_shape=jax.ShapeDtypeStruct((N, HID), jnp.float32),
    )(h, W, d0, d1)


def _epilogue(a0, a1, g, dinv, hres, bvec, gsvec, betavec):
    conv = (a0 + a1 + g) * dinv + bvec
    z = jnp.maximum(conv, 0.0)
    z = z * gsvec + betavec
    z = jnp.maximum(z, 0.0)
    return z + hres


def _post_pre_body(a0_ref, a1_ref, g_ref, d0_ref, d1_ref, h_ref, b_ref,
                   gs_ref, beta_ref, wn_ref, h_out, g_out):
    dinv = _dinv(d0_ref[...], d1_ref[...])
    h_new = _epilogue(a0_ref[...], a1_ref[...], g_ref[...], dinv, h_ref[...],
                      b_ref[...], gs_ref[...], beta_ref[...])
    h_out[...] = h_new
    g_out[...] = jnp.dot(h_new, wn_ref[...],
                         preferred_element_type=jnp.float32) * dinv


def _post_pre(acc, g, d0, d1, h, bvec, gsvec, betavec, Wn):
    row = lambda i: (i, 0)
    return pl.pallas_call(
        _post_pre_body,
        grid=(GRID,),
        in_specs=[
            pl.BlockSpec((BLK, HID), row),
            pl.BlockSpec((BLK, HID), row),
            pl.BlockSpec((BLK, HID), row),
            pl.BlockSpec((BLK, HID), row),
            pl.BlockSpec((BLK, HID), row),
            pl.BlockSpec((BLK, HID), row),
            pl.BlockSpec((1, HID), lambda i: (0, 0)),
            pl.BlockSpec((1, HID), lambda i: (0, 0)),
            pl.BlockSpec((1, HID), lambda i: (0, 0)),
            pl.BlockSpec((HID, HID), lambda i: (0, 0)),
        ],
        out_specs=[pl.BlockSpec((BLK, HID), row), pl.BlockSpec((BLK, HID), row)],
        out_shape=[jax.ShapeDtypeStruct((N, HID), jnp.float32),
                   jax.ShapeDtypeStruct((N, HID), jnp.float32)],
    )(acc[0], acc[1], g, d0, d1, h, bvec, gsvec, betavec, Wn)


def _post_readout_body(a0_ref, a1_ref, g_ref, d0_ref, d1_ref, h_ref, b_ref,
                       gs_ref, beta_ref, bi_ref, wo_ref, bo_ref, o_ref,
                       psum, cnt):
    i = pl.program_id(0)
    dinv = _dinv(d0_ref[...], d1_ref[...])
    h_new = _epilogue(a0_ref[...], a1_ref[...], g_ref[...], dinv, h_ref[...],
                      b_ref[...], gs_ref[...], beta_ref[...])
    bidx = bi_ref[0]
    oh = (lax.broadcasted_iota(jnp.int32, (NGRAPHS, 1), 0) == bidx
          ).astype(jnp.float32)
    ps = jnp.dot(oh, h_new, preferred_element_type=jnp.float32)
    cs = jnp.sum(oh, axis=1, keepdims=True)

    @pl.when(i == 0)
    def _():
        psum[...] = ps
        cnt[...] = cs

    @pl.when(i > 0)
    def _():
        psum[...] = psum[...] + ps
        cnt[...] = cnt[...] + cs

    @pl.when(i == GRID - 1)
    def _():
        pooled = psum[...] / jnp.maximum(cnt[...], 1.0)
        logit = jnp.sum(pooled * wo_ref[...], axis=1, keepdims=True) + bo_ref[...]
        o_ref[...] = jax.nn.sigmoid(logit)


def _post_readout(acc, g, d0, d1, h, bvec, gsvec, betavec, batch3, wo_row, bo):
    row = lambda i: (i, 0)
    return pl.pallas_call(
        _post_readout_body,
        grid=(GRID,),
        in_specs=[
            pl.BlockSpec((BLK, HID), row),
            pl.BlockSpec((BLK, HID), row),
            pl.BlockSpec((BLK, HID), row),
            pl.BlockSpec((BLK, HID), row),
            pl.BlockSpec((BLK, HID), row),
            pl.BlockSpec((BLK, HID), row),
            pl.BlockSpec((1, HID), lambda i: (0, 0)),
            pl.BlockSpec((1, HID), lambda i: (0, 0)),
            pl.BlockSpec((1, HID), lambda i: (0, 0)),
            pl.BlockSpec((1, 1, BLK), lambda i: (i, 0, 0)),
            pl.BlockSpec((1, HID), lambda i: (0, 0)),
            pl.BlockSpec((1, 1), lambda i: (0, 0)),
        ],
        out_specs=pl.BlockSpec((NGRAPHS, 1), lambda i: (0, 0)),
        out_shape=jax.ShapeDtypeStruct((NGRAPHS, 1), jnp.float32),
        scratch_shapes=[pltpu.VMEM((NGRAPHS, HID), jnp.float32),
                        pltpu.VMEM((NGRAPHS, 1), jnp.float32)],
    )(acc[0], acc[1], g, d0, d1, h, bvec, gsvec, betavec, batch3, wo_row, bo)



def kernel(x, edge_index, batch_idx, atom_emb, Ws, bs, gammas, betas, W_out, b_out):
    eps = 1e-5
    gs = gammas * (1.0 / jnp.sqrt(1.0 + eps))

    pad = E_PAD - E
    srcp = jnp.concatenate([edge_index[0], jnp.zeros((pad,), jnp.int32)])
    pad_dst = N + (jnp.arange(pad, dtype=jnp.int32) % (N_ACC - N))
    dstp = jnp.concatenate([edge_index[1], pad_dst])
    src2d = srcp.reshape(-1, CHUNK)
    dst2d = dstp.reshape(-1, CHUNK)
    dst2d_deg = dst2d

    dd = _degrees(dst2d_deg)
    d0 = dd[0, :N]
    d1 = dd[1, :N]

    h = _encoder(x, atom_emb)

    nlayers = Ws.shape[0]
    g = _pre(h, Ws[0], d0, d1)
    for l in range(nlayers - 1):
        acc = _message_pass(g, src2d, dst2d)[:, :N]
        h, g = _post_pre(acc, g, d0, d1, h,
                         bs[l][None, :], gs[l][None, :], betas[l][None, :],
                         Ws[l + 1])
    acc = _message_pass(g, src2d, dst2d)[:, :N]

    lastl = nlayers - 1
    batch3 = batch_idx.reshape(GRID, 1, BLK)
    out = _post_readout(acc, g, d0, d1, h,
                        bs[lastl][None, :], gs[lastl][None, :],
                        betas[lastl][None, :],
                        batch3, W_out.reshape(1, HID), b_out.reshape(1, 1))
    return out

# --- scband reference (transcript-rebuilt; emitter-appended) ---
"""Pipeline reference for scband-gcn-7395933684274 (READ-ONLY COPY).

The authoritative reference and input builder live on the scoring server;
editing this copy changes nothing except your own understanding.
"""

import jax, jax.numpy as jnp
import numpy as np

N_NODES = 10000
N_EDGES = 320000
HID = 128
NLAYERS = 3
NFEAT = 9
VOCAB = 64
NGRAPHS = 64


def setup_inputs(seed: int = 0):
    key = jax.random.key(seed)
    ks = jax.random.split(key, 8)
    x = jax.random.randint(ks[0], (N_NODES, NFEAT), 0, VOCAB, dtype=jnp.int32)
    edge_index = jax.random.randint(ks[1], (2, N_EDGES), 0, N_NODES, dtype=jnp.int32)
    batch_idx = jnp.sort(jax.random.randint(ks[2], (N_NODES,), 0, NGRAPHS, dtype=jnp.int32))
    atom_emb = jax.random.normal(ks[3], (NFEAT, VOCAB, HID), dtype=jnp.float32) * 0.1
    Ws = jax.random.normal(ks[4], (NLAYERS, HID, HID), dtype=jnp.float32) * (1.0 / np.sqrt(HID))
    bs = jnp.zeros((NLAYERS, HID), jnp.float32)
    gammas = jnp.ones((NLAYERS, HID), jnp.float32)
    betas = jnp.zeros((NLAYERS, HID), jnp.float32)
    W_out = jax.random.normal(ks[5], (HID, 1), dtype=jnp.float32) * (1.0 / np.sqrt(HID))
    b_out = jnp.zeros((1,), jnp.float32)
    return dict(x=x, edge_index=edge_index, batch_idx=batch_idx, atom_emb=atom_emb,
                Ws=Ws, bs=bs, gammas=gammas, betas=betas, W_out=W_out, b_out=b_out)


def _gcn_conv(h, W, b, src, dst, n):
    # GCNConv: linear transform, symmetric gcn_norm with self-loops, scatter-add to dst
    h = h @ W
    ones = jnp.ones(src.shape[0], h.dtype)
    deg = jax.ops.segment_sum(ones, dst, num_segments=n)
    dinv = jnp.where(deg > 0, jax.lax.rsqrt(jnp.maximum(deg, 1e-12)), 0.0)
    norm = dinv[src] * dinv[dst]
    msg = h[src] * norm[:, None]
    out = jax.ops.segment_sum(msg, dst, num_segments=n)
    return out + b


def reference(x, edge_index, batch_idx, atom_emb, Ws, bs, gammas, betas, W_out, b_out):
    n = x.shape[0]
    # AtomEncoder: sum of per-column embedding lookups
    h = jnp.zeros((n, atom_emb.shape[-1]), jnp.float32)
    for i in range(atom_emb.shape[0]):
        h = h + atom_emb[i][x[:, i]]
    loops = jnp.arange(n, dtype=edge_index.dtype)
    src = jnp.concatenate([edge_index[0], loops])
    dst = jnp.concatenate([edge_index[1], loops])
    eps = 1e-5
    for l in range(Ws.shape[0]):
        res = h
        z = _gcn_conv(h, Ws[l], bs[l], src, dst, n)
        z = jax.nn.relu(z)
        # BatchNorm1d in eval mode: running_mean=0, running_var=1
        z = z / jnp.sqrt(1.0 + eps) * gammas[l] + betas[l]
        z = jax.nn.relu(z)
        # Dropout p=0.5 is identity in eval mode
        h = z + res
    # MeanAggregation over batch_idx
    s = jax.ops.segment_sum(h, batch_idx, num_segments=NGRAPHS)
    cnt = jax.ops.segment_sum(jnp.ones((n,), h.dtype), batch_idx, num_segments=NGRAPHS)
    pooled = s / jnp.maximum(cnt, 1.0)[:, None]
    return jax.nn.sigmoid(pooled @ W_out + b_out)

if __name__ == "__main__":
    import jax
    _d = setup_inputs()
    print(jax.jit(kernel)(*tuple(_d.values())))

</pallas_src>

<mosaic_0001>
#map = affine_map<(d0, d1) -> (0, 0)>
#map1 = affine_map<(d0, d1) -> (0, 0, 0)>
module attributes {stable_mosaic.version = 14 : i64} {
  func.func @_mp_body(%arg0: i32, %arg1: i32, %arg2: memref<10000x128xf32, #tpu.memory_space<hbm>>, %arg3: memref<2560x128xi32, #tpu.memory_space<hbm>>, %arg4: memref<2560x128xi32, #tpu.memory_space<hbm>>, %arg5: memref<2x10240x128xf32, #tpu.memory_space<hbm>>, %arg6: memref<40x128xi32, #tpu.memory_space<vmem>>, %arg7: memref<40x128xi32, #tpu.memory_space<vmem>>, %arg8: memref<128x128xf32, #tpu.memory_space<vmem>>, %arg9: memref<128x128xf32, #tpu.memory_space<vmem>>, %arg10: memref<10240x128xf32, #tpu.memory_space<vmem_shared>>, %arg11: memref<!tpu.dma_semaphore, #tpu.memory_space<semaphore_mem>>, %arg12: memref<!tpu.dma_semaphore, #tpu.memory_space<semaphore_mem>>) attributes {dimension_semantics = [#tpu.dimension_semantics<core_parallel>, #tpu.dimension_semantics<subcore_parallel>], iteration_bounds = array<i64: 2, 16>, scalar_prefetch = 0 : i64, scratch_operands = 7 : i64, tpu.core_type = #tpu.core_type<sc_vector_subcore>, window_params = [{transform_indices = #map}, {transform_indices = #map}, {transform_indices = #map}, {transform_indices = #map1}]} {
    %mul3A = arith.constant 2 : i32
    %mul3A_0 = arith.muli %arg1, %mul3A : i32
    %add3A = arith.addi %mul3A_0, %arg0 : i32
    %scan3A = arith.constant 0 : i32
    %scan3A_1 = arith.constant 128 : i32
    %scan3A_2 = arith.addi %scan3A, %scan3A_1 : i32
    %scan3A_3 = arith.constant 1 : i32
    scf.for %scan3A_46 = %scan3A to %scan3A_2 step %scan3A_3  : i32 {
      %mul3A_47 = arith.constant 1 : i32
      %mul3A_48 = arith.muli %scan3A_46, %mul3A_47 : i32
      %add3A_49 = arith.constant 0 : i32
      %add3A_50 = arith.addi %add3A_49, %mul3A_48 : i32
      %broadcast_in_dim3A = arith.constant 0.000000e+00 : f32
      %broadcast_in_dim3A_51 = vector.broadcast %broadcast_in_dim3A : f32 to vector<16xf32>
      %swap3A = arith.index_cast %add3A_50 : i32 to index
      %swap3A_52 = arith.constant 0 : index
      %swap3A_53 = tpu.vector_load %arg8[%swap3A, %swap3A_52] {strides = array<i32>} : memref<128x128xf32, #tpu.memory_space<vmem>>, vector<1x16xf32>,
      %swap3A_54 = vector.shape_cast %swap3A_53 : vector<1x16xf32> to vector<16xf32>
      %swap3A_55 = vector.shape_cast %broadcast_in_dim3A_51 : vector<16xf32> to vector<1x16xf32>
      tpu.vector_store %arg8[%swap3A, %swap3A_52], %swap3A_55 {strides = array<i32>} : memref<128x128xf32, #tpu.memory_space<vmem>>, vector<1x16xf32>,
      %broadcast_in_dim3A_56 = arith.constant 0.000000e+00 : f32
      %broadcast_in_dim3A_57 = vector.broadcast %broadcast_in_dim3A_56 : f32 to vector<16xf32>
      %swap3A_58 = arith.index_cast %add3A_50 : i32 to index
      %swap3A_59 = arith.constant 16 : index
      %swap3A_60 = tpu.vector_load %arg8[%swap3A_58, %swap3A_59] {strides = array<i32>} : memref<128x128xf32, #tpu.memory_space<vmem>>, vector<1x16xf32>,
      %swap3A_61 = vector.shape_cast %swap3A_60 : vector<1x16xf32> to vector<16xf32>
      %swap3A_62 = vector.shape_cast %broadcast_in_dim3A_57 : vector<16xf32> to vector<1x16xf32>
      tpu.vector_store %arg8[%swap3A_58, %swap3A_59], %swap3A_62 {strides = array<i32>} : memref<128x128xf32, #tpu.memory_space<vmem>>, vector<1x16xf32>,
      %broadcast_in_dim3A_63 = arith.constant 0.000000e+00 : f32
      %broadcast_in_dim3A_64 = vector.broadcast %broadcast_in_dim3A_63 : f32 to vector<16xf32>
      %swap3A_65 = arith.index_cast %add3A_50 : i32 to index
      %swap3A_66 = arith.constant 32 : index
      %swap3A_67 = tpu.vector_load %arg8[%swap3A_65, %swap3A_66] {strides = array<i32>} : memref<128x128xf32, #tpu.memory_space<vmem>>, vector<1x16xf32>,
      %swap3A_68 = vector.shape_cast %swap3A_67 : vector<1x16xf32> to vector<16xf32>
      %swap3A_69 = vector.shape_cast %broadcast_in_dim3A_64 : vector<16xf32> to vector<1x16xf32>
      tpu.vector_store %arg8[%swap3A_65, %swap3A_66], %swap3A_69 {strides = array<i32>} : memref<128x128xf32, #tpu.memory_space<vmem>>, vector<1x16xf32>,
      %broadcast_in_dim3A_70 = arith.constant 0.000000e+00 : f32
      %broadcast_in_dim3A_71 = vector.broadcast %broadcast_in_dim3A_70 : f32 to vector<16xf32>
      %swap3A_72 = arith.index_cast %add3A_50 : i32 to index
      %swap3A_73 = arith.constant 48 : index
      %swap3A_74 = tpu.vector_load %arg8[%swap3A_72, %swap3A_73] {strides = array<i32>} : memref<128x128xf32, #tpu.memory_space<vmem>>, vector<1x16xf32>,
      %swap3A_75 = vector.shape_cast %swap3A_74 : vector<1x16xf32> to vector<16xf32>
      %swap3A_76 = vector.shape_cast %broadcast_in_dim3A_71 : vector<16xf32> to vector<1x16xf32>
      tpu.vector_store %arg8[%swap3A_72, %swap3A_73], %swap3A_76 {strides = array<i32>} : memref<128x128xf32, #tpu.memory_space<vmem>>, vector<1x16xf32>,
      %broadcast_in_dim3A_77 = arith.constant 0.000000e+00 : f32
      %broadcast_in_dim3A_78 = vector.broadcast %broadcast_in_dim3A_77 : f32 to vector<16xf32>
      %swap3A_79 = arith.index_cast %add3A_50 : i32 to index
      %swap3A_80 = arith.constant 64 : index
      %swap3A_81 = tpu.vector_load %arg8[%swap3A_79, %swap3A_80] {strides = array<i32>} : memref<128x128xf32, #tpu.memory_space<vmem>>, vector<1x16xf32>,
      %swap3A_82 = vector.shape_cast %swap3A_81 : vector<1x16xf32> to vector<16xf32>
      %swap3A_83 = vector.shape_cast %broadcast_in_dim3A_78 : vector<16xf32> to vector<1x16xf32>
      tpu.vector_store %arg8[%swap3A_79, %swap3A_80], %swap3A_83 {strides = array<i32>} : memref<128x128xf32, #tpu.memory_space<vmem>>, vector<1x16xf32>,
      %broadcast_in_dim3A_84 = arith.constant 0.000000e+00 : f32
      %broadcast_in_dim3A_85 = vector.broadcast %broadcast_in_dim3A_84 : f32 to vector<16xf32>
      %swap3A_86 = arith.index_cast %add3A_50 : i32 to index
      %swap3A_87 = arith.constant 80 : index
      %swap3A_88 = tpu.vector_load %arg8[%swap3A_86, %swap3A_87] {strides = array<i32>} : memref<128x128xf32, #tpu.memory_space<vmem>>, vector<1x16xf32>,
      %swap3A_89 = vector.shape_cast %swap3A_88 : vector<1x16xf32> to vector<16xf32>
      %swap3A_90 = vector.shape_cast %broadcast_in_dim3A_85 : vector<16xf32> to vector<1x16xf32>
      tpu.vector_store %arg8[%swap3A_86, %swap3A_87], %swap3A_90 {strides = array<i32>} : memref<128x128xf32, #tpu.memory_space<vmem>>, vector<1x16xf32>,
      %broadcast_in_dim3A_91 = arith.constant 0.000000e+00 : f32
      %broadcast_in_dim3A_92 = vector.broadcast %broadcast_in_dim3A_91 : f32 to vector<16xf32>
      %swap3A_93 = arith.index_cast %add3A_50 : i32 to index
      %swap3A_94 = arith.constant 96 : index
      %swap3A_95 = tpu.vector_load %arg8[%swap3A_93, %swap3A_94] {strides = array<i32>} : memref<128x128xf32, #tpu.memory_space<vmem>>, vector<1x16xf32>,
      %swap3A_96 = vector.shape_cast %swap3A_95 : vector<1x16xf32> to vector<16xf32>
      %swap3A_97 = vector.shape_cast %broadcast_in_dim3A_92 : vector<16xf32> to vector<1x16xf32>
      tpu.vector_store %arg8[%swap3A_93, %swap3A_94], %swap3A_97 {strides = array<i32>} : memref<128x128xf32, #tpu.memory_space<vmem>>, vector<1x16xf32>,
      %broadcast_in_dim3A_98 = arith.constant 0.000000e+00 : f32
      %broadcast_in_dim3A_99 = vector.broadcast %broadcast_in_dim3A_98 : f32 to vector<16xf32>
      %swap3A_100 = arith.index_cast %add3A_50 : i32 to index
      %swap3A_101 = arith.constant 112 : index
      %swap3A_102 = tpu.vector_load %arg8[%swap3A_100, %swap3A_101] {strides = array<i32>} : memref<128x128xf32, #tpu.memory_space<vmem>>, vector<1x16xf32>,
      %swap3A_103 = vector.shape_cast %swap3A_102 : vector<1x16xf32> to vector<16xf32>
      %swap3A_104 = vector.shape_cast %broadcast_in_dim3A_99 : vector<16xf32> to vector<1x16xf32>
      tpu.vector_store %arg8[%swap3A_100, %swap3A_101], %swap3A_104 {strides = array<i32>} : memref<128x128xf32, #tpu.memory_space<vmem>>, vector<1x16xf32>,
    }
    %scan3A_4 = arith.constant 128 : i32
    %scan3A_5 = arith.constant 0 : i32
    %scan3A_6 = arith.constant 5 : i32
    %scan3A_7 = arith.addi %scan3A_5, %scan3A_6 : i32
    %scan3A_8 = arith.constant 1 : i32
    scf.for %scan3A_46 = %scan3A_5 to %scan3A_7 step %scan3A_8  : i32 {
      %mul3A_47 = arith.constant 128 : i32
      %mul3A_48 = arith.muli %scan3A_46, %mul3A_47 : i32
      %add3A_49 = arith.constant 0 : i32
      %add3A_50 = arith.addi %add3A_49, %mul3A_48 : i32
      %mul3A_51 = arith.constant 640 : i32
      %mul3A_52 = arith.muli %arg1, %mul3A_51 : i32
      %add3A_53 = arith.addi %mul3A_52, %add3A_50 : i32
      "tpu.region"() ({
        %run_scoped3A = tpu.sem_alloc : memref<!tpu.dma_semaphore, #tpu.memory_space<semaphore_mem>>
        %dma_start3A_54 = arith.constant 0 : i32
        %dma_start3A_55 = tpu.memref_slice %arg10[%add3A_53, %dma_start3A_54] : memref<10240x128xf32, #tpu.memory_space<vmem_shared>> -> memref<128x128xf32, #tpu.memory_space<vmem_shared>>
        %dma_start3A_56 = arith.constant 0 : i32
        %dma_start3A_57 = tpu.memref_slice %arg10[%add3A_53, %dma_start3A_56] : memref<10240x128xf32, #tpu.memory_space<vmem_shared>> -> memref<128x128xf32, #tpu.memory_space<vmem_shared>>
        tpu.enqueue_dma source(%arg8 : memref<128x128xf32, #tpu.memory_space<vmem>>) target(%dma_start3A_57 : memref<128x128xf32, #tpu.memory_space<vmem_shared>>) target_semaphore(%run_scoped3A : memref<!tpu.dma_semaphore, #tpu.memory_space<semaphore_mem>>)
        %dma_wait3A = arith.constant 0 : i32
        %dma_wait3A_58 = tpu.memref_slice %arg10[%add3A_53, %dma_wait3A] : memref<10240x128xf32, #tpu.memory_space<vmem_shared>> -> memref<128x128xf32, #tpu.memory_space<vmem_shared>>
        %dma_wait3A_59 = arith.constant 0 : i32
        %dma_wait3A_60 = tpu.memref_slice %arg10[%add3A_53, %dma_wait3A_59] : memref<10240x128xf32, #tpu.memory_space<vmem_shared>> -> memref<128x128xf32, #tpu.memory_space<vmem_shared>>
        tpu.wait_dma2 semaphore(%run_scoped3A : memref<!tpu.dma_semaphore, #tpu.memory_space<semaphore_mem>>) src(%arg8 : memref<128x128xf32, #tpu.memory_space<vmem>>) dst(%dma_wait3A_60 : memref<128x128xf32, #tpu.memory_space<vmem_shared>>)
        tpu.yield
      }) : () -> ()
    }
    %scan3A_9 = arith.constant 5 : i32
    %barrier3A = arith.constant 0 : index
    tpu.barrier barrier_id(%barrier3A)
    %mul3A_10 = arith.constant 80 : i32
    %mul3A_11 = arith.muli %add3A, %mul3A_10 : i32
    %add3A_12 = arith.constant 0 : i32
    %add3A_13 = arith.addi %mul3A_11, %add3A_12 : i32
    "tpu.region"() ({
      %run_scoped3A = tpu.sem_alloc : memref<!tpu.dma_semaphore, #tpu.memory_space<semaphore_mem>>
      %dma_start3A_46 = arith.constant 0 : i32
      %dma_start3A_47 = tpu.memref_slice %arg3[%add3A_13, %dma_start3A_46] : memref<2560x128xi32, #tpu.memory_space<hbm>> -> memref<40x128xi32, #tpu.memory_space<hbm>>
      %dma_start3A_48 = arith.constant 0 : i32
      %dma_start3A_49 = tpu.memref_slice %arg3[%add3A_13, %dma_start3A_48] : memref<2560x128xi32, #tpu.memory_space<hbm>> -> memref<40x128xi32, #tpu.memory_space<hbm>>
      tpu.enqueue_dma source(%dma_start3A_49 : memref<40x128xi32, #tpu.memory_space<hbm>>) target(%arg6 : memref<40x128xi32, #tpu.memory_space<vmem>>) target_semaphore(%run_scoped3A : memref<!tpu.dma_semaphore, #tpu.memory_space<semaphore_mem>>)
      %dma_wait3A = arith.constant 0 : i32
      %dma_wait3A_50 = tpu.memref_slice %arg3[%add3A_13, %dma_wait3A] : memref<2560x128xi32, #tpu.memory_space<hbm>> -> memref<40x128xi32, #tpu.memory_space<hbm>>
      %dma_wait3A_51 = arith.constant 0 : i32
      %dma_wait3A_52 = tpu.memref_slice %arg3[%add3A_13, %dma_wait3A_51] : memref<2560x128xi32, #tpu.memory_space<hbm>> -> memref<40x128xi32, #tpu.memory_space<hbm>>
      tpu.wait_dma2 semaphore(%run_scoped3A : memref<!tpu.dma_semaphore, #tpu.memory_space<semaphore_mem>>) src(%dma_wait3A_52 : memref<40x128xi32, #tpu.memory_space<hbm>>) dst(%arg6 : memref<40x128xi32, #tpu.memory_space<vmem>>)
      tpu.yield
    }) : () -> ()
    "tpu.region"() ({
      %run_scoped3A = tpu.sem_alloc : memref<!tpu.dma_semaphore, #tpu.memory_space<semaphore_mem>>
      %dma_start3A_46 = arith.constant 0 : i32
      %dma_start3A_47 = tpu.memref_slice %arg4[%add3A_13, %dma_start3A_46] : memref<2560x128xi32, #tpu.memory_space<hbm>> -> memref<40x128xi32, #tpu.memory_space<hbm>>
      %dma_start3A_48 = arith.constant 0 : i32
      %dma_start3A_49 = tpu.memref_slice %arg4[%add3A_13, %dma_start3A_48] : memref<2560x128xi32, #tpu.memory_space<hbm>> -> memref<40x128xi32, #tpu.memory_space<hbm>>
      tpu.enqueue_dma source(%dma_start3A_49 : memref<40x128xi32, #tpu.memory_space<hbm>>) target(%arg7 : memref<40x128xi32, #tpu.memory_space<vmem>>) target_semaphore(%run_scoped3A : memref<!tpu.dma_semaphore, #tpu.memory_space<semaphore_mem>>)
      %dma_wait3A = arith.constant 0 : i32
      %dma_wait3A_50 = tpu.memref_slice %arg4[%add3A_13, %dma_wait3A] : memref<2560x128xi32, #tpu.memory_space<hbm>> -> memref<40x128xi32, #tpu.memory_space<hbm>>
      %dma_wait3A_51 = arith.constant 0 : i32
      %dma_wait3A_52 = tpu.memref_slice %arg4[%add3A_13, %dma_wait3A_51] : memref<2560x128xi32, #tpu.memory_space<hbm>> -> memref<40x128xi32, #tpu.memory_space<hbm>>
      tpu.wait_dma2 semaphore(%run_scoped3A : memref<!tpu.dma_semaphore, #tpu.memory_space<semaphore_mem>>) src(%dma_wait3A_52 : memref<40x128xi32, #tpu.memory_space<hbm>>) dst(%arg7 : memref<40x128xi32, #tpu.memory_space<vmem>>)
      tpu.yield
    }) : () -> ()
    %dma_start3A = arith.constant 0 : i32
    %dma_start3A_14 = arith.constant 0 : i32
    %dma_start3A_15 = tpu.memref_slice %arg6[%dma_start3A, %dma_start3A_14] : memref<40x128xi32, #tpu.memory_space<vmem>> -> memref<1x128xi32, #tpu.memory_space<vmem>>
    %dma_start3A_16 = tpu.memref_squeeze %dma_start3A_15 : memref<1x128xi32, #tpu.memory_space<vmem>> -> memref<128xi32, #tpu.memory_space<vmem>>
    %dma_start3A_17 = arith.constant 0 : i32
    %dma_start3A_18 = arith.constant 0 : i32
    %dma_start3A_19 = tpu.memref_slice %arg2[%dma_start3A_17, %dma_start3A_18] : memref<10000x128xf32, #tpu.memory_space<hbm>> -> memref<10000x128xf32, #tpu.memory_space<hbm>>
    tpu.enqueue_indirect_dma source(%dma_start3A_19 : memref<10000x128xf32, #tpu.memory_space<hbm>>) target(%arg8 : memref<128x128xf32, #tpu.memory_space<vmem>>) offsets(%dma_start3A_16 : memref<128xi32, #tpu.memory_space<vmem>>) semaphore(%arg11 : memref<!tpu.dma_semaphore, #tpu.memory_space<semaphore_mem>>)
    %scan3A_20 = arith.constant 0 : i32
    %scan3A_21 = arith.constant 20 : i32
    %scan3A_22 = arith.addi %scan3A_20, %scan3A_21 : i32
    %scan3A_23 = arith.constant 1 : i32
    scf.for %scan3A_46 = %scan3A_20 to %scan3A_22 step %scan3A_23  : i32 {
      %mul3A_47 = arith.constant 2 : i32
      %mul3A_48 = arith.muli %scan3A_46, %mul3A_47 : i32
      %add3A_49 = arith.constant 0 : i32
      %add3A_50 = arith.addi %add3A_49, %mul3A_48 : i32
      %add3A_51 = arith.constant 1 : i32
      %add3A_52 = arith.addi %add3A_50, %add3A_51 : i32
      %dma_start3A_53 = arith.constant 0 : i32
      %dma_start3A_54 = tpu.memref_slice %arg6[%add3A_52, %dma_start3A_53] : memref<40x128xi32, #tpu.memory_space<vmem>> -> memref<1x128xi32, #tpu.memory_space<vmem>>
      %dma_start3A_55 = tpu.memref_squeeze %dma_start3A_54 : memref<1x128xi32, #tpu.memory_space<vmem>> -> memref<128xi32, #tpu.memory_space<vmem>>
      %dma_start3A_56 = arith.constant 0 : i32
      %dma_start3A_57 = arith.constant 0 : i32
      %dma_start3A_58 = tpu.memref_slice %arg2[%dma_start3A_56, %dma_start3A_57] : memref<10000x128xf32, #tpu.memory_space<hbm>> -> memref<10000x128xf32, #tpu.memory_space<hbm>>
      tpu.enqueue_indirect_dma source(%dma_start3A_58 : memref<10000x128xf32, #tpu.memory_space<hbm>>) target(%arg9 : memref<128x128xf32, #tpu.memory_space<vmem>>) offsets(%dma_start3A_55 : memref<128xi32, #tpu.memory_space<vmem>>) semaphore(%arg12 : memref<!tpu.dma_semaphore, #tpu.memory_space<semaphore_mem>>)
      %dma_wait3A = arith.constant 0 : i32
      %dma_wait3A_59 = tpu.memref_slice %arg6[%add3A_50, %dma_wait3A] : memref<40x128xi32, #tpu.memory_space<vmem>> -> memref<1x128xi32, #tpu.memory_space<vmem>>
      %dma_wait3A_60 = tpu.memref_squeeze %dma_wait3A_59 : memref<1x128xi32, #tpu.memory_space<vmem>> -> memref<128xi32, #tpu.memory_space<vmem>>
      %dma_wait3A_61 = arith.constant 0 : i32
      %dma_wait3A_62 = arith.constant 0 : i32
      %dma_wait3A_63 = tpu.memref_slice %arg2[%dma_wait3A_61, %dma_wait3A_62] : memref<10000x128xf32, #tpu.memory_space<hbm>> -> memref<10000x128xf32, #tpu.memory_space<hbm>>
      tpu.wait_indirect_dma semaphore(%arg11 : memref<!tpu.dma_semaphore, #tpu.memory_space<semaphore_mem>>) src(%dma_wait3A_63 : memref<10000x128xf32, #tpu.memory_space<hbm>>) dst(%arg8 : memref<128x128xf32, #tpu.memory_space<vmem>>)
      "tpu.region"() ({
        %run_scoped3A = tpu.sem_alloc : memref<!tpu.dma_semaphore, #tpu.memory_space<semaphore_mem>>
        %dma_start3A_78 = arith.constant 0 : i32
        %dma_start3A_79 = tpu.memref_slice %arg7[%add3A_50, %dma_start3A_78] : memref<40x128xi32, #tpu.memory_space<vmem>> -> memref<1x128xi32, #tpu.memory_space<vmem>>
        %dma_start3A_80 = tpu.memref_squeeze %dma_start3A_79 : memref<1x128xi32, #tpu.memory_space<vmem>> -> memref<128xi32, #tpu.memory_space<vmem>>
        %dma_start3A_81 = arith.constant 0 : i32
        %dma_start3A_82 = arith.constant 0 : i32
        %dma_start3A_83 = tpu.memref_slice %arg10[%dma_start3A_81, %dma_start3A_82] : memref<10240x128xf32, #tpu.memory_space<vmem_shared>> -> memref<10240x128xf32, #tpu.memory_space<vmem_shared>>
        tpu.enqueue_indirect_dma source(%arg8 : memref<128x128xf32, #tpu.memory_space<vmem>>) target(%dma_start3A_83 : memref<10240x128xf32, #tpu.memory_space<vmem_shared>>) offsets(%dma_start3A_80 : memref<128xi32, #tpu.memory_space<vmem>>) semaphore(%run_scoped3A : memref<!tpu.dma_semaphore, #tpu.memory_space<semaphore_mem>>) {add = true}
        %dma_wait3A_84 = arith.constant 0 : i32
        %dma_wait3A_85 = tpu.memref_slice %arg7[%add3A_50, %dma_wait3A_84] : memref<40x128xi32, #tpu.memory_space<vmem>> -> memref<1x128xi32, #tpu.memory_space<vmem>>
        %dma_wait3A_86 = tpu.memref_squeeze %dma_wait3A_85 : memref<1x128xi32, #tpu.memory_space<vmem>> -> memref<128xi32, #tpu.memory_space<vmem>>
        %dma_wait3A_87 = arith.constant 0 : i32
        %dma_wait3A_88 = arith.constant 0 : i32
        %dma_wait3A_89 = tpu.memref_slice %arg10[%dma_wait3A_87, %dma_wait3A_88] : memref<10240x128xf32, #tpu.memory_space<vmem_shared>> -> memref<10240x128xf32, #tpu.memory_space<vmem_shared>>
        tpu.wait_indirect_dma semaphore(%run_scoped3A : memref<!tpu.dma_semaphore, #tpu.memory_space<semaphore_mem>>) src(%arg8 : memref<128x128xf32, #tpu.memory_space<vmem>>) dst(%dma_wait3A_89 : memref<10240x128xf32, #tpu.memory_space<vmem_shared>>)
        tpu.yield
      }) : () -> ()
      %add3A_64 = arith.constant 2 : i32
      %add3A_65 = arith.addi %add3A_50, %add3A_64 : i32
      %lt3A = arith.constant 40 : i32
      %lt3A_66 = arith.cmpi slt, %add3A_65, %lt3A : i32
      %convert_element_type3A = arith.extui %lt3A_66 : i1 to i32
      %cond3A = arith.constant 0 : i32
      %cond3A_67 = arith.cmpi ne, %convert_element_type3A, %cond3A : i32
      scf.if %cond3A_67 {
        %add3A_78 = arith.constant 2 : i32
        %add3A_79 = arith.addi %add3A_50, %add3A_78 : i32
        %dma_start3A_80 = arith.constant 0 : i32
        %dma_start3A_81 = tpu.memref_slice %arg6[%add3A_79, %dma_start3A_80] : memref<40x128xi32, #tpu.memory_space<vmem>> -> memref<1x128xi32, #tpu.memory_space<vmem>>
        %dma_start3A_82 = tpu.memref_squeeze %dma_start3A_81 : memref<1x128xi32, #tpu.memory_space<vmem>> -> memref<128xi32, #tpu.memory_space<vmem>>
        %dma_start3A_83 = arith.constant 0 : i32
        %dma_start3A_84 = arith.constant 0 : i32
        %dma_start3A_85 = tpu.memref_slice %arg2[%dma_start3A_83, %dma_start3A_84] : memref<10000x128xf32, #tpu.memory_space<hbm>> -> memref<10000x128xf32, #tpu.memory_space<hbm>>
        tpu.enqueue_indirect_dma source(%dma_start3A_85 : memref<10000x128xf32, #tpu.memory_space<hbm>>) target(%arg8 : memref<128x128xf32, #tpu.memory_space<vmem>>) offsets(%dma_start3A_82 : memref<128xi32, #tpu.memory_space<vmem>>) semaphore(%arg11 : memref<!tpu.dma_semaphore, #tpu.memory_space<semaphore_mem>>)
      } else {
      }
      %add3A_68 = arith.constant 1 : i32
      %add3A_69 = arith.addi %add3A_50, %add3A_68 : i32
      %dma_wait3A_70 = arith.constant 0 : i32
      %dma_wait3A_71 = tpu.memref_slice %arg6[%add3A_69, %dma_wait3A_70] : memref<40x128xi32, #tpu.memory_space<vmem>> -> memref<1x128xi32, #tpu.memory_space<vmem>>
      %dma_wait3A_72 = tpu.memref_squeeze %dma_wait3A_71 : memref<1x128xi32, #tpu.memory_space<vmem>> -> memref<128xi32, #tpu.memory_space<vmem>>
      %dma_wait3A_73 = arith.constant 0 : i32
      %dma_wait3A_74 = arith.constant 0 : i32
      %dma_wait3A_75 = tpu.memref_slice %arg2[%dma_wait3A_73, %dma_wait3A_74] : memref<10000x128xf32, #tpu.memory_space<hbm>> -> memref<10000x128xf32, #tpu.memory_space<hbm>>
      tpu.wait_indirect_dma semaphore(%arg12 : memref<!tpu.dma_semaphore, #tpu.memory_space<semaphore_mem>>) src(%dma_wait3A_75 : memref<10000x128xf32, #tpu.memory_space<hbm>>) dst(%arg9 : memref<128x128xf32, #tpu.memory_space<vmem>>)
      %add3A_76 = arith.constant 1 : i32
      %add3A_77 = arith.addi %add3A_50, %add3A_76 : i32
      "tpu.region"() ({
        %run_scoped3A = tpu.sem_alloc : memref<!tpu.dma_semaphore, #tpu.memory_space<semaphore_mem>>
        %dma_start3A_78 = arith.constant 0 : i32
        %dma_start3A_79 = tpu.memref_slice %arg7[%add3A_77, %dma_start3A_78] : memref<40x128xi32, #tpu.memory_space<vmem>> -> memref<1x128xi32, #tpu.memory_space<vmem>>
        %dma_start3A_80 = tpu.memref_squeeze %dma_start3A_79 : memref<1x128xi32, #tpu.memory_space<vmem>> -> memref<128xi32, #tpu.memory_space<vmem>>
        %dma_start3A_81 = arith.constant 0 : i32
        %dma_start3A_82 = arith.constant 0 : i32
        %dma_start3A_83 = tpu.memref_slice %arg10[%dma_start3A_81, %dma_start3A_82] : memref<10240x128xf32, #tpu.memory_space<vmem_shared>> -> memref<10240x128xf32, #tpu.memory_space<vmem_shared>>
        tpu.enqueue_indirect_dma source(%arg9 : memref<128x128xf32, #tpu.memory_space<vmem>>) target(%dma_start3A_83 : memref<10240x128xf32, #tpu.memory_space<vmem_shared>>) offsets(%dma_start3A_80 : memref<128xi32, #tpu.memory_space<vmem>>) semaphore(%run_scoped3A : memref<!tpu.dma_semaphore, #tpu.memory_space<semaphore_mem>>) {add = true}
        %dma_wait3A_84 = arith.constant 0 : i32
        %dma_wait3A_85 = tpu.memref_slice %arg7[%add3A_77, %dma_wait3A_84] : memref<40x128xi32, #tpu.memory_space<vmem>> -> memref<1x128xi32, #tpu.memory_space<vmem>>
        %dma_wait3A_86 = tpu.memref_squeeze %dma_wait3A_85 : memref<1x128xi32, #tpu.memory_space<vmem>> -> memref<128xi32, #tpu.memory_space<vmem>>
        %dma_wait3A_87 = arith.constant 0 : i32
        %dma_wait3A_88 = arith.constant 0 : i32
        %dma_wait3A_89 = tpu.memref_slice %arg10[%dma_wait3A_87, %dma_wait3A_88] : memref<10240x128xf32, #tpu.memory_space<vmem_shared>> -> memref<10240x128xf32, #tpu.memory_space<vmem_shared>>
        tpu.wait_indirect_dma semaphore(%run_scoped3A : memref<!tpu.dma_semaphore, #tpu.memory_space<semaphore_mem>>) src(%arg9 : memref<128x128xf32, #tpu.memory_space<vmem>>) dst(%dma_wait3A_89 : memref<10240x128xf32, #tpu.memory_space<vmem_shared>>)
        tpu.yield
      }) : () -> ()
    }
    %scan3A_24 = arith.constant 20 : i32
    %mul3A_25 = arith.constant 80 : i32
    %mul3A_26 = arith.muli %add3A, %mul3A_25 : i32
    %add3A_27 = arith.constant 40 : i32
    %add3A_28 = arith.addi %mul3A_26, %add3A_27 : i32
    "tpu.region"() ({
      %run_scoped3A = tpu.sem_alloc : memref<!tpu.dma_semaphore, #tpu.memory_space<semaphore_mem>>
      %dma_start3A_46 = arith.constant 0 : i32
      %dma_start3A_47 = tpu.memref_slice %arg3[%add3A_28, %dma_start3A_46] : memref<2560x128xi32, #tpu.memory_space<hbm>> -> memref<40x128xi32, #tpu.memory_space<hbm>>
      %dma_start3A_48 = arith.constant 0 : i32
      %dma_start3A_49 = tpu.memref_slice %arg3[%add3A_28, %dma_start3A_48] : memref<2560x128xi32, #tpu.memory_space<hbm>> -> memref<40x128xi32, #tpu.memory_space<hbm>>
      tpu.enqueue_dma source(%dma_start3A_49 : memref<40x128xi32, #tpu.memory_space<hbm>>) target(%arg6 : memref<40x128xi32, #tpu.memory_space<vmem>>) target_semaphore(%run_scoped3A : memref<!tpu.dma_semaphore, #tpu.memory_space<semaphore_mem>>)
      %dma_wait3A = arith.constant 0 : i32
      %dma_wait3A_50 = tpu.memref_slice %arg3[%add3A_28, %dma_wait3A] : memref<2560x128xi32, #tpu.memory_space<hbm>> -> memref<40x128xi32, #tpu.memory_space<hbm>>
      %dma_wait3A_51 = arith.constant 0 : i32
      %dma_wait3A_52 = tpu.memref_slice %arg3[%add3A_28, %dma_wait3A_51] : memref<2560x128xi32, #tpu.memory_space<hbm>> -> memref<40x128xi32, #tpu.memory_space<hbm>>
      tpu.wait_dma2 semaphore(%run_scoped3A : memref<!tpu.dma_semaphore, #tpu.memory_space<semaphore_mem>>) src(%dma_wait3A_52 : memref<40x128xi32, #tpu.memory_space<hbm>>) dst(%arg6 : memref<40x128xi32, #tpu.memory_space<vmem>>)
      tpu.yield
    }) : () -> ()
    "tpu.region"() ({
      %run_scoped3A = tpu.sem_alloc : memref<!tpu.dma_semaphore, #tpu.memory_space<semaphore_mem>>
      %dma_start3A_46 = arith.constant 0 : i32
      %dma_start3A_47 = tpu.memref_slice %arg4[%add3A_28, %dma_start3A_46] : memref<2560x128xi32, #tpu.memory_space<hbm>> -> memref<40x128xi32, #tpu.memory_space<hbm>>
      %dma_start3A_48 = arith.constant 0 : i32
      %dma_start3A_49 = tpu.memref_slice %arg4[%add3A_28, %dma_start3A_48] : memref<2560x128xi32, #tpu.memory_space<hbm>> -> memref<40x128xi32, #tpu.memory_space<hbm>>
      tpu.enqueue_dma source(%dma_start3A_49 : memref<40x128xi32, #tpu.memory_space<hbm>>) target(%arg7 : memref<40x128xi32, #tpu.memory_space<vmem>>) target_semaphore(%run_scoped3A : memref<!tpu.dma_semaphore, #tpu.memory_space<semaphore_mem>>)
      %dma_wait3A = arith.constant 0 : i32
      %dma_wait3A_50 = tpu.memref_slice %arg4[%add3A_28, %dma_wait3A] : memref<2560x128xi32, #tpu.memory_space<hbm>> -> memref<40x128xi32, #tpu.memory_space<hbm>>
      %dma_wait3A_51 = arith.constant 0 : i32
      %dma_wait3A_52 = tpu.memref_slice %arg4[%add3A_28, %dma_wait3A_51] : memref<2560x128xi32, #tpu.memory_space<hbm>> -> memref<40x128xi32, #tpu.memory_space<hbm>>
      tpu.wait_dma2 semaphore(%run_scoped3A : memref<!tpu.dma_semaphore, #tpu.memory_space<semaphore_mem>>) src(%dma_wait3A_52 : memref<40x128xi32, #tpu.memory_space<hbm>>) dst(%arg7 : memref<40x128xi32, #tpu.memory_space<vmem>>)
      tpu.yield
    }) : () -> ()
    %dma_start3A_29 = arith.constant 0 : i32
    %dma_start3A_30 = arith.constant 0 : i32
    %dma_start3A_31 = tpu.memref_slice %arg6[%dma_start3A_29, %dma_start3A_30] : memref<40x128xi32, #tpu.memory_space<vmem>> -> memref<1x128xi32, #tpu.memory_space<vmem>>
    %dma_start3A_32 = tpu.memref_squeeze %dma_start3A_31 : memref<1x128xi32, #tpu.memory_space<vmem>> -> memref<128xi32, #tpu.memory_space<vmem>>
    %dma_start3A_33 = arith.constant 0 : i32
    %dma_start3A_34 = arith.constant 0 : i32
    %dma_start3A_35 = tpu.memref_slice %arg2[%dma_start3A_33, %dma_start3A_34] : memref<10000x128xf32, #tpu.memory_space<hbm>> -> memref<10000x128xf32, #tpu.memory_space<hbm>>
    tpu.enqueue_indirect_dma source(%dma_start3A_35 : memref<10000x128xf32, #tpu.memory_space<hbm>>) target(%arg8 : memref<128x128xf32, #tpu.memory_space<vmem>>) offsets(%dma_start3A_32 : memref<128xi32, #tpu.memory_space<vmem>>) semaphore(%arg11 : memref<!tpu.dma_semaphore, #tpu.memory_space<semaphore_mem>>)
    %scan3A_36 = arith.constant 0 : i32
    %scan3A_37 = arith.constant 20 : i32
    %scan3A_38 = arith.addi %scan3A_36, %scan3A_37 : i32
    %scan3A_39 = arith.constant 1 : i32
    scf.for %scan3A_46 = %scan3A_36 to %scan3A_38 step %scan3A_39  : i32 {
      %mul3A_47 = arith.constant 2 : i32
      %mul3A_48 = arith.muli %scan3A_46, %mul3A_47 : i32
      %add3A_49 = arith.constant 0 : i32
      %add3A_50 = arith.addi %add3A_49, %mul3A_48 : i32
      %add3A_51 = arith.constant 1 : i32
      %add3A_52 = arith.addi %add3A_50, %add3A_51 : i32
      %dma_start3A_53 = arith.constant 0 : i32
      %dma_start3A_54 = tpu.memref_slice %arg6[%add3A_52, %dma_start3A_53] : memref<40x128xi32, #tpu.memory_space<vmem>> -> memref<1x128xi32, #tpu.memory_space<vmem>>
      %dma_start3A_55 = tpu.memref_squeeze %dma_start3A_54 : memref<1x128xi32, #tpu.memory_space<vmem>> -> memref<128xi32, #tpu.memory_space<vmem>>
      %dma_start3A_56 = arith.constant 0 : i32
      %dma_start3A_57 = arith.constant 0 : i32
      %dma_start3A_58 = tpu.memref_slice %arg2[%dma_start3A_56, %dma_start3A_57] : memref<10000x128xf32, #tpu.memory_space<hbm>> -> memref<10000x128xf32, #tpu.memory_space<hbm>>
      tpu.enqueue_indirect_dma source(%dma_start3A_58 : memref<10000x128xf32, #tpu.memory_space<hbm>>) target(%arg9 : memref<128x128xf32, #tpu.memory_space<vmem>>) offsets(%dma_start3A_55 : memref<128xi32, #tpu.memory_space<vmem>>) semaphore(%arg12 : memref<!tpu.dma_semaphore, #tpu.memory_space<semaphore_mem>>)
      %dma_wait3A = arith.constant 0 : i32
      %dma_wait3A_59 = tpu.memref_slice %arg6[%add3A_50, %dma_wait3A] : memref<40x128xi32, #tpu.memory_space<vmem>> -> memref<1x128xi32, #tpu.memory_space<vmem>>
      %dma_wait3A_60 = tpu.memref_squeeze %dma_wait3A_59 : memref<1x128xi32, #tpu.memory_space<vmem>> -> memref<128xi32, #tpu.memory_space<vmem>>
      %dma_wait3A_61 = arith.constant 0 : i32
      %dma_wait3A_62 = arith.constant 0 : i32
      %dma_wait3A_63 = tpu.memref_slice %arg2[%dma_wait3A_61, %dma_wait3A_62] : memref<10000x128xf32, #tpu.memory_space<hbm>> -> memref<10000x128xf32, #tpu.memory_space<hbm>>
      tpu.wait_indirect_dma semaphore(%arg11 : memref<!tpu.dma_semaphore, #tpu.memory_space<semaphore_mem>>) src(%dma_wait3A_63 : memref<10000x128xf32, #tpu.memory_space<hbm>>) dst(%arg8 : memref<128x128xf32, #tpu.memory_space<vmem>>)
      "tpu.region"() ({
        %run_scoped3A = tpu.sem_alloc : memref<!tpu.dma_semaphore, #tpu.memory_space<semaphore_mem>>
        %dma_start3A_78 = arith.constant 0 : i32
        %dma_start3A_79 = tpu.memref_slice %arg7[%add3A_50, %dma_start3A_78] : memref<40x128xi32, #tpu.memory_space<vmem>> -> memref<1x128xi32, #tpu.memory_space<vmem>>
        %dma_start3A_80 = tpu.memref_squeeze %dma_start3A_79 : memref<1x128xi32, #tpu.memory_space<vmem>> -> memref<128xi32, #tpu.memory_space<vmem>>
        %dma_start3A_81 = arith.constant 0 : i32
        %dma_start3A_82 = arith.constant 0 : i32
        %dma_start3A_83 = tpu.memref_slice %arg10[%dma_start3A_81, %dma_start3A_82] : memref<10240x128xf32, #tpu.memory_space<vmem_shared>> -> memref<10240x128xf32, #tpu.memory_space<vmem_shared>>
        tpu.enqueue_indirect_dma source(%arg8 : memref<128x128xf32, #tpu.memory_space<vmem>>) target(%dma_start3A_83 : memref<10240x128xf32, #tpu.memory_space<vmem_shared>>) offsets(%dma_start3A_80 : memref<128xi32, #tpu.memory_space<vmem>>) semaphore(%run_scoped3A : memref<!tpu.dma_semaphore, #tpu.memory_space<semaphore_mem>>) {add = true}
        %dma_wait3A_84 = arith.constant 0 : i32
        %dma_wait3A_85 = tpu.memref_slice %arg7[%add3A_50, %dma_wait3A_84] : memref<40x128xi32, #tpu.memory_space<vmem>> -> memref<1x128xi32, #tpu.memory_space<vmem>>
        %dma_wait3A_86 = tpu.memref_squeeze %dma_wait3A_85 : memref<1x128xi32, #tpu.memory_space<vmem>> -> memref<128xi32, #tpu.memory_space<vmem>>
        %dma_wait3A_87 = arith.constant 0 : i32
        %dma_wait3A_88 = arith.constant 0 : i32
        %dma_wait3A_89 = tpu.memref_slice %arg10[%dma_wait3A_87, %dma_wait3A_88] : memref<10240x128xf32, #tpu.memory_space<vmem_shared>> -> memref<10240x128xf32, #tpu.memory_space<vmem_shared>>
        tpu.wait_indirect_dma semaphore(%run_scoped3A : memref<!tpu.dma_semaphore, #tpu.memory_space<semaphore_mem>>) src(%arg8 : memref<128x128xf32, #tpu.memory_space<vmem>>) dst(%dma_wait3A_89 : memref<10240x128xf32, #tpu.memory_space<vmem_shared>>)
        tpu.yield
      }) : () -> ()
      %add3A_64 = arith.constant 2 : i32
      %add3A_65 = arith.addi %add3A_50, %add3A_64 : i32
      %lt3A = arith.constant 40 : i32
      %lt3A_66 = arith.cmpi slt, %add3A_65, %lt3A : i32
      %convert_element_type3A = arith.extui %lt3A_66 : i1 to i32
      %cond3A = arith.constant 0 : i32
      %cond3A_67 = arith.cmpi ne, %convert_element_type3A, %cond3A : i32
      scf.if %cond3A_67 {
        %add3A_78 = arith.constant 2 : i32
        %add3A_79 = arith.addi %add3A_50, %add3A_78 : i32
        %dma_start3A_80 = arith.constant 0 : i32
        %dma_start3A_81 = tpu.memref_slice %arg6[%add3A_79, %dma_start3A_80] : memref<40x128xi32, #tpu.memory_space<vmem>> -> memref<1x128xi32, #tpu.memory_space<vmem>>
        %dma_start3A_82 = tpu.memref_squeeze %dma_start3A_81 : memref<1x128xi32, #tpu.memory_space<vmem>> -> memref<128xi32, #tpu.memory_space<vmem>>
        %dma_start3A_83 = arith.constant 0 : i32
        %dma_start3A_84 = arith.constant 0 : i32
        %dma_start3A_85 = tpu.memref_slice %arg2[%dma_start3A_83, %dma_start3A_84] : memref<10000x128xf32, #tpu.memory_space<hbm>> -> memref<10000x128xf32, #tpu.memory_space<hbm>>
        tpu.enqueue_indirect_dma source(%dma_start3A_85 : memref<10000x128xf32, #tpu.memory_space<hbm>>) target(%arg8 : memref<128x128xf32, #tpu.memory_space<vmem>>) offsets(%dma_start3A_82 : memref<128xi32, #tpu.memory_space<vmem>>) semaphore(%arg11 : memref<!tpu.dma_semaphore, #tpu.memory_space<semaphore_mem>>)
      } else {
      }
      %add3A_68 = arith.constant 1 : i32
      %add3A_69 = arith.addi %add3A_50, %add3A_68 : i32
      %dma_wait3A_70 = arith.constant 0 : i32
      %dma_wait3A_71 = tpu.memref_slice %arg6[%add3A_69, %dma_wait3A_70] : memref<40x128xi32, #tpu.memory_space<vmem>> -> memref<1x128xi32, #tpu.memory_space<vmem>>
      %dma_wait3A_72 = tpu.memref_squeeze %dma_wait3A_71 : memref<1x128xi32, #tpu.memory_space<vmem>> -> memref<128xi32, #tpu.memory_space<vmem>>
      %dma_wait3A_73 = arith.constant 0 : i32
      %dma_wait3A_74 = arith.constant 0 : i32
      %dma_wait3A_75 = tpu.memref_slice %arg2[%dma_wait3A_73, %dma_wait3A_74] : memref<10000x128xf32, #tpu.memory_space<hbm>> -> memref<10000x128xf32, #tpu.memory_space<hbm>>
      tpu.wait_indirect_dma semaphore(%arg12 : memref<!tpu.dma_semaphore, #tpu.memory_space<semaphore_mem>>) src(%dma_wait3A_75 : memref<10000x128xf32, #tpu.memory_space<hbm>>) dst(%arg9 : memref<128x128xf32, #tpu.memory_space<vmem>>)
      %add3A_76 = arith.constant 1 : i32
      %add3A_77 = arith.addi %add3A_50, %add3A_76 : i32
      "tpu.region"() ({
        %run_scoped3A = tpu.sem_alloc : memref<!tpu.dma_semaphore, #tpu.memory_space<semaphore_mem>>
        %dma_start3A_78 = arith.constant 0 : i32
        %dma_start3A_79 = tpu.memref_slice %arg7[%add3A_77, %dma_start3A_78] : memref<40x128xi32, #tpu.memory_space<vmem>> -> memref<1x128xi32, #tpu.memory_space<vmem>>
        %dma_start3A_80 = tpu.memref_squeeze %dma_start3A_79 : memref<1x128xi32, #tpu.memory_space<vmem>> -> memref<128xi32, #tpu.memory_space<vmem>>
        %dma_start3A_81 = arith.constant 0 : i32
        %dma_start3A_82 = arith.constant 0 : i32
        %dma_start3A_83 = tpu.memref_slice %arg10[%dma_start3A_81, %dma_start3A_82] : memref<10240x128xf32, #tpu.memory_space<vmem_shared>> -> memref<10240x128xf32, #tpu.memory_space<vmem_shared>>
        tpu.enqueue_indirect_dma source(%arg9 : memref<128x128xf32, #tpu.memory_space<vmem>>) target(%dma_start3A_83 : memref<10240x128xf32, #tpu.memory_space<vmem_shared>>) offsets(%dma_start3A_80 : memref<128xi32, #tpu.memory_space<vmem>>) semaphore(%run_scoped3A : memref<!tpu.dma_semaphore, #tpu.memory_space<semaphore_mem>>) {add = true}
        %dma_wait3A_84 = arith.constant 0 : i32
        %dma_wait3A_85 = tpu.memref_slice %arg7[%add3A_77, %dma_wait3A_84] : memref<40x128xi32, #tpu.memory_space<vmem>> -> memref<1x128xi32, #tpu.memory_space<vmem>>
        %dma_wait3A_86 = tpu.memref_squeeze %dma_wait3A_85 : memref<1x128xi32, #tpu.memory_space<vmem>> -> memref<128xi32, #tpu.memory_space<vmem>>
        %dma_wait3A_87 = arith.constant 0 : i32
        %dma_wait3A_88 = arith.constant 0 : i32
        %dma_wait3A_89 = tpu.memref_slice %arg10[%dma_wait3A_87, %dma_wait3A_88] : memref<10240x128xf32, #tpu.memory_space<vmem_shared>> -> memref<10240x128xf32, #tpu.memory_space<vmem_shared>>
        tpu.wait_indirect_dma semaphore(%run_scoped3A : memref<!tpu.dma_semaphore, #tpu.memory_space<semaphore_mem>>) src(%arg9 : memref<128x128xf32, #tpu.memory_space<vmem>>) dst(%dma_wait3A_89 : memref<10240x128xf32, #tpu.memory_space<vmem_shared>>)
        tpu.yield
      }) : () -> ()
    }
    %scan3A_40 = arith.constant 20 : i32
    %barrier3A_41 = arith.constant 0 : index
    tpu.barrier barrier_id(%barrier3A_41)
    %mul3A_42 = arith.constant 640 : i32
    %mul3A_43 = arith.muli %arg1, %mul3A_42 : i32
    %mul3A_44 = arith.constant 640 : i32
    %mul3A_45 = arith.muli %arg1, %mul3A_44 : i32
    "tpu.region"() ({
      %run_scoped3A = tpu.sem_alloc : memref<!tpu.dma_semaphore, #tpu.memory_space<semaphore_mem>>
      %dma_start3A_46 = arith.constant 0 : i32
      %dma_start3A_47 = arith.constant 0 : i32
      %dma_start3A_48 = tpu.memref_slice %arg5[%arg0, %dma_start3A_46, %dma_start3A_47] : memref<2x10240x128xf32, #tpu.memory_space<hbm>> -> memref<1x10240x128xf32, #tpu.memory_space<hbm>>
      %dma_start3A_49 = tpu.memref_squeeze %dma_start3A_48 : memref<1x10240x128xf32, #tpu.memory_space<hbm>> -> memref<10240x128xf32, #tpu.memory_space<hbm>>
      %dma_start3A_50 = arith.constant 0 : i32
      %dma_start3A_51 = tpu.memref_slice %dma_start3A_49[%mul3A_45, %dma_start3A_50] : memref<10240x128xf32, #tpu.memory_space<hbm>> -> memref<640x128xf32, #tpu.memory_space<hbm>>
      %dma_start3A_52 = arith.constant 0 : i32
      %dma_start3A_53 = tpu.memref_slice %arg10[%mul3A_43, %dma_start3A_52] : memref<10240x128xf32, #tpu.memory_space<vmem_shared>> -> memref<640x128xf32, #tpu.memory_space<vmem_shared>>
      tpu.enqueue_dma source(%dma_start3A_53 : memref<640x128xf32, #tpu.memory_space<vmem_shared>>) target(%dma_start3A_51 : memref<640x128xf32, #tpu.memory_space<hbm>>) target_semaphore(%run_scoped3A : memref<!tpu.dma_semaphore, #tpu.memory_space<semaphore_mem>>)
      %dma_wait3A = arith.constant 0 : i32
      %dma_wait3A_54 = arith.constant 0 : i32
      %dma_wait3A_55 = tpu.memref_slice %arg5[%arg0, %dma_wait3A, %dma_wait3A_54] : memref<2x10240x128xf32, #tpu.memory_space<hbm>> -> memref<1x10240x128xf32, #tpu.memory_space<hbm>>
      %dma_wait3A_56 = tpu.memref_squeeze %dma_wait3A_55 : memref<1x10240x128xf32, #tpu.memory_space<hbm>> -> memref<10240x128xf32, #tpu.memory_space<hbm>>
      %dma_wait3A_57 = arith.constant 0 : i32
      %dma_wait3A_58 = tpu.memref_slice %dma_wait3A_56[%mul3A_45, %dma_wait3A_57] : memref<10240x128xf32, #tpu.memory_space<hbm>> -> memref<640x128xf32, #tpu.memory_space<hbm>>
      %dma_wait3A_59 = arith.constant 0 : i32
      %dma_wait3A_60 = tpu.memref_slice %arg10[%mul3A_43, %dma_wait3A_59] : memref<10240x128xf32, #tpu.memory_space<vmem_shared>> -> memref<640x128xf32, #tpu.memory_space<vmem_shared>>
      tpu.wait_dma2 semaphore(%run_scoped3A : memref<!tpu.dma_semaphore, #tpu.memory_space<semaphore_mem>>) src(%dma_wait3A_60 : memref<640x128xf32, #tpu.memory_space<vmem_shared>>) dst(%dma_wait3A_58 : memref<640x128xf32, #tpu.memory_space<hbm>>)
      tpu.yield
    }) : () -> ()
    return
  }
}

#map = affine_map<(d0, d1) -> (0, 0)>
#map1 = affine_map<(d0, d1) -> (0, 0, 0)>
module attributes {stable_mosaic.version = 14 : i64} {
  func.func @_deg_body(%arg0: i32, %arg1: i32, %arg2: memref<2560x128xi32, #tpu.memory_space<hbm>>, %arg3: memref<128x128xf32, #tpu.memory_space<hbm>>, %arg4: memref<2x10240x128xf32, #tpu.memory_space<hbm>>, %arg5: memref<80x128xi32, #tpu.memory_space<vmem>>, %arg6: memref<128x128xf32, #tpu.memory_space<vmem>>, %arg7: memref<40x128xf32, #tpu.memory_space<vmem>>, %arg8: memref<10240x128xf32, #tpu.memory_space<vmem_shared>>, %arg9: memref<!tpu.dma_semaphore, #tpu.memory_space<semaphore_mem>>) attributes {dimension_semantics = [#tpu.dimension_semantics<core_parallel>, #tpu.dimension_semantics<subcore_parallel>], iteration_bounds = array<i64: 2, 16>, scalar_prefetch = 0 : i64, scratch_operands = 5 : i64, tpu.core_type = #tpu.core_type<sc_vector_subcore>, window_params = [{transform_indices = #map}, {transform_indices = #map}, {transform_indices = #map1}]} {
    %mul3A = arith.constant 2 : i32
    %mul3A_0 = arith.muli %arg1, %mul3A : i32
    %add3A = arith.addi %mul3A_0, %arg0 : i32
    %scan3A = arith.constant 0 : i32
    %scan3A_1 = arith.constant 40 : i32
    %scan3A_2 = arith.addi %scan3A, %scan3A_1 : i32
    %scan3A_3 = arith.constant 1 : i32
    scf.for %scan3A_22 = %scan3A to %scan3A_2 step %scan3A_3  : i32 {
      %mul3A_23 = arith.constant 1 : i32
      %mul3A_24 = arith.muli %scan3A_22, %mul3A_23 : i32
      %add3A_25 = arith.constant 0 : i32
      %add3A_26 = arith.addi %add3A_25, %mul3A_24 : i32
      %broadcast_in_dim3A = arith.constant 0.000000e+00 : f32
      %broadcast_in_dim3A_27 = vector.broadcast %broadcast_in_dim3A : f32 to vector<16xf32>
      %swap3A = arith.index_cast %add3A_26 : i32 to index
      %swap3A_28 = arith.constant 0 : index
      %swap3A_29 = tpu.vector_load %arg7[%swap3A, %swap3A_28] {strides = array<i32>} : memref<40x128xf32, #tpu.memory_space<vmem>>, vector<1x16xf32>,
      %swap3A_30 = vector.shape_cast %swap3A_29 : vector<1x16xf32> to vector<16xf32>
      %swap3A_31 = vector.shape_cast %broadcast_in_dim3A_27 : vector<16xf32> to vector<1x16xf32>
      tpu.vector_store %arg7[%swap3A, %swap3A_28], %swap3A_31 {strides = array<i32>} : memref<40x128xf32, #tpu.memory_space<vmem>>, vector<1x16xf32>,
      %broadcast_in_dim3A_32 = arith.constant 0.000000e+00 : f32
      %broadcast_in_dim3A_33 = vector.broadcast %broadcast_in_dim3A_32 : f32 to vector<16xf32>
      %swap3A_34 = arith.index_cast %add3A_26 : i32 to index
      %swap3A_35 = arith.constant 16 : index
      %swap3A_36 = tpu.vector_load %arg7[%swap3A_34, %swap3A_35] {strides = array<i32>} : memref<40x128xf32, #tpu.memory_space<vmem>>, vector<1x16xf32>,
      %swap3A_37 = vector.shape_cast %swap3A_36 : vector<1x16xf32> to vector<16xf32>
      %swap3A_38 = vector.shape_cast %broadcast_in_dim3A_33 : vector<16xf32> to vector<1x16xf32>
      tpu.vector_store %arg7[%swap3A_34, %swap3A_35], %swap3A_38 {strides = array<i32>} : memref<40x128xf32, #tpu.memory_space<vmem>>, vector<1x16xf32>,
      %broadcast_in_dim3A_39 = arith.constant 0.000000e+00 : f32
      %broadcast_in_dim3A_40 = vector.broadcast %broadcast_in_dim3A_39 : f32 to vector<16xf32>
      %swap3A_41 = arith.index_cast %add3A_26 : i32 to index
      %swap3A_42 = arith.constant 32 : index
      %swap3A_43 = tpu.vector_load %arg7[%swap3A_41, %swap3A_42] {strides = array<i32>} : memref<40x128xf32, #tpu.memory_space<vmem>>, vector<1x16xf32>,
      %swap3A_44 = vector.shape_cast %swap3A_43 : vector<1x16xf32> to vector<16xf32>
      %swap3A_45 = vector.shape_cast %broadcast_in_dim3A_40 : vector<16xf32> to vector<1x16xf32>
      tpu.vector_store %arg7[%swap3A_41, %swap3A_42], %swap3A_45 {strides = array<i32>} : memref<40x128xf32, #tpu.memory_space<vmem>>, vector<1x16xf32>,
      %broadcast_in_dim3A_46 = arith.constant 0.000000e+00 : f32
      %broadcast_in_dim3A_47 = vector.broadcast %broadcast_in_dim3A_46 : f32 to vector<16xf32>
      %swap3A_48 = arith.index_cast %add3A_26 : i32 to index
      %swap3A_49 = arith.constant 48 : index
      %swap3A_50 = tpu.vector_load %arg7[%swap3A_48, %swap3A_49] {strides = array<i32>} : memref<40x128xf32, #tpu.memory_space<vmem>>, vector<1x16xf32>,
      %swap3A_51 = vector.shape_cast %swap3A_50 : vector<1x16xf32> to vector<16xf32>
      %swap3A_52 = vector.shape_cast %broadcast_in_dim3A_47 : vector<16xf32> to vector<1x16xf32>
      tpu.vector_store %arg7[%swap3A_48, %swap3A_49], %swap3A_52 {strides = array<i32>} : memref<40x128xf32, #tpu.memory_space<vmem>>, vector<1x16xf32>,
      %broadcast_in_dim3A_53 = arith.constant 0.000000e+00 : f32
      %broadcast_in_dim3A_54 = vector.broadcast %broadcast_in_dim3A_53 : f32 to vector<16xf32>
      %swap3A_55 = arith.index_cast %add3A_26 : i32 to index
      %swap3A_56 = arith.constant 64 : index
      %swap3A_57 = tpu.vector_load %arg7[%swap3A_55, %swap3A_56] {strides = array<i32>} : memref<40x128xf32, #tpu.memory_space<vmem>>, vector<1x16xf32>,
      %swap3A_58 = vector.shape_cast %swap3A_57 : vector<1x16xf32> to vector<16xf32>
      %swap3A_59 = vector.shape_cast %broadcast_in_dim3A_54 : vector<16xf32> to vector<1x16xf32>
      tpu.vector_store %arg7[%swap3A_55, %swap3A_56], %swap3A_59 {strides = array<i32>} : memref<40x128xf32, #tpu.memory_space<vmem>>, vector<1x16xf32>,
      %broadcast_in_dim3A_60 = arith.constant 0.000000e+00 : f32
      %broadcast_in_dim3A_61 = vector.broadcast %broadcast_in_dim3A_60 : f32 to vector<16xf32>
      %swap3A_62 = arith.index_cast %add3A_26 : i32 to index
      %swap3A_63 = arith.constant 80 : index
      %swap3A_64 = tpu.vector_load %arg7[%swap3A_62, %swap3A_63] {strides = array<i32>} : memref<40x128xf32, #tpu.memory_space<vmem>>, vector<1x16xf32>,
      %swap3A_65 = vector.shape_cast %swap3A_64 : vector<1x16xf32> to vector<16xf32>
      %swap3A_66 = vector.shape_cast %broadcast_in_dim3A_61 : vector<16xf32> to vector<1x16xf32>
      tpu.vector_store %arg7[%swap3A_62, %swap3A_63], %swap3A_66 {strides = array<i32>} : memref<40x128xf32, #tpu.memory_space<vmem>>, vector<1x16xf32>,
      %broadcast_in_dim3A_67 = arith.constant 0.000000e+00 : f32
      %broadcast_in_dim3A_68 = vector.broadcast %broadcast_in_dim3A_67 : f32 to vector<16xf32>
      %swap3A_69 = arith.index_cast %add3A_26 : i32 to index
      %swap3A_70 = arith.constant 96 : index
      %swap3A_71 = tpu.vector_load %arg7[%swap3A_69, %swap3A_70] {strides = array<i32>} : memref<40x128xf32, #tpu.memory_space<vmem>>, vector<1x16xf32>,
      %swap3A_72 = vector.shape_cast %swap3A_71 : vector<1x16xf32> to vector<16xf32>
      %swap3A_73 = vector.shape_cast %broadcast_in_dim3A_68 : vector<16xf32> to vector<1x16xf32>
      tpu.vector_store %arg7[%swap3A_69, %swap3A_70], %swap3A_73 {strides = array<i32>} : memref<40x128xf32, #tpu.memory_space<vmem>>, vector<1x16xf32>,
      %broadcast_in_dim3A_74 = arith.constant 0.000000e+00 : f32
      %broadcast_in_dim3A_75 = vector.broadcast %broadcast_in_dim3A_74 : f32 to vector<16xf32>
      %swap3A_76 = arith.index_cast %add3A_26 : i32 to index
      %swap3A_77 = arith.constant 112 : index
      %swap3A_78 = tpu.vector_load %arg7[%swap3A_76, %swap3A_77] {strides = array<i32>} : memref<40x128xf32, #tpu.memory_space<vmem>>, vector<1x16xf32>,
      %swap3A_79 = vector.shape_cast %swap3A_78 : vector<1x16xf32> to vector<16xf32>
      %swap3A_80 = vector.shape_cast %broadcast_in_dim3A_75 : vector<16xf32> to vector<1x16xf32>
      tpu.vector_store %arg7[%swap3A_76, %swap3A_77], %swap3A_80 {strides = array<i32>} : memref<40x128xf32, #tpu.memory_space<vmem>>, vector<1x16xf32>,
    }
    %scan3A_4 = arith.constant 40 : i32
    %scan3A_5 = arith.constant 0 : i32
    %scan3A_6 = arith.constant 16 : i32
    %scan3A_7 = arith.addi %scan3A_5, %scan3A_6 : i32
    %scan3A_8 = arith.constant 1 : i32
    scf.for %scan3A_22 = %scan3A_5 to %scan3A_7 step %scan3A_8  : i32 {
      %mul3A_23 = arith.constant 40 : i32
      %mul3A_24 = arith.muli %scan3A_22, %mul3A_23 : i32
      %add3A_25 = arith.constant 0 : i32
      %add3A_26 = arith.addi %add3A_25, %mul3A_24 : i32
      %mul3A_27 = arith.constant 640 : i32
      %mul3A_28 = arith.muli %arg1, %mul3A_27 : i32
      %add3A_29 = arith.addi %mul3A_28, %add3A_26 : i32
      "tpu.region"() ({
        %run_scoped3A = tpu.sem_alloc : memref<!tpu.dma_semaphore, #tpu.memory_space<semaphore_mem>>
        %dma_start3A = arith.constant 0 : i32
        %dma_start3A_30 = tpu.memref_slice %arg8[%add3A_29, %dma_start3A] : memref<10240x128xf32, #tpu.memory_space<vmem_shared>> -> memref<40x128xf32, #tpu.memory_space<vmem_shared>>
        %dma_start3A_31 = arith.constant 0 : i32
        %dma_start3A_32 = tpu.memref_slice %arg8[%add3A_29, %dma_start3A_31] : memref<10240x128xf32, #tpu.memory_space<vmem_shared>> -> memref<40x128xf32, #tpu.memory_space<vmem_shared>>
        tpu.enqueue_dma source(%arg7 : memref<40x128xf32, #tpu.memory_space<vmem>>) target(%dma_start3A_32 : memref<40x128xf32, #tpu.memory_space<vmem_shared>>) target_semaphore(%run_scoped3A : memref<!tpu.dma_semaphore, #tpu.memory_space<semaphore_mem>>)
        %dma_wait3A = arith.constant 0 : i32
        %dma_wait3A_33 = tpu.memref_slice %arg8[%add3A_29, %dma_wait3A] : memref<10240x128xf32, #tpu.memory_space<vmem_shared>> -> memref<40x128xf32, #tpu.memory_space<vmem_shared>>
        %dma_wait3A_34 = arith.constant 0 : i32
        %dma_wait3A_35 = tpu.memref_slice %arg8[%add3A_29, %dma_wait3A_34] : memref<10240x128xf32, #tpu.memory_space<vmem_shared>> -> memref<40x128xf32, #tpu.memory_space<vmem_shared>>
        tpu.wait_dma2 semaphore(%run_scoped3A : memref<!tpu.dma_semaphore, #tpu.memory_space<semaphore_mem>>) src(%arg7 : memref<40x128xf32, #tpu.memory_space<vmem>>) dst(%dma_wait3A_35 : memref<40x128xf32, #tpu.memory_space<vmem_shared>>)
        tpu.yield
      }) : () -> ()
    }
    %scan3A_9 = arith.constant 16 : i32
    "tpu.region"() ({
      %run_scoped3A = tpu.sem_alloc : memref<!tpu.dma_semaphore, #tpu.memory_space<semaphore_mem>>
      tpu.enqueue_dma source(%arg3 : memref<128x128xf32, #tpu.memory_space<hbm>>) target(%arg6 : memref<128x128xf32, #tpu.memory_space<vmem>>) target_semaphore(%run_scoped3A : memref<!tpu.dma_semaphore, #tpu.memory_space<semaphore_mem>>)
      tpu.wait_dma2 semaphore(%run_scoped3A : memref<!tpu.dma_semaphore, #tpu.memory_space<semaphore_mem>>) src(%arg3 : memref<128x128xf32, #tpu.memory_space<hbm>>) dst(%arg6 : memref<128x128xf32, #tpu.memory_space<vmem>>)
      tpu.yield
    }) : () -> ()
    %barrier3A = arith.constant 0 : index
    tpu.barrier barrier_id(%barrier3A)
    %mul3A_10 = arith.constant 80 : i32
    %mul3A_11 = arith.muli %add3A, %mul3A_10 : i32
    "tpu.region"() ({
      %run_scoped3A = tpu.sem_alloc : memref<!tpu.dma_semaphore, #tpu.memory_space<semaphore_mem>>
      %dma_start3A = arith.constant 0 : i32
      %dma_start3A_22 = tpu.memref_slice %arg2[%mul3A_11, %dma_start3A] : memref<2560x128xi32, #tpu.memory_space<hbm>> -> memref<80x128xi32, #tpu.memory_space<hbm>>
      %dma_start3A_23 = arith.constant 0 : i32
      %dma_start3A_24 = tpu.memref_slice %arg2[%mul3A_11, %dma_start3A_23] : memref<2560x128xi32, #tpu.memory_space<hbm>> -> memref<80x128xi32, #tpu.memory_space<hbm>>
      tpu.enqueue_dma source(%dma_start3A_24 : memref<80x128xi32, #tpu.memory_space<hbm>>) target(%arg5 : memref<80x128xi32, #tpu.memory_space<vmem>>) target_semaphore(%run_scoped3A : memref<!tpu.dma_semaphore, #tpu.memory_space<semaphore_mem>>)
      %dma_wait3A = arith.constant 0 : i32
      %dma_wait3A_25 = tpu.memref_slice %arg2[%mul3A_11, %dma_wait3A] : memref<2560x128xi32, #tpu.memory_space<hbm>> -> memref<80x128xi32, #tpu.memory_space<hbm>>
      %dma_wait3A_26 = arith.constant 0 : i32
      %dma_wait3A_27 = tpu.memref_slice %arg2[%mul3A_11, %dma_wait3A_26] : memref<2560x128xi32, #tpu.memory_space<hbm>> -> memref<80x128xi32, #tpu.memory_space<hbm>>
      tpu.wait_dma2 semaphore(%run_scoped3A : memref<!tpu.dma_semaphore, #tpu.memory_space<semaphore_mem>>) src(%dma_wait3A_27 : memref<80x128xi32, #tpu.memory_space<hbm>>) dst(%arg5 : memref<80x128xi32, #tpu.memory_space<vmem>>)
      tpu.yield
    }) : () -> ()
    %scan3A_12 = arith.constant 0 : i32
    %scan3A_13 = arith.constant 80 : i32
    %scan3A_14 = arith.addi %scan3A_12, %scan3A_13 : i32
    %scan3A_15 = arith.constant 1 : i32
    scf.for %scan3A_22 = %scan3A_12 to %scan3A_14 step %scan3A_15  : i32 {
      %mul3A_23 = arith.constant 1 : i32
      %mul3A_24 = arith.muli %scan3A_22, %mul3A_23 : i32
      %add3A_25 = arith.constant 0 : i32
      %add3A_26 = arith.addi %add3A_25, %mul3A_24 : i32
      "tpu.region"() ({
        %run_scoped3A = tpu.sem_alloc : memref<!tpu.dma_semaphore, #tpu.memory_space<semaphore_mem>>
        %dma_start3A = arith.constant 0 : i32
        %dma_start3A_27 = tpu.memref_slice %arg5[%add3A_26, %dma_start3A] : memref<80x128xi32, #tpu.memory_space<vmem>> -> memref<1x128xi32, #tpu.memory_space<vmem>>
        %dma_start3A_28 = tpu.memref_squeeze %dma_start3A_27 : memref<1x128xi32, #tpu.memory_space<vmem>> -> memref<128xi32, #tpu.memory_space<vmem>>
        %dma_start3A_29 = arith.constant 0 : i32
        %dma_start3A_30 = arith.constant 0 : i32
        %dma_start3A_31 = tpu.memref_slice %arg8[%dma_start3A_29, %dma_start3A_30] : memref<10240x128xf32, #tpu.memory_space<vmem_shared>> -> memref<10240x128xf32, #tpu.memory_space<vmem_shared>>
        tpu.enqueue_indirect_dma source(%arg6 : memref<128x128xf32, #tpu.memory_space<vmem>>) target(%dma_start3A_31 : memref<10240x128xf32, #tpu.memory_space<vmem_shared>>) offsets(%dma_start3A_28 : memref<128xi32, #tpu.memory_space<vmem>>) semaphore(%run_scoped3A : memref<!tpu.dma_semaphore, #tpu.memory_space<semaphore_mem>>) {add = true}
        %dma_wait3A = arith.constant 0 : i32
        %dma_wait3A_32 = tpu.memref_slice %arg5[%add3A_26, %dma_wait3A] : memref<80x128xi32, #tpu.memory_space<vmem>> -> memref<1x128xi32, #tpu.memory_space<vmem>>
        %dma_wait3A_33 = tpu.memref_squeeze %dma_wait3A_32 : memref<1x128xi32, #tpu.memory_space<vmem>> -> memref<128xi32, #tpu.memory_space<vmem>>
        %dma_wait3A_34 = arith.constant 0 : i32
        %dma_wait3A_35 = arith.constant 0 : i32
        %dma_wait3A_36 = tpu.memref_slice %arg8[%dma_wait3A_34, %dma_wait3A_35] : memref<10240x128xf32, #tpu.memory_space<vmem_shared>> -> memref<10240x128xf32, #tpu.memory_space<vmem_shared>>
        tpu.wait_indirect_dma semaphore(%run_scoped3A : memref<!tpu.dma_semaphore, #tpu.memory_space<semaphore_mem>>) src(%arg6 : memref<128x128xf32, #tpu.memory_space<vmem>>) dst(%dma_wait3A_36 : memref<10240x128xf32, #tpu.memory_space<vmem_shared>>)
        tpu.yield
      }) : () -> ()
    }
    %scan3A_16 = arith.constant 80 : i32
    %barrier3A_17 = arith.constant 0 : index
    tpu.barrier barrier_id(%barrier3A_17)
    %mul3A_18 = arith.constant 640 : i32
    %mul3A_19 = arith.muli %arg1, %mul3A_18 : i32
    %mul3A_20 = arith.constant 640 : i32
    %mul3A_21 = arith.muli %arg1, %mul3A_20 : i32
    "tpu.region"() ({
      %run_scoped3A = tpu.sem_alloc : memref<!tpu.dma_semaphore, #tpu.memory_space<semaphore_mem>>
      %dma_start3A = arith.constant 0 : i32
      %dma_start3A_22 = arith.constant 0 : i32
      %dma_start3A_23 = tpu.memref_slice %arg4[%arg0, %dma_start3A, %dma_start3A_22] : memref<2x10240x128xf32, #tpu.memory_space<hbm>> -> memref<1x10240x128xf32, #tpu.memory_space<hbm>>
      %dma_start3A_24 = tpu.memref_squeeze %dma_start3A_23 : memref<1x10240x128xf32, #tpu.memory_space<hbm>> -> memref<10240x128xf32, #tpu.memory_space<hbm>>
      %dma_start3A_25 = arith.constant 0 : i32
      %dma_start3A_26 = tpu.memref_slice %dma_start3A_24[%mul3A_21, %dma_start3A_25] : memref<10240x128xf32, #tpu.memory_space<hbm>> -> memref<640x128xf32, #tpu.memory_space<hbm>>
      %dma_start3A_27 = arith.constant 0 : i32
      %dma_start3A_28 = tpu.memref_slice %arg8[%mul3A_19, %dma_start3A_27] : memref<10240x128xf32, #tpu.memory_space<vmem_shared>> -> memref<640x128xf32, #tpu.memory_space<vmem_shared>>
      tpu.enqueue_dma source(%dma_start3A_28 : memref<640x128xf32, #tpu.memory_space<vmem_shared>>) target(%dma_start3A_26 : memref<640x128xf32, #tpu.memory_space<hbm>>) target_semaphore(%run_scoped3A : memref<!tpu.dma_semaphore, #tpu.memory_space<semaphore_mem>>)
      %dma_wait3A = arith.constant 0 : i32
      %dma_wait3A_29 = arith.constant 0 : i32
      %dma_wait3A_30 = tpu.memref_slice %arg4[%arg0, %dma_wait3A, %dma_wait3A_29] : memref<2x10240x128xf32, #tpu.memory_space<hbm>> -> memref<1x10240x128xf32, #tpu.memory_space<hbm>>
      %dma_wait3A_31 = tpu.memref_squeeze %dma_wait3A_30 : memref<1x10240x128xf32, #tpu.memory_space<hbm>> -> memref<10240x128xf32, #tpu.memory_space<hbm>>
      %dma_wait3A_32 = arith.constant 0 : i32
      %dma_wait3A_33 = tpu.memref_slice %dma_wait3A_31[%mul3A_21, %dma_wait3A_32] : memref<10240x128xf32, #tpu.memory_space<hbm>> -> memref<640x128xf32, #tpu.memory_space<hbm>>
      %dma_wait3A_34 = arith.constant 0 : i32
      %dma_wait3A_35 = tpu.memref_slice %arg8[%mul3A_19, %dma_wait3A_34] : memref<10240x128xf32, #tpu.memory_space<vmem_shared>> -> memref<640x128xf32, #tpu.memory_space<vmem_shared>>
      tpu.wait_dma2 semaphore(%run_scoped3A : memref<!tpu.dma_semaphore, #tpu.memory_space<semaphore_mem>>) src(%dma_wait3A_35 : memref<640x128xf32, #tpu.memory_space<vmem_shared>>) dst(%dma_wait3A_33 : memref<640x128xf32, #tpu.memory_space<hbm>>)
      tpu.yield
    }) : () -> ()
    return
  }
}

#map = affine_map<(d0, d1) -> (0, 0)>
#map1 = affine_map<(d0, d1) -> (0, 0, 0)>
module attributes {stable_mosaic.version = 14 : i64} {
  func.func @_mp_body(%arg0: i32, %arg1: i32, %arg2: memref<10000x128xf32, #tpu.memory_space<hbm>>, %arg3: memref<2560x128xi32, #tpu.memory_space<hbm>>, %arg4: memref<2560x128xi32, #tpu.memory_space<hbm>>, %arg5: memref<2x10240x128xf32, #tpu.memory_space<hbm>>, %arg6: memref<40x128xi32, #tpu.memory_space<vmem>>, %arg7: memref<40x128xi32, #tpu.memory_space<vmem>>, %arg8: memref<128x128xf32, #tpu.memory_space<vmem>>, %arg9: memref<128x128xf32, #tpu.memory_space<vmem>>, %arg10: memref<10240x128xf32, #tpu.memory_space<vmem_shared>>, %arg11: memref<!tpu.dma_semaphore, #tpu.memory_space<semaphore_mem>>, %arg12: memref<!tpu.dma_semaphore, #tpu.memory_space<semaphore_mem>>) attributes {dimension_semantics = [#tpu.dimension_semantics<core_parallel>, #tpu.dimension_semantics<subcore_parallel>], iteration_bounds = array<i64: 2, 16>, scalar_prefetch = 0 : i64, scratch_operands = 7 : i64, tpu.core_type = #tpu.core_type<sc_vector_subcore>, window_params = [{transform_indices = #map}, {transform_indices = #map}, {transform_indices = #map}, {transform_indices = #map1}]} {
    %mul3A = arith.constant 2 : i32
    %mul3A_0 = arith.muli %arg1, %mul3A : i32
    %add3A = arith.addi %mul3A_0, %arg0 : i32
    %scan3A = arith.constant 0 : i32
    %scan3A_1 = arith.constant 128 : i32
    %scan3A_2 = arith.addi %scan3A, %scan3A_1 : i32
    %scan3A_3 = arith.constant 1 : i32
    scf.for %scan3A_46 = %scan3A to %scan3A_2 step %scan3A_3  : i32 {
      %mul3A_47 = arith.constant 1 : i32
      %mul3A_48 = arith.muli %scan3A_46, %mul3A_47 : i32
      %add3A_49 = arith.constant 0 : i32
      %add3A_50 = arith.addi %add3A_49, %mul3A_48 : i32
      %broadcast_in_dim3A = arith.constant 0.000000e+00 : f32
      %broadcast_in_dim3A_51 = vector.broadcast %broadcast_in_dim3A : f32 to vector<16xf32>
      %swap3A = arith.index_cast %add3A_50 : i32 to index
      %swap3A_52 = arith.constant 0 : index
      %swap3A_53 = tpu.vector_load %arg8[%swap3A, %swap3A_52] {strides = array<i32>} : memref<128x128xf32, #tpu.memory_space<vmem>>, vector<1x16xf32>,
      %swap3A_54 = vector.shape_cast %swap3A_53 : vector<1x16xf32> to vector<16xf32>
      %swap3A_55 = vector.shape_cast %broadcast_in_dim3A_51 : vector<16xf32> to vector<1x16xf32>
      tpu.vector_store %arg8[%swap3A, %swap3A_52], %swap3A_55 {strides = array<i32>} : memref<128x128xf32, #tpu.memory_space<vmem>>, vector<1x16xf32>,
      %broadcast_in_dim3A_56 = arith.constant 0.000000e+00 : f32
      %broadcast_in_dim3A_57 = vector.broadcast %broadcast_in_dim3A_56 : f32 to vector<16xf32>
      %swap3A_58 = arith.index_cast %add3A_50 : i32 to index
      %swap3A_59 = arith.constant 16 : index
      %swap3A_60 = tpu.vector_load %arg8[%swap3A_58, %swap3A_59] {strides = array<i32>} : memref<128x128xf32, #tpu.memory_space<vmem>>, vector<1x16xf32>,
      %swap3A_61 = vector.shape_cast %swap3A_60 : vector<1x16xf32> to vector<16xf32>
      %swap3A_62 = vector.shape_cast %broadcast_in_dim3A_57 : vector<16xf32> to vector<1x16xf32>
      tpu.vector_store %arg8[%swap3A_58, %swap3A_59], %swap3A_62 {strides = array<i32>} : memref<128x128xf32, #tpu.memory_space<vmem>>, vector<1x16xf32>,
      %broadcast_in_dim3A_63 = arith.constant 0.000000e+00 : f32
      %broadcast_in_dim3A_64 = vector.broadcast %broadcast_in_dim3A_63 : f32 to vector<16xf32>
      %swap3A_65 = arith.index_cast %add3A_50 : i32 to index
      %swap3A_66 = arith.constant 32 : index
      %swap3A_67 = tpu.vector_load %arg8[%swap3A_65, %swap3A_66] {strides = array<i32>} : memref<128x128xf32, #tpu.memory_space<vmem>>, vector<1x16xf32>,
      %swap3A_68 = vector.shape_cast %swap3A_67 : vector<1x16xf32> to vector<16xf32>
      %swap3A_69 = vector.shape_cast %broadcast_in_dim3A_64 : vector<16xf32> to vector<1x16xf32>
      tpu.vector_store %arg8[%swap3A_65, %swap3A_66], %swap3A_69 {strides = array<i32>} : memref<128x128xf32, #tpu.memory_space<vmem>>, vector<1x16xf32>,
      %broadcast_in_dim3A_70 = arith.constant 0.000000e+00 : f32
      %broadcast_in_dim3A_71 = vector.broadcast %broadcast_in_dim3A_70 : f32 to vector<16xf32>
      %swap3A_72 = arith.index_cast %add3A_50 : i32 to index
      %swap3A_73 = arith.constant 48 : index
      %swap3A_74 = tpu.vector_load %arg8[%swap3A_72, %swap3A_73] {strides = array<i32>} : memref<128x128xf32, #tpu.memory_space<vmem>>, vector<1x16xf32>,
      %swap3A_75 = vector.shape_cast %swap3A_74 : vector<1x16xf32> to vector<16xf32>
      %swap3A_76 = vector.shape_cast %broadcast_in_dim3A_71 : vector<16xf32> to vector<1x16xf32>
      tpu.vector_store %arg8[%swap3A_72, %swap3A_73], %swap3A_76 {strides = array<i32>} : memref<128x128xf32, #tpu.memory_space<vmem>>, vector<1x16xf32>,
      %broadcast_in_dim3A_77 = arith.constant 0.000000e+00 : f32
      %broadcast_in_dim3A_78 = vector.broadcast %broadcast_in_dim3A_77 : f32 to vector<16xf32>
      %swap3A_79 = arith.index_cast %add3A_50 : i32 to index
      %swap3A_80 = arith.constant 64 : index
      %swap3A_81 = tpu.vector_load %arg8[%swap3A_79, %swap3A_80] {strides = array<i32>} : memref<128x128xf32, #tpu.memory_space<vmem>>, vector<1x16xf32>,
      %swap3A_82 = vector.shape_cast %swap3A_81 : vector<1x16xf32> to vector<16xf32>
      %swap3A_83 = vector.shape_cast %broadcast_in_dim3A_78 : vector<16xf32> to vector<1x16xf32>
      tpu.vector_store %arg8[%swap3A_79, %swap3A_80], %swap3A_83 {strides = array<i32>} : memref<128x128xf32, #tpu.memory_space<vmem>>, vector<1x16xf32>,
      %broadcast_in_dim3A_84 = arith.constant 0.000000e+00 : f32
      %broadcast_in_dim3A_85 = vector.broadcast %broadcast_in_dim3A_84 : f32 to vector<16xf32>
      %swap3A_86 = arith.index_cast %add3A_50 : i32 to index
      %swap3A_87 = arith.constant 80 : index
      %swap3A_88 = tpu.vector_load %arg8[%swap3A_86, %swap3A_87] {strides = array<i32>} : memref<128x128xf32, #tpu.memory_space<vmem>>, vector<1x16xf32>,
      %swap3A_89 = vector.shape_cast %swap3A_88 : vector<1x16xf32> to vector<16xf32>
      %swap3A_90 = vector.shape_cast %broadcast_in_dim3A_85 : vector<16xf32> to vector<1x16xf32>
      tpu.vector_store %arg8[%swap3A_86, %swap3A_87], %swap3A_90 {strides = array<i32>} : memref<128x128xf32, #tpu.memory_space<vmem>>, vector<1x16xf32>,
      %broadcast_in_dim3A_91 = arith.constant 0.000000e+00 : f32
      %broadcast_in_dim3A_92 = vector.broadcast %broadcast_in_dim3A_91 : f32 to vector<16xf32>
      %swap3A_93 = arith.index_cast %add3A_50 : i32 to index
      %swap3A_94 = arith.constant 96 : index
      %swap3A_95 = tpu.vector_load %arg8[%swap3A_93, %swap3A_94] {strides = array<i32>} : memref<128x128xf32, #tpu.memory_space<vmem>>, vector<1x16xf32>,
      %swap3A_96 = vector.shape_cast %swap3A_95 : vector<1x16xf32> to vector<16xf32>
      %swap3A_97 = vector.shape_cast %broadcast_in_dim3A_92 : vector<16xf32> to vector<1x16xf32>
      tpu.vector_store %arg8[%swap3A_93, %swap3A_94], %swap3A_97 {strides = array<i32>} : memref<128x128xf32, #tpu.memory_space<vmem>>, vector<1x16xf32>,
      %broadcast_in_dim3A_98 = arith.constant 0.000000e+00 : f32
      %broadcast_in_dim3A_99 = vector.broadcast %broadcast_in_dim3A_98 : f32 to vector<16xf32>
      %swap3A_100 = arith.index_cast %add3A_50 : i32 to index
      %swap3A_101 = arith.constant 112 : index
      %swap3A_102 = tpu.vector_load %arg8[%swap3A_100, %swap3A_101] {strides = array<i32>} : memref<128x128xf32, #tpu.memory_space<vmem>>, vector<1x16xf32>,
      %swap3A_103 = vector.shape_cast %swap3A_102 : vector<1x16xf32> to vector<16xf32>
      %swap3A_104 = vector.shape_cast %broadcast_in_dim3A_99 : vector<16xf32> to vector<1x16xf32>
      tpu.vector_store %arg8[%swap3A_100, %swap3A_101], %swap3A_104 {strides = array<i32>} : memref<128x128xf32, #tpu.memory_space<vmem>>, vector<1x16xf32>,
    }
    %scan3A_4 = arith.constant 128 : i32
    %scan3A_5 = arith.constant 0 : i32
    %scan3A_6 = arith.constant 5 : i32
    %scan3A_7 = arith.addi %scan3A_5, %scan3A_6 : i32
    %scan3A_8 = arith.constant 1 : i32
    scf.for %scan3A_46 = %scan3A_5 to %scan3A_7 step %scan3A_8  : i32 {
      %mul3A_47 = arith.constant 128 : i32
      %mul3A_48 = arith.muli %scan3A_46, %mul3A_47 : i32
      %add3A_49 = arith.constant 0 : i32
      %add3A_50 = arith.addi %add3A_49, %mul3A_48 : i32
      %mul3A_51 = arith.constant 640 : i32
      %mul3A_52 = arith.muli %arg1, %mul3A_51 : i32
      %add3A_53 = arith.addi %mul3A_52, %add3A_50 : i32
      "tpu.region"() ({
        %run_scoped3A = tpu.sem_alloc : memref<!tpu.dma_semaphore, #tpu.memory_space<semaphore_mem>>
        %dma_start3A_54 = arith.constant 0 : i32
        %dma_start3A_55 = tpu.memref_slice %arg10[%add3A_53, %dma_start3A_54] : memref<10240x128xf32, #tpu.memory_space<vmem_shared>> -> memref<128x128xf32, #tpu.memory_space<vmem_shared>>
        %dma_start3A_56 = arith.constant 0 : i32
        %dma_start3A_57 = tpu.memref_slice %arg10[%add3A_53, %dma_start3A_56] : memref<10240x128xf32, #tpu.memory_space<vmem_shared>> -> memref<128x128xf32, #tpu.memory_space<vmem_shared>>
        tpu.enqueue_dma source(%arg8 : memref<128x128xf32, #tpu.memory_space<vmem>>) target(%dma_start3A_57 : memref<128x128xf32, #tpu.memory_space<vmem_shared>>) target_semaphore(%run_scoped3A : memref<!tpu.dma_semaphore, #tpu.memory_space<semaphore_mem>>)
        %dma_wait3A = arith.constant 0 : i32
        %dma_wait3A_58 = tpu.memref_slice %arg10[%add3A_53, %dma_wait3A] : memref<10240x128xf32, #tpu.memory_space<vmem_shared>> -> memref<128x128xf32, #tpu.memory_space<vmem_shared>>
        %dma_wait3A_59 = arith.constant 0 : i32
        %dma_wait3A_60 = tpu.memref_slice %arg10[%add3A_53, %dma_wait3A_59] : memref<10240x128xf32, #tpu.memory_space<vmem_shared>> -> memref<128x128xf32, #tpu.memory_space<vmem_shared>>
        tpu.wait_dma2 semaphore(%run_scoped3A : memref<!tpu.dma_semaphore, #tpu.memory_space<semaphore_mem>>) src(%arg8 : memref<128x128xf32, #tpu.memory_space<vmem>>) dst(%dma_wait3A_60 : memref<128x128xf32, #tpu.memory_space<vmem_shared>>)
        tpu.yield
      }) : () -> ()
    }
    %scan3A_9 = arith.constant 5 : i32
    %barrier3A = arith.constant 0 : index
    tpu.barrier barrier_id(%barrier3A)
    %mul3A_10 = arith.constant 80 : i32
    %mul3A_11 = arith.muli %add3A, %mul3A_10 : i32
    %add3A_12 = arith.constant 0 : i32
    %add3A_13 = arith.addi %mul3A_11, %add3A_12 : i32
    "tpu.region"() ({
      %run_scoped3A = tpu.sem_alloc : memref<!tpu.dma_semaphore, #tpu.memory_space<semaphore_mem>>
      %dma_start3A_46 = arith.constant 0 : i32
      %dma_start3A_47 = tpu.memref_slice %arg3[%add3A_13, %dma_start3A_46] : memref<2560x128xi32, #tpu.memory_space<hbm>> -> memref<40x128xi32, #tpu.memory_space<hbm>>
      %dma_start3A_48 = arith.constant 0 : i32
      %dma_start3A_49 = tpu.memref_slice %arg3[%add3A_13, %dma_start3A_48] : memref<2560x128xi32, #tpu.memory_space<hbm>> -> memref<40x128xi32, #tpu.memory_space<hbm>>
      tpu.enqueue_dma source(%dma_start3A_49 : memref<40x128xi32, #tpu.memory_space<hbm>>) target(%arg6 : memref<40x128xi32, #tpu.memory_space<vmem>>) target_semaphore(%run_scoped3A : memref<!tpu.dma_semaphore, #tpu.memory_space<semaphore_mem>>)
      %dma_wait3A = arith.constant 0 : i32
      %dma_wait3A_50 = tpu.memref_slice %arg3[%add3A_13, %dma_wait3A] : memref<2560x128xi32, #tpu.memory_space<hbm>> -> memref<40x128xi32, #tpu.memory_space<hbm>>
      %dma_wait3A_51 = arith.constant 0 : i32
      %dma_wait3A_52 = tpu.memref_slice %arg3[%add3A_13, %dma_wait3A_51] : memref<2560x128xi32, #tpu.memory_space<hbm>> -> memref<40x128xi32, #tpu.memory_space<hbm>>
      tpu.wait_dma2 semaphore(%run_scoped3A : memref<!tpu.dma_semaphore, #tpu.memory_space<semaphore_mem>>) src(%dma_wait3A_52 : memref<40x128xi32, #tpu.memory_space<hbm>>) dst(%arg6 : memref<40x128xi32, #tpu.memory_space<vmem>>)
      tpu.yield
    }) : () -> ()
    "tpu.region"() ({
      %run_scoped3A = tpu.sem_alloc : memref<!tpu.dma_semaphore, #tpu.memory_space<semaphore_mem>>
      %dma_start3A_46 = arith.constant 0 : i32
      %dma_start3A_47 = tpu.memref_slice %arg4[%add3A_13, %dma_start3A_46] : memref<2560x128xi32, #tpu.memory_space<hbm>> -> memref<40x128xi32, #tpu.memory_space<hbm>>
      %dma_start3A_48 = arith.constant 0 : i32
      %dma_start3A_49 = tpu.memref_slice %arg4[%add3A_13, %dma_start3A_48] : memref<2560x128xi32, #tpu.memory_space<hbm>> -> memref<40x128xi32, #tpu.memory_space<hbm>>
      tpu.enqueue_dma source(%dma_start3A_49 : memref<40x128xi32, #tpu.memory_space<hbm>>) target(%arg7 : memref<40x128xi32, #tpu.memory_space<vmem>>) target_semaphore(%run_scoped3A : memref<!tpu.dma_semaphore, #tpu.memory_space<semaphore_mem>>)
      %dma_wait3A = arith.constant 0 : i32
      %dma_wait3A_50 = tpu.memref_slice %arg4[%add3A_13, %dma_wait3A] : memref<2560x128xi32, #tpu.memory_space<hbm>> -> memref<40x128xi32, #tpu.memory_space<hbm>>
      %dma_wait3A_51 = arith.constant 0 : i32
      %dma_wait3A_52 = tpu.memref_slice %arg4[%add3A_13, %dma_wait3A_51] : memref<2560x128xi32, #tpu.memory_space<hbm>> -> memref<40x128xi32, #tpu.memory_space<hbm>>
      tpu.wait_dma2 semaphore(%run_scoped3A : memref<!tpu.dma_semaphore, #tpu.memory_space<semaphore_mem>>) src(%dma_wait3A_52 : memref<40x128xi32, #tpu.memory_space<hbm>>) dst(%arg7 : memref<40x128xi32, #tpu.memory_space<vmem>>)
      tpu.yield
    }) : () -> ()
    %dma_start3A = arith.constant 0 : i32
    %dma_start3A_14 = arith.constant 0 : i32
    %dma_start3A_15 = tpu.memref_slice %arg6[%dma_start3A, %dma_start3A_14] : memref<40x128xi32, #tpu.memory_space<vmem>> -> memref<1x128xi32, #tpu.memory_space<vmem>>
    %dma_start3A_16 = tpu.memref_squeeze %dma_start3A_15 : memref<1x128xi32, #tpu.memory_space<vmem>> -> memref<128xi32, #tpu.memory_space<vmem>>
    %dma_start3A_17 = arith.constant 0 : i32
    %dma_start3A_18 = arith.constant 0 : i32
    %dma_start3A_19 = tpu.memref_slice %arg2[%dma_start3A_17, %dma_start3A_18] : memref<10000x128xf32, #tpu.memory_space<hbm>> -> memref<10000x128xf32, #tpu.memory_space<hbm>>
    tpu.enqueue_indirect_dma source(%dma_start3A_19 : memref<10000x128xf32, #tpu.memory_space<hbm>>) target(%arg8 : memref<128x128xf32, #tpu.memory_space<vmem>>) offsets(%dma_start3A_16 : memref<128xi32, #tpu.memory_space<vmem>>) semaphore(%arg11 : memref<!tpu.dma_semaphore, #tpu.memory_space<semaphore_mem>>)
    %scan3A_20 = arith.constant 0 : i32
    %scan3A_21 = arith.constant 20 : i32
    %scan3A_22 = arith.addi %scan3A_20, %scan3A_21 : i32
    %scan3A_23 = arith.constant 1 : i32
    scf.for %scan3A_46 = %scan3A_20 to %scan3A_22 step %scan3A_23  : i32 {
      %mul3A_47 = arith.constant 2 : i32
      %mul3A_48 = arith.muli %scan3A_46, %mul3A_47 : i32
      %add3A_49 = arith.constant 0 : i32
      %add3A_50 = arith.addi %add3A_49, %mul3A_48 : i32
      %add3A_51 = arith.constant 1 : i32
      %add3A_52 = arith.addi %add3A_50, %add3A_51 : i32
      %dma_start3A_53 = arith.constant 0 : i32
      %dma_start3A_54 = tpu.memref_slice %arg6[%add3A_52, %dma_start3A_53] : memref<40x128xi32, #tpu.memory_space<vmem>> -> memref<1x128xi32, #tpu.memory_space<vmem>>
      %dma_start3A_55 = tpu.memref_squeeze %dma_start3A_54 : memref<1x128xi32, #tpu.memory_space<vmem>> -> memref<128xi32, #tpu.memory_space<vmem>>
      %dma_start3A_56 = arith.constant 0 : i32
      %dma_start3A_57 = arith.constant 0 : i32
      %dma_start3A_58 = tpu.memref_slice %arg2[%dma_start3A_56, %dma_start3A_57] : memref<10000x128xf32, #tpu.memory_space<hbm>> -> memref<10000x128xf32, #tpu.memory_space<hbm>>
      tpu.enqueue_indirect_dma source(%dma_start3A_58 : memref<10000x128xf32, #tpu.memory_space<hbm>>) target(%arg9 : memref<128x128xf32, #tpu.memory_space<vmem>>) offsets(%dma_start3A_55 : memref<128xi32, #tpu.memory_space<vmem>>) semaphore(%arg12 : memref<!tpu.dma_semaphore, #tpu.memory_space<semaphore_mem>>)
      %dma_wait3A = arith.constant 0 : i32
      %dma_wait3A_59 = tpu.memref_slice %arg6[%add3A_50, %dma_wait3A] : memref<40x128xi32, #tpu.memory_space<vmem>> -> memref<1x128xi32, #tpu.memory_space<vmem>>
      %dma_wait3A_60 = tpu.memref_squeeze %dma_wait3A_59 : memref<1x128xi32, #tpu.memory_space<vmem>> -> memref<128xi32, #tpu.memory_space<vmem>>
      %dma_wait3A_61 = arith.constant 0 : i32
      %dma_wait3A_62 = arith.constant 0 : i32
      %dma_wait3A_63 = tpu.memref_slice %arg2[%dma_wait3A_61, %dma_wait3A_62] : memref<10000x128xf32, #tpu.memory_space<hbm>> -> memref<10000x128xf32, #tpu.memory_space<hbm>>
      tpu.wait_indirect_dma semaphore(%arg11 : memref<!tpu.dma_semaphore, #tpu.memory_space<semaphore_mem>>) src(%dma_wait3A_63 : memref<10000x128xf32, #tpu.memory_space<hbm>>) dst(%arg8 : memref<128x128xf32, #tpu.memory_space<vmem>>)
      "tpu.region"() ({
        %run_scoped3A = tpu.sem_alloc : memref<!tpu.dma_semaphore, #tpu.memory_space<semaphore_mem>>
        %dma_start3A_78 = arith.constant 0 : i32
        %dma_start3A_79 = tpu.memref_slice %arg7[%add3A_50, %dma_start3A_78] : memref<40x128xi32, #tpu.memory_space<vmem>> -> memref<1x128xi32, #tpu.memory_space<vmem>>
        %dma_start3A_80 = tpu.memref_squeeze %dma_start3A_79 : memref<1x128xi32, #tpu.memory_space<vmem>> -> memref<128xi32, #tpu.memory_space<vmem>>
        %dma_start3A_81 = arith.constant 0 : i32
        %dma_start3A_82 = arith.constant 0 : i32
        %dma_start3A_83 = tpu.memref_slice %arg10[%dma_start3A_81, %dma_start3A_82] : memref<10240x128xf32, #tpu.memory_space<vmem_shared>> -> memref<10240x128xf32, #tpu.memory_space<vmem_shared>>
        tpu.enqueue_indirect_dma source(%arg8 : memref<128x128xf32, #tpu.memory_space<vmem>>) target(%dma_start3A_83 : memref<10240x128xf32, #tpu.memory_space<vmem_shared>>) offsets(%dma_start3A_80 : memref<128xi32, #tpu.memory_space<vmem>>) semaphore(%run_scoped3A : memref<!tpu.dma_semaphore, #tpu.memory_space<semaphore_mem>>) {add = true}
        %dma_wait3A_84 = arith.constant 0 : i32
        %dma_wait3A_85 = tpu.memref_slice %arg7[%add3A_50, %dma_wait3A_84] : memref<40x128xi32, #tpu.memory_space<vmem>> -> memref<1x128xi32, #tpu.memory_space<vmem>>
        %dma_wait3A_86 = tpu.memref_squeeze %dma_wait3A_85 : memref<1x128xi32, #tpu.memory_space<vmem>> -> memref<128xi32, #tpu.memory_space<vmem>>
        %dma_wait3A_87 = arith.constant 0 : i32
        %dma_wait3A_88 = arith.constant 0 : i32
        %dma_wait3A_89 = tpu.memref_slice %arg10[%dma_wait3A_87, %dma_wait3A_88] : memref<10240x128xf32, #tpu.memory_space<vmem_shared>> -> memref<10240x128xf32, #tpu.memory_space<vmem_shared>>
        tpu.wait_indirect_dma semaphore(%run_scoped3A : memref<!tpu.dma_semaphore, #tpu.memory_space<semaphore_mem>>) src(%arg8 : memref<128x128xf32, #tpu.memory_space<vmem>>) dst(%dma_wait3A_89 : memref<10240x128xf32, #tpu.memory_space<vmem_shared>>)
        tpu.yield
      }) : () -> ()
      %add3A_64 = arith.constant 2 : i32
      %add3A_65 = arith.addi %add3A_50, %add3A_64 : i32
      %lt3A = arith.constant 40 : i32
      %lt3A_66 = arith.cmpi slt, %add3A_65, %lt3A : i32
      %convert_element_type3A = arith.extui %lt3A_66 : i1 to i32
      %cond3A = arith.constant 0 : i32
      %cond3A_67 = arith.cmpi ne, %convert_element_type3A, %cond3A : i32
      scf.if %cond3A_67 {
        %add3A_78 = arith.constant 2 : i32
        %add3A_79 = arith.addi %add3A_50, %add3A_78 : i32
        %dma_start3A_80 = arith.constant 0 : i32
        %dma_start3A_81 = tpu.memref_slice %arg6[%add3A_79, %dma_start3A_80] : memref<40x128xi32, #tpu.memory_space<vmem>> -> memref<1x128xi32, #tpu.memory_space<vmem>>
        %dma_start3A_82 = tpu.memref_squeeze %dma_start3A_81 : memref<1x128xi32, #tpu.memory_space<vmem>> -> memref<128xi32, #tpu.memory_space<vmem>>
        %dma_start3A_83 = arith.constant 0 : i32
        %dma_start3A_84 = arith.constant 0 : i32
        %dma_start3A_85 = tpu.memref_slice %arg2[%dma_start3A_83, %dma_start3A_84] : memref<10000x128xf32, #tpu.memory_space<hbm>> -> memref<10000x128xf32, #tpu.memory_space<hbm>>
        tpu.enqueue_indirect_dma source(%dma_start3A_85 : memref<10000x128xf32, #tpu.memory_space<hbm>>) target(%arg8 : memref<128x128xf32, #tpu.memory_space<vmem>>) offsets(%dma_start3A_82 : memref<128xi32, #tpu.memory_space<vmem>>) semaphore(%arg11 : memref<!tpu.dma_semaphore, #tpu.memory_space<semaphore_mem>>)
      } else {
      }
      %add3A_68 = arith.constant 1 : i32
      %add3A_69 = arith.addi %add3A_50, %add3A_68 : i32
      %dma_wait3A_70 = arith.constant 0 : i32
      %dma_wait3A_71 = tpu.memref_slice %arg6[%add3A_69, %dma_wait3A_70] : memref<40x128xi32, #tpu.memory_space<vmem>> -> memref<1x128xi32, #tpu.memory_space<vmem>>
      %dma_wait3A_72 = tpu.memref_squeeze %dma_wait3A_71 : memref<1x128xi32, #tpu.memory_space<vmem>> -> memref<128xi32, #tpu.memory_space<vmem>>
      %dma_wait3A_73 = arith.constant 0 : i32
      %dma_wait3A_74 = arith.constant 0 : i32
      %dma_wait3A_75 = tpu.memref_slice %arg2[%dma_wait3A_73, %dma_wait3A_74] : memref<10000x128xf32, #tpu.memory_space<hbm>> -> memref<10000x128xf32, #tpu.memory_space<hbm>>
      tpu.wait_indirect_dma semaphore(%arg12 : memref<!tpu.dma_semaphore, #tpu.memory_space<semaphore_mem>>) src(%dma_wait3A_75 : memref<10000x128xf32, #tpu.memory_space<hbm>>) dst(%arg9 : memref<128x128xf32, #tpu.memory_space<vmem>>)
      %add3A_76 = arith.constant 1 : i32
      %add3A_77 = arith.addi %add3A_50, %add3A_76 : i32
      "tpu.region"() ({
        %run_scoped3A = tpu.sem_alloc : memref<!tpu.dma_semaphore, #tpu.memory_space<semaphore_mem>>
        %dma_start3A_78 = arith.constant 0 : i32
        %dma_start3A_79 = tpu.memref_slice %arg7[%add3A_77, %dma_start3A_78] : memref<40x128xi32, #tpu.memory_space<vmem>> -> memref<1x128xi32, #tpu.memory_space<vmem>>
        %dma_start3A_80 = tpu.memref_squeeze %dma_start3A_79 : memref<1x128xi32, #tpu.memory_space<vmem>> -> memref<128xi32, #tpu.memory_space<vmem>>
        %dma_start3A_81 = arith.constant 0 : i32
        %dma_start3A_82 = arith.constant 0 : i32
        %dma_start3A_83 = tpu.memref_slice %arg10[%dma_start3A_81, %dma_start3A_82] : memref<10240x128xf32, #tpu.memory_space<vmem_shared>> -> memref<10240x128xf32, #tpu.memory_space<vmem_shared>>
        tpu.enqueue_indirect_dma source(%arg9 : memref<128x128xf32, #tpu.memory_space<vmem>>) target(%dma_start3A_83 : memref<10240x128xf32, #tpu.memory_space<vmem_shared>>) offsets(%dma_start3A_80 : memref<128xi32, #tpu.memory_space<vmem>>) semaphore(%run_scoped3A : memref<!tpu.dma_semaphore, #tpu.memory_space<semaphore_mem>>) {add = true}
        %dma_wait3A_84 = arith.constant 0 : i32
        %dma_wait3A_85 = tpu.memref_slice %arg7[%add3A_77, %dma_wait3A_84] : memref<40x128xi32, #tpu.memory_space<vmem>> -> memref<1x128xi32, #tpu.memory_space<vmem>>
        %dma_wait3A_86 = tpu.memref_squeeze %dma_wait3A_85 : memref<1x128xi32, #tpu.memory_space<vmem>> -> memref<128xi32, #tpu.memory_space<vmem>>
        %dma_wait3A_87 = arith.constant 0 : i32
        %dma_wait3A_88 = arith.constant 0 : i32
        %dma_wait3A_89 = tpu.memref_slice %arg10[%dma_wait3A_87, %dma_wait3A_88] : memref<10240x128xf32, #tpu.memory_space<vmem_shared>> -> memref<10240x128xf32, #tpu.memory_space<vmem_shared>>
        tpu.wait_indirect_dma semaphore(%run_scoped3A : memref<!tpu.dma_semaphore, #tpu.memory_space<semaphore_mem>>) src(%arg9 : memref<128x128xf32, #tpu.memory_space<vmem>>) dst(%dma_wait3A_89 : memref<10240x128xf32, #tpu.memory_space<vmem_shared>>)
        tpu.yield
      }) : () -> ()
    }
    %scan3A_24 = arith.constant 20 : i32
    %mul3A_25 = arith.constant 80 : i32
    %mul3A_26 = arith.muli %add3A, %mul3A_25 : i32
    %add3A_27 = arith.constant 40 : i32
    %add3A_28 = arith.addi %mul3A_26, %add3A_27 : i32
    "tpu.region"() ({
      %run_scoped3A = tpu.sem_alloc : memref<!tpu.dma_semaphore, #tpu.memory_space<semaphore_mem>>
      %dma_start3A_46 = arith.constant 0 : i32
      %dma_start3A_47 = tpu.memref_slice %arg3[%add3A_28, %dma_start3A_46] : memref<2560x128xi32, #tpu.memory_space<hbm>> -> memref<40x128xi32, #tpu.memory_space<hbm>>
      %dma_start3A_48 = arith.constant 0 : i32
      %dma_start3A_49 = tpu.memref_slice %arg3[%add3A_28, %dma_start3A_48] : memref<2560x128xi32, #tpu.memory_space<hbm>> -> memref<40x128xi32, #tpu.memory_space<hbm>>
      tpu.enqueue_dma source(%dma_start3A_49 : memref<40x128xi32, #tpu.memory_space<hbm>>) target(%arg6 : memref<40x128xi32, #tpu.memory_space<vmem>>) target_semaphore(%run_scoped3A : memref<!tpu.dma_semaphore, #tpu.memory_space<semaphore_mem>>)
      %dma_wait3A = arith.constant 0 : i32
      %dma_wait3A_50 = tpu.memref_slice %arg3[%add3A_28, %dma_wait3A] : memref<2560x128xi32, #tpu.memory_space<hbm>> -> memref<40x128xi32, #tpu.memory_space<hbm>>
      %dma_wait3A_51 = arith.constant 0 : i32
      %dma_wait3A_52 = tpu.memref_slice %arg3[%add3A_28, %dma_wait3A_51] : memref<2560x128xi32, #tpu.memory_space<hbm>> -> memref<40x128xi32, #tpu.memory_space<hbm>>
      tpu.wait_dma2 semaphore(%run_scoped3A : memref<!tpu.dma_semaphore, #tpu.memory_space<semaphore_mem>>) src(%dma_wait3A_52 : memref<40x128xi32, #tpu.memory_space<hbm>>) dst(%arg6 : memref<40x128xi32, #tpu.memory_space<vmem>>)
      tpu.yield
    }) : () -> ()
    "tpu.region"() ({
      %run_scoped3A = tpu.sem_alloc : memref<!tpu.dma_semaphore, #tpu.memory_space<semaphore_mem>>
      %dma_start3A_46 = arith.constant 0 : i32
      %dma_start3A_47 = tpu.memref_slice %arg4[%add3A_28, %dma_start3A_46] : memref<2560x128xi32, #tpu.memory_space<hbm>> -> memref<40x128xi32, #tpu.memory_space<hbm>>
      %dma_start3A_48 = arith.constant 0 : i32
      %dma_start3A_49 = tpu.memref_slice %arg4[%add3A_28, %dma_start3A_48] : memref<2560x128xi32, #tpu.memory_space<hbm>> -> memref<40x128xi32, #tpu.memory_space<hbm>>
      tpu.enqueue_dma source(%dma_start3A_49 : memref<40x128xi32, #tpu.memory_space<hbm>>) target(%arg7 : memref<40x128xi32, #tpu.memory_space<vmem>>) target_semaphore(%run_scoped3A : memref<!tpu.dma_semaphore, #tpu.memory_space<semaphore_mem>>)
      %dma_wait3A = arith.constant 0 : i32
      %dma_wait3A_50 = tpu.memref_slice %arg4[%add3A_28, %dma_wait3A] : memref<2560x128xi32, #tpu.memory_space<hbm>> -> memref<40x128xi32, #tpu.memory_space<hbm>>
      %dma_wait3A_51 = arith.constant 0 : i32
      %dma_wait3A_52 = tpu.memref_slice %arg4[%add3A_28, %dma_wait3A_51] : memref<2560x128xi32, #tpu.memory_space<hbm>> -> memref<40x128xi32, #tpu.memory_space<hbm>>
      tpu.wait_dma2 semaphore(%run_scoped3A : memref<!tpu.dma_semaphore, #tpu.memory_space<semaphore_mem>>) src(%dma_wait3A_52 : memref<40x128xi32, #tpu.memory_space<hbm>>) dst(%arg7 : memref<40x128xi32, #tpu.memory_space<vmem>>)
      tpu.yield
    }) : () -> ()
    %dma_start3A_29 = arith.constant 0 : i32
    %dma_start3A_30 = arith.constant 0 : i32
    %dma_start3A_31 = tpu.memref_slice %arg6[%dma_start3A_29, %dma_start3A_30] : memref<40x128xi32, #tpu.memory_space<vmem>> -> memref<1x128xi32, #tpu.memory_space<vmem>>
    %dma_start3A_32 = tpu.memref_squeeze %dma_start3A_31 : memref<1x128xi32, #tpu.memory_space<vmem>> -> memref<128xi32, #tpu.memory_space<vmem>>
    %dma_start3A_33 = arith.constant 0 : i32
    %dma_start3A_34 = arith.constant 0 : i32
    %dma_start3A_35 = tpu.memref_slice %arg2[%dma_start3A_33, %dma_start3A_34] : memref<10000x128xf32, #tpu.memory_space<hbm>> -> memref<10000x128xf32, #tpu.memory_space<hbm>>
    tpu.enqueue_indirect_dma source(%dma_start3A_35 : memref<10000x128xf32, #tpu.memory_space<hbm>>) target(%arg8 : memref<128x128xf32, #tpu.memory_space<vmem>>) offsets(%dma_start3A_32 : memref<128xi32, #tpu.memory_space<vmem>>) semaphore(%arg11 : memref<!tpu.dma_semaphore, #tpu.memory_space<semaphore_mem>>)
    %scan3A_36 = arith.constant 0 : i32
    %scan3A_37 = arith.constant 20 : i32
    %scan3A_38 = arith.addi %scan3A_36, %scan3A_37 : i32
    %scan3A_39 = arith.constant 1 : i32
    scf.for %scan3A_46 = %scan3A_36 to %scan3A_38 step %scan3A_39  : i32 {
      %mul3A_47 = arith.constant 2 : i32
      %mul3A_48 = arith.muli %scan3A_46, %mul3A_47 : i32
      %add3A_49 = arith.constant 0 : i32
      %add3A_50 = arith.addi %add3A_49, %mul3A_48 : i32
      %add3A_51 = arith.constant 1 : i32
      %add3A_52 = arith.addi %add3A_50, %add3A_51 : i32
      %dma_start3A_53 = arith.constant 0 : i32
      %dma_start3A_54 = tpu.memref_slice %arg6[%add3A_52, %dma_start3A_53] : memref<40x128xi32, #tpu.memory_space<vmem>> -> memref<1x128xi32, #tpu.memory_space<vmem>>
      %dma_start3A_55 = tpu.memref_squeeze %dma_start3A_54 : memref<1x128xi32, #tpu.memory_space<vmem>> -> memref<128xi32, #tpu.memory_space<vmem>>
      %dma_start3A_56 = arith.constant 0 : i32
      %dma_start3A_57 = arith.constant 0 : i32
      %dma_start3A_58 = tpu.memref_slice %arg2[%dma_start3A_56, %dma_start3A_57] : memref<10000x128xf32, #tpu.memory_space<hbm>> -> memref<10000x128xf32, #tpu.memory_space<hbm>>
      tpu.enqueue_indirect_dma source(%dma_start3A_58 : memref<10000x128xf32, #tpu.memory_space<hbm>>) target(%arg9 : memref<128x128xf32, #tpu.memory_space<vmem>>) offsets(%dma_start3A_55 : memref<128xi32, #tpu.memory_space<vmem>>) semaphore(%arg12 : memref<!tpu.dma_semaphore, #tpu.memory_space<semaphore_mem>>)
      %dma_wait3A = arith.constant 0 : i32
      %dma_wait3A_59 = tpu.memref_slice %arg6[%add3A_50, %dma_wait3A] : memref<40x128xi32, #tpu.memory_space<vmem>> -> memref<1x128xi32, #tpu.memory_space<vmem>>
      %dma_wait3A_60 = tpu.memref_squeeze %dma_wait3A_59 : memref<1x128xi32, #tpu.memory_space<vmem>> -> memref<128xi32, #tpu.memory_space<vmem>>
      %dma_wait3A_61 = arith.constant 0 : i32
      %dma_wait3A_62 = arith.constant 0 : i32
      %dma_wait3A_63 = tpu.memref_slice %arg2[%dma_wait3A_61, %dma_wait3A_62] : memref<10000x128xf32, #tpu.memory_space<hbm>> -> memref<10000x128xf32, #tpu.memory_space<hbm>>
      tpu.wait_indirect_dma semaphore(%arg11 : memref<!tpu.dma_semaphore, #tpu.memory_space<semaphore_mem>>) src(%dma_wait3A_63 : memref<10000x128xf32, #tpu.memory_space<hbm>>) dst(%arg8 : memref<128x128xf32, #tpu.memory_space<vmem>>)
      "tpu.region"() ({
        %run_scoped3A = tpu.sem_alloc : memref<!tpu.dma_semaphore, #tpu.memory_space<semaphore_mem>>
        %dma_start3A_78 = arith.constant 0 : i32
        %dma_start3A_79 = tpu.memref_slice %arg7[%add3A_50, %dma_start3A_78] : memref<40x128xi32, #tpu.memory_space<vmem>> -> memref<1x128xi32, #tpu.memory_space<vmem>>
        %dma_start3A_80 = tpu.memref_squeeze %dma_start3A_79 : memref<1x128xi32, #tpu.memory_space<vmem>> -> memref<128xi32, #tpu.memory_space<vmem>>
        %dma_start3A_81 = arith.constant 0 : i32
        %dma_start3A_82 = arith.constant 0 : i32
        %dma_start3A_83 = tpu.memref_slice %arg10[%dma_start3A_81, %dma_start3A_82] : memref<10240x128xf32, #tpu.memory_space<vmem_shared>> -> memref<10240x128xf32, #tpu.memory_space<vmem_shared>>
        tpu.enqueue_indirect_dma source(%arg8 : memref<128x128xf32, #tpu.memory_space<vmem>>) target(%dma_start3A_83 : memref<10240x128xf32, #tpu.memory_space<vmem_shared>>) offsets(%dma_start3A_80 : memref<128xi32, #tpu.memory_space<vmem>>) semaphore(%run_scoped3A : memref<!tpu.dma_semaphore, #tpu.memory_space<semaphore_mem>>) {add = true}
        %dma_wait3A_84 = arith.constant 0 : i32
        %dma_wait3A_85 = tpu.memref_slice %arg7[%add3A_50, %dma_wait3A_84] : memref<40x128xi32, #tpu.memory_space<vmem>> -> memref<1x128xi32, #tpu.memory_space<vmem>>
        %dma_wait3A_86 = tpu.memref_squeeze %dma_wait3A_85 : memref<1x128xi32, #tpu.memory_space<vmem>> -> memref<128xi32, #tpu.memory_space<vmem>>
        %dma_wait3A_87 = arith.constant 0 : i32
        %dma_wait3A_88 = arith.constant 0 : i32
        %dma_wait3A_89 = tpu.memref_slice %arg10[%dma_wait3A_87, %dma_wait3A_88] : memref<10240x128xf32, #tpu.memory_space<vmem_shared>> -> memref<10240x128xf32, #tpu.memory_space<vmem_shared>>
        tpu.wait_indirect_dma semaphore(%run_scoped3A : memref<!tpu.dma_semaphore, #tpu.memory_space<semaphore_mem>>) src(%arg8 : memref<128x128xf32, #tpu.memory_space<vmem>>) dst(%dma_wait3A_89 : memref<10240x128xf32, #tpu.memory_space<vmem_shared>>)
        tpu.yield
      }) : () -> ()
      %add3A_64 = arith.constant 2 : i32
      %add3A_65 = arith.addi %add3A_50, %add3A_64 : i32
      %lt3A = arith.constant 40 : i32
      %lt3A_66 = arith.cmpi slt, %add3A_65, %lt3A : i32
      %convert_element_type3A = arith.extui %lt3A_66 : i1 to i32
      %cond3A = arith.constant 0 : i32
      %cond3A_67 = arith.cmpi ne, %convert_element_type3A, %cond3A : i32
      scf.if %cond3A_67 {
        %add3A_78 = arith.constant 2 : i32
        %add3A_79 = arith.addi %add3A_50, %add3A_78 : i32
        %dma_start3A_80 = arith.constant 0 : i32
        %dma_start3A_81 = tpu.memref_slice %arg6[%add3A_79, %dma_start3A_80] : memref<40x128xi32, #tpu.memory_space<vmem>> -> memref<1x128xi32, #tpu.memory_space<vmem>>
        %dma_start3A_82 = tpu.memref_squeeze %dma_start3A_81 : memref<1x128xi32, #tpu.memory_space<vmem>> -> memref<128xi32, #tpu.memory_space<vmem>>
        %dma_start3A_83 = arith.constant 0 : i32
        %dma_start3A_84 = arith.constant 0 : i32
        %dma_start3A_85 = tpu.memref_slice %arg2[%dma_start3A_83, %dma_start3A_84] : memref<10000x128xf32, #tpu.memory_space<hbm>> -> memref<10000x128xf32, #tpu.memory_space<hbm>>
        tpu.enqueue_indirect_dma source(%dma_start3A_85 : memref<10000x128xf32, #tpu.memory_space<hbm>>) target(%arg8 : memref<128x128xf32, #tpu.memory_space<vmem>>) offsets(%dma_start3A_82 : memref<128xi32, #tpu.memory_space<vmem>>) semaphore(%arg11 : memref<!tpu.dma_semaphore, #tpu.memory_space<semaphore_mem>>)
      } else {
      }
      %add3A_68 = arith.constant 1 : i32
      %add3A_69 = arith.addi %add3A_50, %add3A_68 : i32
      %dma_wait3A_70 = arith.constant 0 : i32
      %dma_wait3A_71 = tpu.memref_slice %arg6[%add3A_69, %dma_wait3A_70] : memref<40x128xi32, #tpu.memory_space<vmem>> -> memref<1x128xi32, #tpu.memory_space<vmem>>
      %dma_wait3A_72 = tpu.memref_squeeze %dma_wait3A_71 : memref<1x128xi32, #tpu.memory_space<vmem>> -> memref<128xi32, #tpu.memory_space<vmem>>
      %dma_wait3A_73 = arith.constant 0 : i32
      %dma_wait3A_74 = arith.constant 0 : i32
      %dma_wait3A_75 = tpu.memref_slice %arg2[%dma_wait3A_73, %dma_wait3A_74] : memref<10000x128xf32, #tpu.memory_space<hbm>> -> memref<10000x128xf32, #tpu.memory_space<hbm>>
      tpu.wait_indirect_dma semaphore(%arg12 : memref<!tpu.dma_semaphore, #tpu.memory_space<semaphore_mem>>) src(%dma_wait3A_75 : memref<10000x128xf32, #tpu.memory_space<hbm>>) dst(%arg9 : memref<128x128xf32, #tpu.memory_space<vmem>>)
      %add3A_76 = arith.constant 1 : i32
      %add3A_77 = arith.addi %add3A_50, %add3A_76 : i32
      "tpu.region"() ({
        %run_scoped3A = tpu.sem_alloc : memref<!tpu.dma_semaphore, #tpu.memory_space<semaphore_mem>>
        %dma_start3A_78 = arith.constant 0 : i32
        %dma_start3A_79 = tpu.memref_slice %arg7[%add3A_77, %dma_start3A_78] : memref<40x128xi32, #tpu.memory_space<vmem>> -> memref<1x128xi32, #tpu.memory_space<vmem>>
        %dma_start3A_80 = tpu.memref_squeeze %dma_start3A_79 : memref<1x128xi32, #tpu.memory_space<vmem>> -> memref<128xi32, #tpu.memory_space<vmem>>
        %dma_start3A_81 = arith.constant 0 : i32
        %dma_start3A_82 = arith.constant 0 : i32
        %dma_start3A_83 = tpu.memref_slice %arg10[%dma_start3A_81, %dma_start3A_82] : memref<10240x128xf32, #tpu.memory_space<vmem_shared>> -> memref<10240x128xf32, #tpu.memory_space<vmem_shared>>
        tpu.enqueue_indirect_dma source(%arg9 : memref<128x128xf32, #tpu.memory_space<vmem>>) target(%dma_start3A_83 : memref<10240x128xf32, #tpu.memory_space<vmem_shared>>) offsets(%dma_start3A_80 : memref<128xi32, #tpu.memory_space<vmem>>) semaphore(%run_scoped3A : memref<!tpu.dma_semaphore, #tpu.memory_space<semaphore_mem>>) {add = true}
        %dma_wait3A_84 = arith.constant 0 : i32
        %dma_wait3A_85 = tpu.memref_slice %arg7[%add3A_77, %dma_wait3A_84] : memref<40x128xi32, #tpu.memory_space<vmem>> -> memref<1x128xi32, #tpu.memory_space<vmem>>
        %dma_wait3A_86 = tpu.memref_squeeze %dma_wait3A_85 : memref<1x128xi32, #tpu.memory_space<vmem>> -> memref<128xi32, #tpu.memory_space<vmem>>
        %dma_wait3A_87 = arith.constant 0 : i32
        %dma_wait3A_88 = arith.constant 0 : i32
        %dma_wait3A_89 = tpu.memref_slice %arg10[%dma_wait3A_87, %dma_wait3A_88] : memref<10240x128xf32, #tpu.memory_space<vmem_shared>> -> memref<10240x128xf32, #tpu.memory_space<vmem_shared>>
        tpu.wait_indirect_dma semaphore(%run_scoped3A : memref<!tpu.dma_semaphore, #tpu.memory_space<semaphore_mem>>) src(%arg9 : memref<128x128xf32, #tpu.memory_space<vmem>>) dst(%dma_wait3A_89 : memref<10240x128xf32, #tpu.memory_space<vmem_shared>>)
        tpu.yield
      }) : () -> ()
    }
    %scan3A_40 = arith.constant 20 : i32
    %barrier3A_41 = arith.constant 0 : index
    tpu.barrier barrier_id(%barrier3A_41)
    %mul3A_42 = arith.constant 640 : i32
    %mul3A_43 = arith.muli %arg1, %mul3A_42 : i32
    %mul3A_44 = arith.constant 640 : i32
    %mul3A_45 = arith.muli %arg1, %mul3A_44 : i32
    "tpu.region"() ({
      %run_scoped3A = tpu.sem_alloc : memref<!tpu.dma_semaphore, #tpu.memory_space<semaphore_mem>>
      %dma_start3A_46 = arith.constant 0 : i32
      %dma_start3A_47 = arith.constant 0 : i32
      %dma_start3A_48 = tpu.memref_slice %arg5[%arg0, %dma_start3A_46, %dma_start3A_47] : memref<2x10240x128xf32, #tpu.memory_space<hbm>> -> memref<1x10240x128xf32, #tpu.memory_space<hbm>>
      %dma_start3A_49 = tpu.memref_squeeze %dma_start3A_48 : memref<1x10240x128xf32, #tpu.memory_space<hbm>> -> memref<10240x128xf32, #tpu.memory_space<hbm>>
      %dma_start3A_50 = arith.constant 0 : i32
      %dma_start3A_51 = tpu.memref_slice %dma_start3A_49[%mul3A_45, %dma_start3A_50] : memref<10240x128xf32, #tpu.memory_space<hbm>> -> memref<640x128xf32, #tpu.memory_space<hbm>>
      %dma_start3A_52 = arith.constant 0 : i32
      %dma_start3A_53 = tpu.memref_slice %arg10[%mul3A_43, %dma_start3A_52] : memref<10240x128xf32, #tpu.memory_space<vmem_shared>> -> memref<640x128xf32, #tpu.memory_space<vmem_shared>>
      tpu.enqueue_dma source(%dma_start3A_53 : memref<640x128xf32, #tpu.memory_space<vmem_shared>>) target(%dma_start3A_51 : memref<640x128xf32, #tpu.memory_space<hbm>>) target_semaphore(%run_scoped3A : memref<!tpu.dma_semaphore, #tpu.memory_space<semaphore_mem>>)
      %dma_wait3A = arith.constant 0 : i32
      %dma_wait3A_54 = arith.constant 0 : i32
      %dma_wait3A_55 = tpu.memref_slice %arg5[%arg0, %dma_wait3A, %dma_wait3A_54] : memref<2x10240x128xf32, #tpu.memory_space<hbm>> -> memref<1x10240x128xf32, #tpu.memory_space<hbm>>
      %dma_wait3A_56 = tpu.memref_squeeze %dma_wait3A_55 : memref<1x10240x128xf32, #tpu.memory_space<hbm>> -> memref<10240x128xf32, #tpu.memory_space<hbm>>
      %dma_wait3A_57 = arith.constant 0 : i32
      %dma_wait3A_58 = tpu.memref_slice %dma_wait3A_56[%mul3A_45, %dma_wait3A_57] : memref<10240x128xf32, #tpu.memory_space<hbm>> -> memref<640x128xf32, #tpu.memory_space<hbm>>
      %dma_wait3A_59 = arith.constant 0 : i32
      %dma_wait3A_60 = tpu.memref_slice %arg10[%mul3A_43, %dma_wait3A_59] : memref<10240x128xf32, #tpu.memory_space<vmem_shared>> -> memref<640x128xf32, #tpu.memory_space<vmem_shared>>
      tpu.wait_dma2 semaphore(%run_scoped3A : memref<!tpu.dma_semaphore, #tpu.memory_space<semaphore_mem>>) src(%dma_wait3A_60 : memref<640x128xf32, #tpu.memory_space<vmem_shared>>) dst(%dma_wait3A_58 : memref<640x128xf32, #tpu.memory_space<hbm>>)
      tpu.yield
    }) : () -> ()
    return
  }
}

#map = affine_map<(d0, d1) -> (0, 0)>
#map1 = affine_map<(d0, d1) -> (0, 0, 0)>
module attributes {stable_mosaic.version = 14 : i64} {
  func.func @_mp_body(%arg0: i32, %arg1: i32, %arg2: memref<10000x128xf32, #tpu.memory_space<hbm>>, %arg3: memref<2560x128xi32, #tpu.memory_space<hbm>>, %arg4: memref<2560x128xi32, #tpu.memory_space<hbm>>, %arg5: memref<2x10240x128xf32, #tpu.memory_space<hbm>>, %arg6: memref<40x128xi32, #tpu.memory_space<vmem>>, %arg7: memref<40x128xi32, #tpu.memory_space<vmem>>, %arg8: memref<128x128xf32, #tpu.memory_space<vmem>>, %arg9: memref<128x128xf32, #tpu.memory_space<vmem>>, %arg10: memref<10240x128xf32, #tpu.memory_space<vmem_shared>>, %arg11: memref<!tpu.dma_semaphore, #tpu.memory_space<semaphore_mem>>, %arg12: memref<!tpu.dma_semaphore, #tpu.memory_space<semaphore_mem>>) attributes {dimension_semantics = [#tpu.dimension_semantics<core_parallel>, #tpu.dimension_semantics<subcore_parallel>], iteration_bounds = array<i64: 2, 16>, scalar_prefetch = 0 : i64, scratch_operands = 7 : i64, tpu.core_type = #tpu.core_type<sc_vector_subcore>, window_params = [{transform_indices = #map}, {transform_indices = #map}, {transform_indices = #map}, {transform_indices = #map1}]} {
    %mul3A = arith.constant 2 : i32
    %mul3A_0 = arith.muli %arg1, %mul3A : i32
    %add3A = arith.addi %mul3A_0, %arg0 : i32
    %scan3A = arith.constant 0 : i32
    %scan3A_1 = arith.constant 128 : i32
    %scan3A_2 = arith.addi %scan3A, %scan3A_1 : i32
    %scan3A_3 = arith.constant 1 : i32
    scf.for %scan3A_46 = %scan3A to %scan3A_2 step %scan3A_3  : i32 {
      %mul3A_47 = arith.constant 1 : i32
      %mul3A_48 = arith.muli %scan3A_46, %mul3A_47 : i32
      %add3A_49 = arith.constant 0 : i32
      %add3A_50 = arith.addi %add3A_49, %mul3A_48 : i32
      %broadcast_in_dim3A = arith.constant 0.000000e+00 : f32
      %broadcast_in_dim3A_51 = vector.broadcast %broadcast_in_dim3A : f32 to vector<16xf32>
      %swap3A = arith.index_cast %add3A_50 : i32 to index
      %swap3A_52 = arith.constant 0 : index
      %swap3A_53 = tpu.vector_load %arg8[%swap3A, %swap3A_52] {strides = array<i32>} : memref<128x128xf32, #tpu.memory_space<vmem>>, vector<1x16xf32>,
      %swap3A_54 = vector.shape_cast %swap3A_53 : vector<1x16xf32> to vector<16xf32>
      %swap3A_55 = vector.shape_cast %broadcast_in_dim3A_51 : vector<16xf32> to vector<1x16xf32>
      tpu.vector_store %arg8[%swap3A, %swap3A_52], %swap3A_55 {strides = array<i32>} : memref<128x128xf32, #tpu.memory_space<vmem>>, vector<1x16xf32>,
      %broadcast_in_dim3A_56 = arith.constant 0.000000e+00 : f32
      %broadcast_in_dim3A_57 = vector.broadcast %broadcast_in_dim3A_56 : f32 to vector<16xf32>
      %swap3A_58 = arith.index_cast %add3A_50 : i32 to index
      %swap3A_59 = arith.constant 16 : index
      %swap3A_60 = tpu.vector_load %arg8[%swap3A_58, %swap3A_59] {strides = array<i32>} : memref<128x128xf32, #tpu.memory_space<vmem>>, vector<1x16xf32>,
      %swap3A_61 = vector.shape_cast %swap3A_60 : vector<1x16xf32> to vector<16xf32>
      %swap3A_62 = vector.shape_cast %broadcast_in_dim3A_57 : vector<16xf32> to vector<1x16xf32>
      tpu.vector_store %arg8[%swap3A_58, %swap3A_59], %swap3A_62 {strides = array<i32>} : memref<128x128xf32, #tpu.memory_space<vmem>>, vector<1x16xf32>,
      %broadcast_in_dim3A_63 = arith.constant 0.000000e+00 : f32
      %broadcast_in_dim3A_64 = vector.broadcast %broadcast_in_dim3A_63 : f32 to vector<16xf32>
      %swap3A_65 = arith.index_cast %add3A_50 : i32 to index
      %swap3A_66 = arith.constant 32 : index
      %swap3A_67 = tpu.vector_load %arg8[%swap3A_65, %swap3A_66] {strides = array<i32>} : memref<128x128xf32, #tpu.memory_space<vmem>>, vector<1x16xf32>,
      %swap3A_68 = vector.shape_cast %swap3A_67 : vector<1x16xf32> to vector<16xf32>
      %swap3A_69 = vector.shape_cast %broadcast_in_dim3A_64 : vector<16xf32> to vector<1x16xf32>
      tpu.vector_store %arg8[%swap3A_65, %swap3A_66], %swap3A_69 {strides = array<i32>} : memref<128x128xf32, #tpu.memory_space<vmem>>, vector<1x16xf32>,
      %broadcast_in_dim3A_70 = arith.constant 0.000000e+00 : f32
      %broadcast_in_dim3A_71 = vector.broadcast %broadcast_in_dim3A_70 : f32 to vector<16xf32>
      %swap3A_72 = arith.index_cast %add3A_50 : i32 to index
      %swap3A_73 = arith.constant 48 : index
      %swap3A_74 = tpu.vector_load %arg8[%swap3A_72, %swap3A_73] {strides = array<i32>} : memref<128x128xf32, #tpu.memory_space<vmem>>, vector<1x16xf32>,
      %swap3A_75 = vector.shape_cast %swap3A_74 : vector<1x16xf32> to vector<16xf32>
      %swap3A_76 = vector.shape_cast %broadcast_in_dim3A_71 : vector<16xf32> to vector<1x16xf32>
      tpu.vector_store %arg8[%swap3A_72, %swap3A_73], %swap3A_76 {strides = array<i32>} : memref<128x128xf32, #tpu.memory_space<vmem>>, vector<1x16xf32>,
      %broadcast_in_dim3A_77 = arith.constant 0.000000e+00 : f32
      %broadcast_in_dim3A_78 = vector.broadcast %broadcast_in_dim3A_77 : f32 to vector<16xf32>
      %swap3A_79 = arith.index_cast %add3A_50 : i32 to index
      %swap3A_80 = arith.constant 64 : index
      %swap3A_81 = tpu.vector_load %arg8[%swap3A_79, %swap3A_80] {strides = array<i32>} : memref<128x128xf32, #tpu.memory_space<vmem>>, vector<1x16xf32>,
      %swap3A_82 = vector.shape_cast %swap3A_81 : vector<1x16xf32> to vector<16xf32>
      %swap3A_83 = vector.shape_cast %broadcast_in_dim3A_78 : vector<16xf32> to vector<1x16xf32>
      tpu.vector_store %arg8[%swap3A_79, %swap3A_80], %swap3A_83 {strides = array<i32>} : memref<128x128xf32, #tpu.memory_space<vmem>>, vector<1x16xf32>,
      %broadcast_in_dim3A_84 = arith.constant 0.000000e+00 : f32
      %broadcast_in_dim3A_85 = vector.broadcast %broadcast_in_dim3A_84 : f32 to vector<16xf32>
      %swap3A_86 = arith.index_cast %add3A_50 : i32 to index
      %swap3A_87 = arith.constant 80 : index
      %swap3A_88 = tpu.vector_load %arg8[%swap3A_86, %swap3A_87] {strides = array<i32>} : memref<128x128xf32, #tpu.memory_space<vmem>>, vector<1x16xf32>,
      %swap3A_89 = vector.shape_cast %swap3A_88 : vector<1x16xf32> to vector<16xf32>
      %swap3A_90 = vector.shape_cast %broadcast_in_dim3A_85 : vector<16xf32> to vector<1x16xf32>
      tpu.vector_store %arg8[%swap3A_86, %swap3A_87], %swap3A_90 {strides = array<i32>} : memref<128x128xf32, #tpu.memory_space<vmem>>, vector<1x16xf32>,
      %broadcast_in_dim3A_91 = arith.constant 0.000000e+00 : f32
      %broadcast_in_dim3A_92 = vector.broadcast %broadcast_in_dim3A_91 : f32 to vector<16xf32>
      %swap3A_93 = arith.index_cast %add3A_50 : i32 to index
      %swap3A_94 = arith.constant 96 : index
      %swap3A_95 = tpu.vector_load %arg8[%swap3A_93, %swap3A_94] {strides = array<i32>} : memref<128x128xf32, #tpu.memory_space<vmem>>, vector<1x16xf32>,
      %swap3A_96 = vector.shape_cast %swap3A_95 : vector<1x16xf32> to vector<16xf32>
      %swap3A_97 = vector.shape_cast %broadcast_in_dim3A_92 : vector<16xf32> to vector<1x16xf32>
      tpu.vector_store %arg8[%swap3A_93, %swap3A_94], %swap3A_97 {strides = array<i32>} : memref<128x128xf32, #tpu.memory_space<vmem>>, vector<1x16xf32>,
      %broadcast_in_dim3A_98 = arith.constant 0.000000e+00 : f32
      %broadcast_in_dim3A_99 = vector.broadcast %broadcast_in_dim3A_98 : f32 to vector<16xf32>
      %swap3A_100 = arith.index_cast %add3A_50 : i32 to index
      %swap3A_101 = arith.constant 112 : index
      %swap3A_102 = tpu.vector_load %arg8[%swap3A_100, %swap3A_101] {strides = array<i32>} : memref<128x128xf32, #tpu.memory_space<vmem>>, vector<1x16xf32>,
      %swap3A_103 = vector.shape_cast %swap3A_102 : vector<1x16xf32> to vector<16xf32>
      %swap3A_104 = vector.shape_cast %broadcast_in_dim3A_99 : vector<16xf32> to vector<1x16xf32>
      tpu.vector_store %arg8[%swap3A_100, %swap3A_101], %swap3A_104 {strides = array<i32>} : memref<128x128xf32, #tpu.memory_space<vmem>>, vector<1x16xf32>,
    }
    %scan3A_4 = arith.constant 128 : i32
    %scan3A_5 = arith.constant 0 : i32
    %scan3A_6 = arith.constant 5 : i32
    %scan3A_7 = arith.addi %scan3A_5, %scan3A_6 : i32
    %scan3A_8 = arith.constant 1 : i32
    scf.for %scan3A_46 = %scan3A_5 to %scan3A_7 step %scan3A_8  : i32 {
      %mul3A_47 = arith.constant 128 : i32
      %mul3A_48 = arith.muli %scan3A_46, %mul3A_47 : i32
      %add3A_49 = arith.constant 0 : i32
      %add3A_50 = arith.addi %add3A_49, %mul3A_48 : i32
      %mul3A_51 = arith.constant 640 : i32
      %mul3A_52 = arith.muli %arg1, %mul3A_51 : i32
      %add3A_53 = arith.addi %mul3A_52, %add3A_50 : i32
      "tpu.region"() ({
        %run_scoped3A = tpu.sem_alloc : memref<!tpu.dma_semaphore, #tpu.memory_space<semaphore_mem>>
        %dma_start3A_54 = arith.constant 0 : i32
        %dma_start3A_55 = tpu.memref_slice %arg10[%add3A_53, %dma_start3A_54] : memref<10240x128xf32, #tpu.memory_space<vmem_shared>> -> memref<128x128xf32, #tpu.memory_space<vmem_shared>>
        %dma_start3A_56 = arith.constant 0 : i32
        %dma_start3A_57 = tpu.memref_slice %arg10[%add3A_53, %dma_start3A_56] : memref<10240x128xf32, #tpu.memory_space<vmem_shared>> -> memref<128x128xf32, #tpu.memory_space<vmem_shared>>
        tpu.enqueue_dma source(%arg8 : memref<128x128xf32, #tpu.memory_space<vmem>>) target(%dma_start3A_57 : memref<128x128xf32, #tpu.memory_space<vmem_shared>>) target_semaphore(%run_scoped3A : memref<!tpu.dma_semaphore, #tpu.memory_space<semaphore_mem>>)
        %dma_wait3A = arith.constant 0 : i32
        %dma_wait3A_58 = tpu.memref_slice %arg10[%add3A_53, %dma_wait3A] : memref<10240x128xf32, #tpu.memory_space<vmem_shared>> -> memref<128x128xf32, #tpu.memory_space<vmem_shared>>
        %dma_wait3A_59 = arith.constant 0 : i32
        %dma_wait3A_60 = tpu.memref_slice %arg10[%add3A_53, %dma_wait3A_59] : memref<10240x128xf32, #tpu.memory_space<vmem_shared>> -> memref<128x128xf32, #tpu.memory_space<vmem_shared>>
        tpu.wait_dma2 semaphore(%run_scoped3A : memref<!tpu.dma_semaphore, #tpu.memory_space<semaphore_mem>>) src(%arg8 : memref<128x128xf32, #tpu.memory_space<vmem>>) dst(%dma_wait3A_60 : memref<128x128xf32, #tpu.memory_space<vmem_shared>>)
        tpu.yield
      }) : () -> ()
    }
    %scan3A_9 = arith.constant 5 : i32
    %barrier3A = arith.constant 0 : index
    tpu.barrier barrier_id(%barrier3A)
    %mul3A_10 = arith.constant 80 : i32
    %mul3A_11 = arith.muli %add3A, %mul3A_10 : i32
    %add3A_12 = arith.constant 0 : i32
    %add3A_13 = arith.addi %mul3A_11, %add3A_12 : i32
    "tpu.region"() ({
      %run_scoped3A = tpu.sem_alloc : memref<!tpu.dma_semaphore, #tpu.memory_space<semaphore_mem>>
      %dma_start3A_46 = arith.constant 0 : i32
      %dma_start3A_47 = tpu.memref_slice %arg3[%add3A_13, %dma_start3A_46] : memref<2560x128xi32, #tpu.memory_space<hbm>> -> memref<40x128xi32, #tpu.memory_space<hbm>>
      %dma_start3A_48 = arith.constant 0 : i32
      %dma_start3A_49 = tpu.memref_slice %arg3[%add3A_13, %dma_start3A_48] : memref<2560x128xi32, #tpu.memory_space<hbm>> -> memref<40x128xi32, #tpu.memory_space<hbm>>
      tpu.enqueue_dma source(%dma_start3A_49 : memref<40x128xi32, #tpu.memory_space<hbm>>) target(%arg6 : memref<40x128xi32, #tpu.memory_space<vmem>>) target_semaphore(%run_scoped3A : memref<!tpu.dma_semaphore, #tpu.memory_space<semaphore_mem>>)
      %dma_wait3A = arith.constant 0 : i32
      %dma_wait3A_50 = tpu.memref_slice %arg3[%add3A_13, %dma_wait3A] : memref<2560x128xi32, #tpu.memory_space<hbm>> -> memref<40x128xi32, #tpu.memory_space<hbm>>
      %dma_wait3A_51 = arith.constant 0 : i32
      %dma_wait3A_52 = tpu.memref_slice %arg3[%add3A_13, %dma_wait3A_51] : memref<2560x128xi32, #tpu.memory_space<hbm>> -> memref<40x128xi32, #tpu.memory_space<hbm>>
      tpu.wait_dma2 semaphore(%run_scoped3A : memref<!tpu.dma_semaphore, #tpu.memory_space<semaphore_mem>>) src(%dma_wait3A_52 : memref<40x128xi32, #tpu.memory_space<hbm>>) dst(%arg6 : memref<40x128xi32, #tpu.memory_space<vmem>>)
      tpu.yield
    }) : () -> ()
    "tpu.region"() ({
      %run_scoped3A = tpu.sem_alloc : memref<!tpu.dma_semaphore, #tpu.memory_space<semaphore_mem>>
      %dma_start3A_46 = arith.constant 0 : i32
      %dma_start3A_47 = tpu.memref_slice %arg4[%add3A_13, %dma_start3A_46] : memref<2560x128xi32, #tpu.memory_space<hbm>> -> memref<40x128xi32, #tpu.memory_space<hbm>>
      %dma_start3A_48 = arith.constant 0 : i32
      %dma_start3A_49 = tpu.memref_slice %arg4[%add3A_13, %dma_start3A_48] : memref<2560x128xi32, #tpu.memory_space<hbm>> -> memref<40x128xi32, #tpu.memory_space<hbm>>
      tpu.enqueue_dma source(%dma_start3A_49 : memref<40x128xi32, #tpu.memory_space<hbm>>) target(%arg7 : memref<40x128xi32, #tpu.memory_space<vmem>>) target_semaphore(%run_scoped3A : memref<!tpu.dma_semaphore, #tpu.memory_space<semaphore_mem>>)
      %dma_wait3A = arith.constant 0 : i32
      %dma_wait3A_50 = tpu.memref_slice %arg4[%add3A_13, %dma_wait3A] : memref<2560x128xi32, #tpu.memory_space<hbm>> -> memref<40x128xi32, #tpu.memory_space<hbm>>
      %dma_wait3A_51 = arith.constant 0 : i32
      %dma_wait3A_52 = tpu.memref_slice %arg4[%add3A_13, %dma_wait3A_51] : memref<2560x128xi32, #tpu.memory_space<hbm>> -> memref<40x128xi32, #tpu.memory_space<hbm>>
      tpu.wait_dma2 semaphore(%run_scoped3A : memref<!tpu.dma_semaphore, #tpu.memory_space<semaphore_mem>>) src(%dma_wait3A_52 : memref<40x128xi32, #tpu.memory_space<hbm>>) dst(%arg7 : memref<40x128xi32, #tpu.memory_space<vmem>>)
      tpu.yield
    }) : () -> ()
    %dma_start3A = arith.constant 0 : i32
    %dma_start3A_14 = arith.constant 0 : i32
    %dma_start3A_15 = tpu.memref_slice %arg6[%dma_start3A, %dma_start3A_14] : memref<40x128xi32, #tpu.memory_space<vmem>> -> memref<1x128xi32, #tpu.memory_space<vmem>>
    %dma_start3A_16 = tpu.memref_squeeze %dma_start3A_15 : memref<1x128xi32, #tpu.memory_space<vmem>> -> memref<128xi32, #tpu.memory_space<vmem>>
    %dma_start3A_17 = arith.constant 0 : i32
    %dma_start3A_18 = arith.constant 0 : i32
    %dma_start3A_19 = tpu.memref_slice %arg2[%dma_start3A_17, %dma_start3A_18] : memref<10000x128xf32, #tpu.memory_space<hbm>> -> memref<10000x128xf32, #tpu.memory_space<hbm>>
    tpu.enqueue_indirect_dma source(%dma_start3A_19 : memref<10000x128xf32, #tpu.memory_space<hbm>>) target(%arg8 : memref<128x128xf32, #tpu.memory_space<vmem>>) offsets(%dma_start3A_16 : memref<128xi32, #tpu.memory_space<vmem>>) semaphore(%arg11 : memref<!tpu.dma_semaphore, #tpu.memory_space<semaphore_mem>>)
    %scan3A_20 = arith.constant 0 : i32
    %scan3A_21 = arith.constant 20 : i32
    %scan3A_22 = arith.addi %scan3A_20, %scan3A_21 : i32
    %scan3A_23 = arith.constant 1 : i32
    scf.for %scan3A_46 = %scan3A_20 to %scan3A_22 step %scan3A_23  : i32 {
      %mul3A_47 = arith.constant 2 : i32
      %mul3A_48 = arith.muli %scan3A_46, %mul3A_47 : i32
      %add3A_49 = arith.constant 0 : i32
      %add3A_50 = arith.addi %add3A_49, %mul3A_48 : i32
      %add3A_51 = arith.constant 1 : i32
      %add3A_52 = arith.addi %add3A_50, %add3A_51 : i32
      %dma_start3A_53 = arith.constant 0 : i32
      %dma_start3A_54 = tpu.memref_slice %arg6[%add3A_52, %dma_start3A_53] : memref<40x128xi32, #tpu.memory_space<vmem>> -> memref<1x128xi32, #tpu.memory_space<vmem>>
      %dma_start3A_55 = tpu.memref_squeeze %dma_start3A_54 : memref<1x128xi32, #tpu.memory_space<vmem>> -> memref<128xi32, #tpu.memory_space<vmem>>
      %dma_start3A_56 = arith.constant 0 : i32
      %dma_start3A_57 = arith.constant 0 : i32
      %dma_start3A_58 = tpu.memref_slice %arg2[%dma_start3A_56, %dma_start3A_57] : memref<10000x128xf32, #tpu.memory_space<hbm>> -> memref<10000x128xf32, #tpu.memory_space<hbm>>
      tpu.enqueue_indirect_dma source(%dma_start3A_58 : memref<10000x128xf32, #tpu.memory_space<hbm>>) target(%arg9 : memref<128x128xf32, #tpu.memory_space<vmem>>) offsets(%dma_start3A_55 : memref<128xi32, #tpu.memory_space<vmem>>) semaphore(%arg12 : memref<!tpu.dma_semaphore, #tpu.memory_space<semaphore_mem>>)
      %dma_wait3A = arith.constant 0 : i32
      %dma_wait3A_59 = tpu.memref_slice %arg6[%add3A_50, %dma_wait3A] : memref<40x128xi32, #tpu.memory_space<vmem>> -> memref<1x128xi32, #tpu.memory_space<vmem>>
      %dma_wait3A_60 = tpu.memref_squeeze %dma_wait3A_59 : memref<1x128xi32, #tpu.memory_space<vmem>> -> memref<128xi32, #tpu.memory_space<vmem>>
      %dma_wait3A_61 = arith.constant 0 : i32
      %dma_wait3A_62 = arith.constant 0 : i32
      %dma_wait3A_63 = tpu.memref_slice %arg2[%dma_wait3A_61, %dma_wait3A_62] : memref<10000x128xf32, #tpu.memory_space<hbm>> -> memref<10000x128xf32, #tpu.memory_space<hbm>>
      tpu.wait_indirect_dma semaphore(%arg11 : memref<!tpu.dma_semaphore, #tpu.memory_space<semaphore_mem>>) src(%dma_wait3A_63 : memref<10000x128xf32, #tpu.memory_space<hbm>>) dst(%arg8 : memref<128x128xf32, #tpu.memory_space<vmem>>)
      "tpu.region"() ({
        %run_scoped3A = tpu.sem_alloc : memref<!tpu.dma_semaphore, #tpu.memory_space<semaphore_mem>>
        %dma_start3A_78 = arith.constant 0 : i32
        %dma_start3A_79 = tpu.memref_slice %arg7[%add3A_50, %dma_start3A_78] : memref<40x128xi32, #tpu.memory_space<vmem>> -> memref<1x128xi32, #tpu.memory_space<vmem>>
        %dma_start3A_80 = tpu.memref_squeeze %dma_start3A_79 : memref<1x128xi32, #tpu.memory_space<vmem>> -> memref<128xi32, #tpu.memory_space<vmem>>
        %dma_start3A_81 = arith.constant 0 : i32
        %dma_start3A_82 = arith.constant 0 : i32
        %dma_start3A_83 = tpu.memref_slice %arg10[%dma_start3A_81, %dma_start3A_82] : memref<10240x128xf32, #tpu.memory_space<vmem_shared>> -> memref<10240x128xf32, #tpu.memory_space<vmem_shared>>
        tpu.enqueue_indirect_dma source(%arg8 : memref<128x128xf32, #tpu.memory_space<vmem>>) target(%dma_start3A_83 : memref<10240x128xf32, #tpu.memory_space<vmem_shared>>) offsets(%dma_start3A_80 : memref<128xi32, #tpu.memory_space<vmem>>) semaphore(%run_scoped3A : memref<!tpu.dma_semaphore, #tpu.memory_space<semaphore_mem>>) {add = true}
        %dma_wait3A_84 = arith.constant 0 : i32
        %dma_wait3A_85 = tpu.memref_slice %arg7[%add3A_50, %dma_wait3A_84] : memref<40x128xi32, #tpu.memory_space<vmem>> -> memref<1x128xi32, #tpu.memory_space<vmem>>
        %dma_wait3A_86 = tpu.memref_squeeze %dma_wait3A_85 : memref<1x128xi32, #tpu.memory_space<vmem>> -> memref<128xi32, #tpu.memory_space<vmem>>
        %dma_wait3A_87 = arith.constant 0 : i32
        %dma_wait3A_88 = arith.constant 0 : i32
        %dma_wait3A_89 = tpu.memref_slice %arg10[%dma_wait3A_87, %dma_wait3A_88] : memref<10240x128xf32, #tpu.memory_space<vmem_shared>> -> memref<10240x128xf32, #tpu.memory_space<vmem_shared>>
        tpu.wait_indirect_dma semaphore(%run_scoped3A : memref<!tpu.dma_semaphore, #tpu.memory_space<semaphore_mem>>) src(%arg8 : memref<128x128xf32, #tpu.memory_space<vmem>>) dst(%dma_wait3A_89 : memref<10240x128xf32, #tpu.memory_space<vmem_shared>>)
        tpu.yield
      }) : () -> ()
      %add3A_64 = arith.constant 2 : i32
      %add3A_65 = arith.addi %add3A_50, %add3A_64 : i32
      %lt3A = arith.constant 40 : i32
      %lt3A_66 = arith.cmpi slt, %add3A_65, %lt3A : i32
      %convert_element_type3A = arith.extui %lt3A_66 : i1 to i32
      %cond3A = arith.constant 0 : i32
      %cond3A_67 = arith.cmpi ne, %convert_element_type3A, %cond3A : i32
      scf.if %cond3A_67 {
        %add3A_78 = arith.constant 2 : i32
        %add3A_79 = arith.addi %add3A_50, %add3A_78 : i32
        %dma_start3A_80 = arith.constant 0 : i32
        %dma_start3A_81 = tpu.memref_slice %arg6[%add3A_79, %dma_start3A_80] : memref<40x128xi32, #tpu.memory_space<vmem>> -> memref<1x128xi32, #tpu.memory_space<vmem>>
        %dma_start3A_82 = tpu.memref_squeeze %dma_start3A_81 : memref<1x128xi32, #tpu.memory_space<vmem>> -> memref<128xi32, #tpu.memory_space<vmem>>
        %dma_start3A_83 = arith.constant 0 : i32
        %dma_start3A_84 = arith.constant 0 : i32
        %dma_start3A_85 = tpu.memref_slice %arg2[%dma_start3A_83, %dma_start3A_84] : memref<10000x128xf32, #tpu.memory_space<hbm>> -> memref<10000x128xf32, #tpu.memory_space<hbm>>
        tpu.enqueue_indirect_dma source(%dma_start3A_85 : memref<10000x128xf32, #tpu.memory_space<hbm>>) target(%arg8 : memref<128x128xf32, #tpu.memory_space<vmem>>) offsets(%dma_start3A_82 : memref<128xi32, #tpu.memory_space<vmem>>) semaphore(%arg11 : memref<!tpu.dma_semaphore, #tpu.memory_space<semaphore_mem>>)
      } else {
      }
      %add3A_68 = arith.constant 1 : i32
      %add3A_69 = arith.addi %add3A_50, %add3A_68 : i32
      %dma_wait3A_70 = arith.constant 0 : i32
      %dma_wait3A_71 = tpu.memref_slice %arg6[%add3A_69, %dma_wait3A_70] : memref<40x128xi32, #tpu.memory_space<vmem>> -> memref<1x128xi32, #tpu.memory_space<vmem>>
      %dma_wait3A_72 = tpu.memref_squeeze %dma_wait3A_71 : memref<1x128xi32, #tpu.memory_space<vmem>> -> memref<128xi32, #tpu.memory_space<vmem>>
      %dma_wait3A_73 = arith.constant 0 : i32
      %dma_wait3A_74 = arith.constant 0 : i32
      %dma_wait3A_75 = tpu.memref_slice %arg2[%dma_wait3A_73, %dma_wait3A_74] : memref<10000x128xf32, #tpu.memory_space<hbm>> -> memref<10000x128xf32, #tpu.memory_space<hbm>>
      tpu.wait_indirect_dma semaphore(%arg12 : memref<!tpu.dma_semaphore, #tpu.memory_space<semaphore_mem>>) src(%dma_wait3A_75 : memref<10000x128xf32, #tpu.memory_space<hbm>>) dst(%arg9 : memref<128x128xf32, #tpu.memory_space<vmem>>)
      %add3A_76 = arith.constant 1 : i32
      %add3A_77 = arith.addi %add3A_50, %add3A_76 : i32
      "tpu.region"() ({
        %run_scoped3A = tpu.sem_alloc : memref<!tpu.dma_semaphore, #tpu.memory_space<semaphore_mem>>
        %dma_start3A_78 = arith.constant 0 : i32
        %dma_start3A_79 = tpu.memref_slice %arg7[%add3A_77, %dma_start3A_78] : memref<40x128xi32, #tpu.memory_space<vmem>> -> memref<1x128xi32, #tpu.memory_space<vmem>>
        %dma_start3A_80 = tpu.memref_squeeze %dma_start3A_79 : memref<1x128xi32, #tpu.memory_space<vmem>> -> memref<128xi32, #tpu.memory_space<vmem>>
        %dma_start3A_81 = arith.constant 0 : i32
        %dma_start3A_82 = arith.constant 0 : i32
        %dma_start3A_83 = tpu.memref_slice %arg10[%dma_start3A_81, %dma_start3A_82] : memref<10240x128xf32, #tpu.memory_space<vmem_shared>> -> memref<10240x128xf32, #tpu.memory_space<vmem_shared>>
        tpu.enqueue_indirect_dma source(%arg9 : memref<128x128xf32, #tpu.memory_space<vmem>>) target(%dma_start3A_83 : memref<10240x128xf32, #tpu.memory_space<vmem_shared>>) offsets(%dma_start3A_80 : memref<128xi32, #tpu.memory_space<vmem>>) semaphore(%run_scoped3A : memref<!tpu.dma_semaphore, #tpu.memory_space<semaphore_mem>>) {add = true}
        %dma_wait3A_84 = arith.constant 0 : i32
        %dma_wait3A_85 = tpu.memref_slice %arg7[%add3A_77, %dma_wait3A_84] : memref<40x128xi32, #tpu.memory_space<vmem>> -> memref<1x128xi32, #tpu.memory_space<vmem>>
        %dma_wait3A_86 = tpu.memref_squeeze %dma_wait3A_85 : memref<1x128xi32, #tpu.memory_space<vmem>> -> memref<128xi32, #tpu.memory_space<vmem>>
        %dma_wait3A_87 = arith.constant 0 : i32
        %dma_wait3A_88 = arith.constant 0 : i32
        %dma_wait3A_89 = tpu.memref_slice %arg10[%dma_wait3A_87, %dma_wait3A_88] : memref<10240x128xf32, #tpu.memory_space<vmem_shared>> -> memref<10240x128xf32, #tpu.memory_space<vmem_shared>>
        tpu.wait_indirect_dma semaphore(%run_scoped3A : memref<!tpu.dma_semaphore, #tpu.memory_space<semaphore_mem>>) src(%arg9 : memref<128x128xf32, #tpu.memory_space<vmem>>) dst(%dma_wait3A_89 : memref<10240x128xf32, #tpu.memory_space<vmem_shared>>)
        tpu.yield
      }) : () -> ()
    }
    %scan3A_24 = arith.constant 20 : i32
    %mul3A_25 = arith.constant 80 : i32
    %mul3A_26 = arith.muli %add3A, %mul3A_25 : i32
    %add3A_27 = arith.constant 40 : i32
    %add3A_28 = arith.addi %mul3A_26, %add3A_27 : i32
    "tpu.region"() ({
      %run_scoped3A = tpu.sem_alloc : memref<!tpu.dma_semaphore, #tpu.memory_space<semaphore_mem>>
      %dma_start3A_46 = arith.constant 0 : i32
      %dma_start3A_47 = tpu.memref_slice %arg3[%add3A_28, %dma_start3A_46] : memref<2560x128xi32, #tpu.memory_space<hbm>> -> memref<40x128xi32, #tpu.memory_space<hbm>>
      %dma_start3A_48 = arith.constant 0 : i32
      %dma_start3A_49 = tpu.memref_slice %arg3[%add3A_28, %dma_start3A_48] : memref<2560x128xi32, #tpu.memory_space<hbm>> -> memref<40x128xi32, #tpu.memory_space<hbm>>
      tpu.enqueue_dma source(%dma_start3A_49 : memref<40x128xi32, #tpu.memory_space<hbm>>) target(%arg6 : memref<40x128xi32, #tpu.memory_space<vmem>>) target_semaphore(%run_scoped3A : memref<!tpu.dma_semaphore, #tpu.memory_space<semaphore_mem>>)
      %dma_wait3A = arith.constant 0 : i32
      %dma_wait3A_50 = tpu.memref_slice %arg3[%add3A_28, %dma_wait3A] : memref<2560x128xi32, #tpu.memory_space<hbm>> -> memref<40x128xi32, #tpu.memory_space<hbm>>
      %dma_wait3A_51 = arith.constant 0 : i32
      %dma_wait3A_52 = tpu.memref_slice %arg3[%add3A_28, %dma_wait3A_51] : memref<2560x128xi32, #tpu.memory_space<hbm>> -> memref<40x128xi32, #tpu.memory_space<hbm>>
      tpu.wait_dma2 semaphore(%run_scoped3A : memref<!tpu.dma_semaphore, #tpu.memory_space<semaphore_mem>>) src(%dma_wait3A_52 : memref<40x128xi32, #tpu.memory_space<hbm>>) dst(%arg6 : memref<40x128xi32, #tpu.memory_space<vmem>>)
      tpu.yield
    }) : () -> ()
    "tpu.region"() ({
      %run_scoped3A = tpu.sem_alloc : memref<!tpu.dma_semaphore, #tpu.memory_space<semaphore_mem>>
      %dma_start3A_46 = arith.constant 0 : i32
      %dma_start3A_47 = tpu.memref_slice %arg4[%add3A_28, %dma_start3A_46] : memref<2560x128xi32, #tpu.memory_space<hbm>> -> memref<40x128xi32, #tpu.memory_space<hbm>>
      %dma_start3A_48 = arith.constant 0 : i32
      %dma_start3A_49 = tpu.memref_slice %arg4[%add3A_28, %dma_start3A_48] : memref<2560x128xi32, #tpu.memory_space<hbm>> -> memref<40x128xi32, #tpu.memory_space<hbm>>
      tpu.enqueue_dma source(%dma_start3A_49 : memref<40x128xi32, #tpu.memory_space<hbm>>) target(%arg7 : memref<40x128xi32, #tpu.memory_space<vmem>>) target_semaphore(%run_scoped3A : memref<!tpu.dma_semaphore, #tpu.memory_space<semaphore_mem>>)
      %dma_wait3A = arith.constant 0 : i32
      %dma_wait3A_50 = tpu.memref_slice %arg4[%add3A_28, %dma_wait3A] : memref<2560x128xi32, #tpu.memory_space<hbm>> -> memref<40x128xi32, #tpu.memory_space<hbm>>
      %dma_wait3A_51 = arith.constant 0 : i32
      %dma_wait3A_52 = tpu.memref_slice %arg4[%add3A_28, %dma_wait3A_51] : memref<2560x128xi32, #tpu.memory_space<hbm>> -> memref<40x128xi32, #tpu.memory_space<hbm>>
      tpu.wait_dma2 semaphore(%run_scoped3A : memref<!tpu.dma_semaphore, #tpu.memory_space<semaphore_mem>>) src(%dma_wait3A_52 : memref<40x128xi32, #tpu.memory_space<hbm>>) dst(%arg7 : memref<40x128xi32, #tpu.memory_space<vmem>>)
      tpu.yield
    }) : () -> ()
    %dma_start3A_29 = arith.constant 0 : i32
    %dma_start3A_30 = arith.constant 0 : i32
    %dma_start3A_31 = tpu.memref_slice %arg6[%dma_start3A_29, %dma_start3A_30] : memref<40x128xi32, #tpu.memory_space<vmem>> -> memref<1x128xi32, #tpu.memory_space<vmem>>
    %dma_start3A_32 = tpu.memref_squeeze %dma_start3A_31 : memref<1x128xi32, #tpu.memory_space<vmem>> -> memref<128xi32, #tpu.memory_space<vmem>>
    %dma_start3A_33 = arith.constant 0 : i32
    %dma_start3A_34 = arith.constant 0 : i32
    %dma_start3A_35 = tpu.memref_slice %arg2[%dma_start3A_33, %dma_start3A_34] : memref<10000x128xf32, #tpu.memory_space<hbm>> -> memref<10000x128xf32, #tpu.memory_space<hbm>>
    tpu.enqueue_indirect_dma source(%dma_start3A_35 : memref<10000x128xf32, #tpu.memory_space<hbm>>) target(%arg8 : memref<128x128xf32, #tpu.memory_space<vmem>>) offsets(%dma_start3A_32 : memref<128xi32, #tpu.memory_space<vmem>>) semaphore(%arg11 : memref<!tpu.dma_semaphore, #tpu.memory_space<semaphore_mem>>)
    %scan3A_36 = arith.constant 0 : i32
    %scan3A_37 = arith.constant 20 : i32
    %scan3A_38 = arith.addi %scan3A_36, %scan3A_37 : i32
    %scan3A_39 = arith.constant 1 : i32
    scf.for %scan3A_46 = %scan3A_36 to %scan3A_38 step %scan3A_39  : i32 {
      %mul3A_47 = arith.constant 2 : i32
      %mul3A_48 = arith.muli %scan3A_46, %mul3A_47 : i32
      %add3A_49 = arith.constant 0 : i32
      %add3A_50 = arith.addi %add3A_49, %mul3A_48 : i32
      %add3A_51 = arith.constant 1 : i32
      %add3A_52 = arith.addi %add3A_50, %add3A_51 : i32
      %dma_start3A_53 = arith.constant 0 : i32
      %dma_start3A_54 = tpu.memref_slice %arg6[%add3A_52, %dma_start3A_53] : memref<40x128xi32, #tpu.memory_space<vmem>> -> memref<1x128xi32, #tpu.memory_space<vmem>>
      %dma_start3A_55 = tpu.memref_squeeze %dma_start3A_54 : memref<1x128xi32, #tpu.memory_space<vmem>> -> memref<128xi32, #tpu.memory_space<vmem>>
      %dma_start3A_56 = arith.constant 0 : i32
      %dma_start3A_57 = arith.constant 0 : i32
      %dma_start3A_58 = tpu.memref_slice %arg2[%dma_start3A_56, %dma_start3A_57] : memref<10000x128xf32, #tpu.memory_space<hbm>> -> memref<10000x128xf32, #tpu.memory_space<hbm>>
      tpu.enqueue_indirect_dma source(%dma_start3A_58 : memref<10000x128xf32, #tpu.memory_space<hbm>>) target(%arg9 : memref<128x128xf32, #tpu.memory_space<vmem>>) offsets(%dma_start3A_55 : memref<128xi32, #tpu.memory_space<vmem>>) semaphore(%arg12 : memref<!tpu.dma_semaphore, #tpu.memory_space<semaphore_mem>>)
      %dma_wait3A = arith.constant 0 : i32
      %dma_wait3A_59 = tpu.memref_slice %arg6[%add3A_50, %dma_wait3A] : memref<40x128xi32, #tpu.memory_space<vmem>> -> memref<1x128xi32, #tpu.memory_space<vmem>>
      %dma_wait3A_60 = tpu.memref_squeeze %dma_wait3A_59 : memref<1x128xi32, #tpu.memory_space<vmem>> -> memref<128xi32, #tpu.memory_space<vmem>>
      %dma_wait3A_61 = arith.constant 0 : i32
      %dma_wait3A_62 = arith.constant 0 : i32
      %dma_wait3A_63 = tpu.memref_slice %arg2[%dma_wait3A_61, %dma_wait3A_62] : memref<10000x128xf32, #tpu.memory_space<hbm>> -> memref<10000x128xf32, #tpu.memory_space<hbm>>
      tpu.wait_indirect_dma semaphore(%arg11 : memref<!tpu.dma_semaphore, #tpu.memory_space<semaphore_mem>>) src(%dma_wait3A_63 : memref<10000x128xf32, #tpu.memory_space<hbm>>) dst(%arg8 : memref<128x128xf32, #tpu.memory_space<vmem>>)
      "tpu.region"() ({
        %run_scoped3A = tpu.sem_alloc : memref<!tpu.dma_semaphore, #tpu.memory_space<semaphore_mem>>
        %dma_start3A_78 = arith.constant 0 : i32
        %dma_start3A_79 = tpu.memref_slice %arg7[%add3A_50, %dma_start3A_78] : memref<40x128xi32, #tpu.memory_space<vmem>> -> memref<1x128xi32, #tpu.memory_space<vmem>>
        %dma_start3A_80 = tpu.memref_squeeze %dma_start3A_79 : memref<1x128xi32, #tpu.memory_space<vmem>> -> memref<128xi32, #tpu.memory_space<vmem>>
        %dma_start3A_81 = arith.constant 0 : i32
        %dma_start3A_82 = arith.constant 0 : i32
        %dma_start3A_83 = tpu.memref_slice %arg10[%dma_start3A_81, %dma_start3A_82] : memref<10240x128xf32, #tpu.memory_space<vmem_shared>> -> memref<10240x128xf32, #tpu.memory_space<vmem_shared>>
        tpu.enqueue_indirect_dma source(%arg8 : memref<128x128xf32, #tpu.memory_space<vmem>>) target(%dma_start3A_83 : memref<10240x128xf32, #tpu.memory_space<vmem_shared>>) offsets(%dma_start3A_80 : memref<128xi32, #tpu.memory_space<vmem>>) semaphore(%run_scoped3A : memref<!tpu.dma_semaphore, #tpu.memory_space<semaphore_mem>>) {add = true}
        %dma_wait3A_84 = arith.constant 0 : i32
        %dma_wait3A_85 = tpu.memref_slice %arg7[%add3A_50, %dma_wait3A_84] : memref<40x128xi32, #tpu.memory_space<vmem>> -> memref<1x128xi32, #tpu.memory_space<vmem>>
        %dma_wait3A_86 = tpu.memref_squeeze %dma_wait3A_85 : memref<1x128xi32, #tpu.memory_space<vmem>> -> memref<128xi32, #tpu.memory_space<vmem>>
        %dma_wait3A_87 = arith.constant 0 : i32
        %dma_wait3A_88 = arith.constant 0 : i32
        %dma_wait3A_89 = tpu.memref_slice %arg10[%dma_wait3A_87, %dma_wait3A_88] : memref<10240x128xf32, #tpu.memory_space<vmem_shared>> -> memref<10240x128xf32, #tpu.memory_space<vmem_shared>>
        tpu.wait_indirect_dma semaphore(%run_scoped3A : memref<!tpu.dma_semaphore, #tpu.memory_space<semaphore_mem>>) src(%arg8 : memref<128x128xf32, #tpu.memory_space<vmem>>) dst(%dma_wait3A_89 : memref<10240x128xf32, #tpu.memory_space<vmem_shared>>)
        tpu.yield
      }) : () -> ()
      %add3A_64 = arith.constant 2 : i32
      %add3A_65 = arith.addi %add3A_50, %add3A_64 : i32
      %lt3A = arith.constant 40 : i32
      %lt3A_66 = arith.cmpi slt, %add3A_65, %lt3A : i32
      %convert_element_type3A = arith.extui %lt3A_66 : i1 to i32
      %cond3A = arith.constant 0 : i32
      %cond3A_67 = arith.cmpi ne, %convert_element_type3A, %cond3A : i32
      scf.if %cond3A_67 {
        %add3A_78 = arith.constant 2 : i32
        %add3A_79 = arith.addi %add3A_50, %add3A_78 : i32
        %dma_start3A_80 = arith.constant 0 : i32
        %dma_start3A_81 = tpu.memref_slice %arg6[%add3A_79, %dma_start3A_80] : memref<40x128xi32, #tpu.memory_space<vmem>> -> memref<1x128xi32, #tpu.memory_space<vmem>>
        %dma_start3A_82 = tpu.memref_squeeze %dma_start3A_81 : memref<1x128xi32, #tpu.memory_space<vmem>> -> memref<128xi32, #tpu.memory_space<vmem>>
        %dma_start3A_83 = arith.constant 0 : i32
        %dma_start3A_84 = arith.constant 0 : i32
        %dma_start3A_85 = tpu.memref_slice %arg2[%dma_start3A_83, %dma_start3A_84] : memref<10000x128xf32, #tpu.memory_space<hbm>> -> memref<10000x128xf32, #tpu.memory_space<hbm>>
        tpu.enqueue_indirect_dma source(%dma_start3A_85 : memref<10000x128xf32, #tpu.memory_space<hbm>>) target(%arg8 : memref<128x128xf32, #tpu.memory_space<vmem>>) offsets(%dma_start3A_82 : memref<128xi32, #tpu.memory_space<vmem>>) semaphore(%arg11 : memref<!tpu.dma_semaphore, #tpu.memory_space<semaphore_mem>>)
      } else {
      }
      %add3A_68 = arith.constant 1 : i32
      %add3A_69 = arith.addi %add3A_50, %add3A_68 : i32
      %dma_wait3A_70 = arith.constant 0 : i32
      %dma_wait3A_71 = tpu.memref_slice %arg6[%add3A_69, %dma_wait3A_70] : memref<40x128xi32, #tpu.memory_space<vmem>> -> memref<1x128xi32, #tpu.memory_space<vmem>>
      %dma_wait3A_72 = tpu.memref_squeeze %dma_wait3A_71 : memref<1x128xi32, #tpu.memory_space<vmem>> -> memref<128xi32, #tpu.memory_space<vmem>>
      %dma_wait3A_73 = arith.constant 0 : i32
      %dma_wait3A_74 = arith.constant 0 : i32
      %dma_wait3A_75 = tpu.memref_slice %arg2[%dma_wait3A_73, %dma_wait3A_74] : memref<10000x128xf32, #tpu.memory_space<hbm>> -> memref<10000x128xf32, #tpu.memory_space<hbm>>
      tpu.wait_indirect_dma semaphore(%arg12 : memref<!tpu.dma_semaphore, #tpu.memory_space<semaphore_mem>>) src(%dma_wait3A_75 : memref<10000x128xf32, #tpu.memory_space<hbm>>) dst(%arg9 : memref<128x128xf32, #tpu.memory_space<vmem>>)
      %add3A_76 = arith.constant 1 : i32
      %add3A_77 = arith.addi %add3A_50, %add3A_76 : i32
      "tpu.region"() ({
        %run_scoped3A = tpu.sem_alloc : memref<!tpu.dma_semaphore, #tpu.memory_space<semaphore_mem>>
        %dma_start3A_78 = arith.constant 0 : i32
        %dma_start3A_79 = tpu.memref_slice %arg7[%add3A_77, %dma_start3A_78] : memref<40x128xi32, #tpu.memory_space<vmem>> -> memref<1x128xi32, #tpu.memory_space<vmem>>
        %dma_start3A_80 = tpu.memref_squeeze %dma_start3A_79 : memref<1x128xi32, #tpu.memory_space<vmem>> -> memref<128xi32, #tpu.memory_space<vmem>>
        %dma_start3A_81 = arith.constant 0 : i32
        %dma_start3A_82 = arith.constant 0 : i32
        %dma_start3A_83 = tpu.memref_slice %arg10[%dma_start3A_81, %dma_start3A_82] : memref<10240x128xf32, #tpu.memory_space<vmem_shared>> -> memref<10240x128xf32, #tpu.memory_space<vmem_shared>>
        tpu.enqueue_indirect_dma source(%arg9 : memref<128x128xf32, #tpu.memory_space<vmem>>) target(%dma_start3A_83 : memref<10240x128xf32, #tpu.memory_space<vmem_shared>>) offsets(%dma_start3A_80 : memref<128xi32, #tpu.memory_space<vmem>>) semaphore(%run_scoped3A : memref<!tpu.dma_semaphore, #tpu.memory_space<semaphore_mem>>) {add = true}
        %dma_wait3A_84 = arith.constant 0 : i32
        %dma_wait3A_85 = tpu.memref_slice %arg7[%add3A_77, %dma_wait3A_84] : memref<40x128xi32, #tpu.memory_space<vmem>> -> memref<1x128xi32, #tpu.memory_space<vmem>>
        %dma_wait3A_86 = tpu.memref_squeeze %dma_wait3A_85 : memref<1x128xi32, #tpu.memory_space<vmem>> -> memref<128xi32, #tpu.memory_space<vmem>>
        %dma_wait3A_87 = arith.constant 0 : i32
        %dma_wait3A_88 = arith.constant 0 : i32
        %dma_wait3A_89 = tpu.memref_slice %arg10[%dma_wait3A_87, %dma_wait3A_88] : memref<10240x128xf32, #tpu.memory_space<vmem_shared>> -> memref<10240x128xf32, #tpu.memory_space<vmem_shared>>
        tpu.wait_indirect_dma semaphore(%run_scoped3A : memref<!tpu.dma_semaphore, #tpu.memory_space<semaphore_mem>>) src(%arg9 : memref<128x128xf32, #tpu.memory_space<vmem>>) dst(%dma_wait3A_89 : memref<10240x128xf32, #tpu.memory_space<vmem_shared>>)
        tpu.yield
      }) : () -> ()
    }
    %scan3A_40 = arith.constant 20 : i32
    %barrier3A_41 = arith.constant 0 : index
    tpu.barrier barrier_id(%barrier3A_41)
    %mul3A_42 = arith.constant 640 : i32
    %mul3A_43 = arith.muli %arg1, %mul3A_42 : i32
    %mul3A_44 = arith.constant 640 : i32
    %mul3A_45 = arith.muli %arg1, %mul3A_44 : i32
    "tpu.region"() ({
      %run_scoped3A = tpu.sem_alloc : memref<!tpu.dma_semaphore, #tpu.memory_space<semaphore_mem>>
      %dma_start3A_46 = arith.constant 0 : i32
      %dma_start3A_47 = arith.constant 0 : i32
      %dma_start3A_48 = tpu.memref_slice %arg5[%arg0, %dma_start3A_46, %dma_start3A_47] : memref<2x10240x128xf32, #tpu.memory_space<hbm>> -> memref<1x10240x128xf32, #tpu.memory_space<hbm>>
      %dma_start3A_49 = tpu.memref_squeeze %dma_start3A_48 : memref<1x10240x128xf32, #tpu.memory_space<hbm>> -> memref<10240x128xf32, #tpu.memory_space<hbm>>
      %dma_start3A_50 = arith.constant 0 : i32
      %dma_start3A_51 = tpu.memref_slice %dma_start3A_49[%mul3A_45, %dma_start3A_50] : memref<10240x128xf32, #tpu.memory_space<hbm>> -> memref<640x128xf32, #tpu.memory_space<hbm>>
      %dma_start3A_52 = arith.constant 0 : i32
      %dma_start3A_53 = tpu.memref_slice %arg10[%mul3A_43, %dma_start3A_52] : memref<10240x128xf32, #tpu.memory_space<vmem_shared>> -> memref<640x128xf32, #tpu.memory_space<vmem_shared>>
      tpu.enqueue_dma source(%dma_start3A_53 : memref<640x128xf32, #tpu.memory_space<vmem_shared>>) target(%dma_start3A_51 : memref<640x128xf32, #tpu.memory_space<hbm>>) target_semaphore(%run_scoped3A : memref<!tpu.dma_semaphore, #tpu.memory_space<semaphore_mem>>)
      %dma_wait3A = arith.constant 0 : i32
      %dma_wait3A_54 = arith.constant 0 : i32
      %dma_wait3A_55 = tpu.memref_slice %arg5[%arg0, %dma_wait3A, %dma_wait3A_54] : memref<2x10240x128xf32, #tpu.memory_space<hbm>> -> memref<1x10240x128xf32, #tpu.memory_space<hbm>>
      %dma_wait3A_56 = tpu.memref_squeeze %dma_wait3A_55 : memref<1x10240x128xf32, #tpu.memory_space<hbm>> -> memref<10240x128xf32, #tpu.memory_space<hbm>>
      %dma_wait3A_57 = arith.constant 0 : i32
      %dma_wait3A_58 = tpu.memref_slice %dma_wait3A_56[%mul3A_45, %dma_wait3A_57] : memref<10240x128xf32, #tpu.memory_space<hbm>> -> memref<640x128xf32, #tpu.memory_space<hbm>>
      %dma_wait3A_59 = arith.constant 0 : i32
      %dma_wait3A_60 = tpu.memref_slice %arg10[%mul3A_43, %dma_wait3A_59] : memref<10240x128xf32, #tpu.memory_space<vmem_shared>> -> memref<640x128xf32, #tpu.memory_space<vmem_shared>>
      tpu.wait_dma2 semaphore(%run_scoped3A : memref<!tpu.dma_semaphore, #tpu.memory_space<semaphore_mem>>) src(%dma_wait3A_60 : memref<640x128xf32, #tpu.memory_space<vmem_shared>>) dst(%dma_wait3A_58 : memref<640x128xf32, #tpu.memory_space<hbm>>)
      tpu.yield
    }) : () -> ()
    return
  }
}

module attributes {stable_mosaic.version = 14 : i64} {
  func.func @_enc_body(%arg0: i32, %arg1: memref<1000x9xi32, #tpu.memory_space<vmem>>, %arg2: memref<9x64x128xf32, #tpu.memory_space<vmem>>, %arg3: memref<1000x128xf32, #tpu.memory_space<vmem>>) attributes {dimension_semantics = [#tpu.dimension_semantics<arbitrary>], iteration_bounds = array<i64: 10>, scalar_prefetch = 0 : i64, scratch_operands = 0 : i64, tpu.core_type = #tpu.core_type<tc>, window_params = [{transform_indices = @transform_0, window_bounds = array<i64: 1000, 9>}, {pipeline_mode = #tpu.pipeline_mode<synchronous>, transform_indices = @transform_1, window_bounds = array<i64: 9, 64, 128>}, {transform_indices = @transform_2, window_bounds = array<i64: 1000, 128>}]} {
    %get3A = arith.constant 0 : index
    %get3A_0 = arith.constant 0 : index
    %get3A_1 = vector.load %arg1[%get3A, %get3A_0] : memref<1000x9xi32, #tpu.memory_space<vmem>>, vector<1000x9xi32>
    %iota3A = tpu.iota {dimensions = array<i32: 1>} : vector<1x64xi32>
    %broadcast_in_dim3A = arith.constant 0.000000e+00 : f32
    %broadcast_in_dim3A_2 = vector.broadcast %broadcast_in_dim3A : f32 to vector<1000x128xf32>
    %slice3A = vector.extract_strided_slice %get3A_1 {offsets = [0, 0], sizes = [1000, 1], strides = [1, 1]} : vector<1000x9xi32> to vector<1000x1xi32>
    %eq3A = vector.broadcast %slice3A : vector<1000x1xi32> to vector<1000x64xi32>
    %eq3A_3 = vector.broadcast %iota3A : vector<1x64xi32> to vector<1000x64xi32>
    %eq3A_4 = arith.cmpi eq, %eq3A, %eq3A_3 : vector<1000x64xi32>
    %convert_element_type3A = arith.extui %eq3A_4 : vector<1000x64xi1> to vector<1000x64xi32>
    %convert_element_type3A_5 = arith.sitofp %convert_element_type3A : vector<1000x64xi32> to vector<1000x64xf32>
    %get3A_6 = arith.constant 0 : index
    %get3A_7 = arith.constant 0 : index
    %get3A_8 = arith.constant 0 : index
    %get3A_9 = vector.load %arg2[%get3A_6, %get3A_7, %get3A_8] : memref<9x64x128xf32, #tpu.memory_space<vmem>>, vector<1x64x128xf32>
    %get3A_10 = vector.shape_cast %get3A_9 : vector<1x64x128xf32> to vector<64x128xf32>
    %dot_general3A = arith.constant dense<0.000000e+00> : vector<1000x128xf32>
    %dot_general3A_11 = tpu.matmul %convert_element_type3A_5, %get3A_10, %dot_general3A {dimension_numbers = #tpu.dot_dimension_numbers<[1], [0], [0], [1], [0, 0, 1, 1], [], []>, transpose_lhs_hint = false} : vector<1000x64xf32>, vector<64x128xf32>, vector<1000x128xf32> -> vector<1000x128xf32>
    %add3A = arith.addf %broadcast_in_dim3A_2, %dot_general3A_11 : vector<1000x128xf32>
    %slice3A_12 = vector.extract_strided_slice %get3A_1 {offsets = [0, 1], sizes = [1000, 1], strides = [1, 1]} : vector<1000x9xi32> to vector<1000x1xi32>
    %eq3A_13 = vector.broadcast %slice3A_12 : vector<1000x1xi32> to vector<1000x64xi32>
    %eq3A_14 = vector.broadcast %iota3A : vector<1x64xi32> to vector<1000x64xi32>
    %eq3A_15 = arith.cmpi eq, %eq3A_13, %eq3A_14 : vector<1000x64xi32>
    %convert_element_type3A_16 = arith.extui %eq3A_15 : vector<1000x64xi1> to vector<1000x64xi32>
    %convert_element_type3A_17 = arith.sitofp %convert_element_type3A_16 : vector<1000x64xi32> to vector<1000x64xf32>
    %get3A_18 = arith.constant 1 : index
    %get3A_19 = arith.constant 0 : index
    %get3A_20 = arith.constant 0 : index
    %get3A_21 = vector.load %arg2[%get3A_18, %get3A_19, %get3A_20] : memref<9x64x128xf32, #tpu.memory_space<vmem>>, vector<1x64x128xf32>
    %get3A_22 = vector.shape_cast %get3A_21 : vector<1x64x128xf32> to vector<64x128xf32>
    %dot_general3A_23 = arith.constant dense<0.000000e+00> : vector<1000x128xf32>
    %dot_general3A_24 = tpu.matmul %convert_element_type3A_17, %get3A_22, %dot_general3A_23 {dimension_numbers = #tpu.dot_dimension_numbers<[1], [0], [0], [1], [0, 0, 1, 1], [], []>, transpose_lhs_hint = false} : vector<1000x64xf32>, vector<64x128xf32>, vector<1000x128xf32> -> vector<1000x128xf32>
    %add3A_25 = arith.addf %add3A, %dot_general3A_24 : vector<1000x128xf32>
    %slice3A_26 = vector.extract_strided_slice %get3A_1 {offsets = [0, 2], sizes = [1000, 1], strides = [1, 1]} : vector<1000x9xi32> to vector<1000x1xi32>
    %eq3A_27 = vector.broadcast %slice3A_26 : vector<1000x1xi32> to vector<1000x64xi32>
    %eq3A_28 = vector.broadcast %iota3A : vector<1x64xi32> to vector<1000x64xi32>
    %eq3A_29 = arith.cmpi eq, %eq3A_27, %eq3A_28 : vector<1000x64xi32>
    %convert_element_type3A_30 = arith.extui %eq3A_29 : vector<1000x64xi1> to vector<1000x64xi32>
    %convert_element_type3A_31 = arith.sitofp %convert_element_type3A_30 : vector<1000x64xi32> to vector<1000x64xf32>
    %get3A_32 = arith.constant 2 : index
    %get3A_33 = arith.constant 0 : index
    %get3A_34 = arith.constant 0 : index
    %get3A_35 = vector.load %arg2[%get3A_32, %get3A_33, %get3A_34] : memref<9x64x128xf32, #tpu.memory_space<vmem>>, vector<1x64x128xf32>
    %get3A_36 = vector.shape_cast %get3A_35 : vector<1x64x128xf32> to vector<64x128xf32>
    %dot_general3A_37 = arith.constant dense<0.000000e+00> : vector<1000x128xf32>
    %dot_general3A_38 = tpu.matmul %convert_element_type3A_31, %get3A_36, %dot_general3A_37 {dimension_numbers = #tpu.dot_dimension_numbers<[1], [0], [0], [1], [0, 0, 1, 1], [], []>, transpose_lhs_hint = false} : vector<1000x64xf32>, vector<64x128xf32>, vector<1000x128xf32> -> vector<1000x128xf32>
    %add3A_39 = arith.addf %add3A_25, %dot_general3A_38 : vector<1000x128xf32>
    %slice3A_40 = vector.extract_strided_slice %get3A_1 {offsets = [0, 3], sizes = [1000, 1], strides = [1, 1]} : vector<1000x9xi32> to vector<1000x1xi32>
    %eq3A_41 = vector.broadcast %slice3A_40 : vector<1000x1xi32> to vector<1000x64xi32>
    %eq3A_42 = vector.broadcast %iota3A : vector<1x64xi32> to vector<1000x64xi32>
    %eq3A_43 = arith.cmpi eq, %eq3A_41, %eq3A_42 : vector<1000x64xi32>
    %convert_element_type3A_44 = arith.extui %eq3A_43 : vector<1000x64xi1> to vector<1000x64xi32>
    %convert_element_type3A_45 = arith.sitofp %convert_element_type3A_44 : vector<1000x64xi32> to vector<1000x64xf32>
    %get3A_46 = arith.constant 3 : index
    %get3A_47 = arith.constant 0 : index
    %get3A_48 = arith.constant 0 : index
    %get3A_49 = vector.load %arg2[%get3A_46, %get3A_47, %get3A_48] : memref<9x64x128xf32, #tpu.memory_space<vmem>>, vector<1x64x128xf32>
    %get3A_50 = vector.shape_cast %get3A_49 : vector<1x64x128xf32> to vector<64x128xf32>
    %dot_general3A_51 = arith.constant dense<0.000000e+00> : vector<1000x128xf32>
    %dot_general3A_52 = tpu.matmul %convert_element_type3A_45, %get3A_50, %dot_general3A_51 {dimension_numbers = #tpu.dot_dimension_numbers<[1], [0], [0], [1], [0, 0, 1, 1], [], []>, transpose_lhs_hint = false} : vector<1000x64xf32>, vector<64x128xf32>, vector<1000x128xf32> -> vector<1000x128xf32>
    %add3A_53 = arith.addf %add3A_39, %dot_general3A_52 : vector<1000x128xf32>
    %slice3A_54 = vector.extract_strided_slice %get3A_1 {offsets = [0, 4], sizes = [1000, 1], strides = [1, 1]} : vector<1000x9xi32> to vector<1000x1xi32>
    %eq3A_55 = vector.broadcast %slice3A_54 : vector<1000x1xi32> to vector<1000x64xi32>
    %eq3A_56 = vector.broadcast %iota3A : vector<1x64xi32> to vector<1000x64xi32>
    %eq3A_57 = arith.cmpi eq, %eq3A_55, %eq3A_56 : vector<1000x64xi32>
    %convert_element_type3A_58 = arith.extui %eq3A_57 : vector<1000x64xi1> to vector<1000x64xi32>
    %convert_element_type3A_59 = arith.sitofp %convert_element_type3A_58 : vector<1000x64xi32> to vector<1000x64xf32>
    %get3A_60 = arith.constant 4 : index
    %get3A_61 = arith.constant 0 : index
    %get3A_62 = arith.constant 0 : index
    %get3A_63 = vector.load %arg2[%get3A_60, %get3A_61, %get3A_62] : memref<9x64x128xf32, #tpu.memory_space<vmem>>, vector<1x64x128xf32>
    %get3A_64 = vector.shape_cast %get3A_63 : vector<1x64x128xf32> to vector<64x128xf32>
    %dot_general3A_65 = arith.constant dense<0.000000e+00> : vector<1000x128xf32>
    %dot_general3A_66 = tpu.matmul %convert_element_type3A_59, %get3A_64, %dot_general3A_65 {dimension_numbers = #tpu.dot_dimension_numbers<[1], [0], [0], [1], [0, 0, 1, 1], [], []>, transpose_lhs_hint = false} : vector<1000x64xf32>, vector<64x128xf32>, vector<1000x128xf32> -> vector<1000x128xf32>
    %add3A_67 = arith.addf %add3A_53, %dot_general3A_66 : vector<1000x128xf32>
    %slice3A_68 = vector.extract_strided_slice %get3A_1 {offsets = [0, 5], sizes = [1000, 1], strides = [1, 1]} : vector<1000x9xi32> to vector<1000x1xi32>
    %eq3A_69 = vector.broadcast %slice3A_68 : vector<1000x1xi32> to vector<1000x64xi32>
    %eq3A_70 = vector.broadcast %iota3A : vector<1x64xi32> to vector<1000x64xi32>
    %eq3A_71 = arith.cmpi eq, %eq3A_69, %eq3A_70 : vector<1000x64xi32>
    %convert_element_type3A_72 = arith.extui %eq3A_71 : vector<1000x64xi1> to vector<1000x64xi32>
    %convert_element_type3A_73 = arith.sitofp %convert_element_type3A_72 : vector<1000x64xi32> to vector<1000x64xf32>
    %get3A_74 = arith.constant 5 : index
    %get3A_75 = arith.constant 0 : index
    %get3A_76 = arith.constant 0 : index
    %get3A_77 = vector.load %arg2[%get3A_74, %get3A_75, %get3A_76] : memref<9x64x128xf32, #tpu.memory_space<vmem>>, vector<1x64x128xf32>
    %get3A_78 = vector.shape_cast %get3A_77 : vector<1x64x128xf32> to vector<64x128xf32>
    %dot_general3A_79 = arith.constant dense<0.000000e+00> : vector<1000x128xf32>
    %dot_general3A_80 = tpu.matmul %convert_element_type3A_73, %get3A_78, %dot_general3A_79 {dimension_numbers = #tpu.dot_dimension_numbers<[1], [0], [0], [1], [0, 0, 1, 1], [], []>, transpose_lhs_hint = false} : vector<1000x64xf32>, vector<64x128xf32>, vector<1000x128xf32> -> vector<1000x128xf32>
    %add3A_81 = arith.addf %add3A_67, %dot_general3A_80 : vector<1000x128xf32>
    %slice3A_82 = vector.extract_strided_slice %get3A_1 {offsets = [0, 6], sizes = [1000, 1], strides = [1, 1]} : vector<1000x9xi32> to vector<1000x1xi32>
    %eq3A_83 = vector.broadcast %slice3A_82 : vector<1000x1xi32> to vector<1000x64xi32>
    %eq3A_84 = vector.broadcast %iota3A : vector<1x64xi32> to vector<1000x64xi32>
    %eq3A_85 = arith.cmpi eq, %eq3A_83, %eq3A_84 : vector<1000x64xi32>
    %convert_element_type3A_86 = arith.extui %eq3A_85 : vector<1000x64xi1> to vector<1000x64xi32>
    %convert_element_type3A_87 = arith.sitofp %convert_element_type3A_86 : vector<1000x64xi32> to vector<1000x64xf32>
    %get3A_88 = arith.constant 6 : index
    %get3A_89 = arith.constant 0 : index
    %get3A_90 = arith.constant 0 : index
    %get3A_91 = vector.load %arg2[%get3A_88, %get3A_89, %get3A_90] : memref<9x64x128xf32, #tpu.memory_space<vmem>>, vector<1x64x128xf32>
    %get3A_92 = vector.shape_cast %get3A_91 : vector<1x64x128xf32> to vector<64x128xf32>
    %dot_general3A_93 = arith.constant dense<0.000000e+00> : vector<1000x128xf32>
    %dot_general3A_94 = tpu.matmul %convert_element_type3A_87, %get3A_92, %dot_general3A_93 {dimension_numbers = #tpu.dot_dimension_numbers<[1], [0], [0], [1], [0, 0, 1, 1], [], []>, transpose_lhs_hint = false} : vector<1000x64xf32>, vector<64x128xf32>, vector<1000x128xf32> -> vector<1000x128xf32>
    %add3A_95 = arith.addf %add3A_81, %dot_general3A_94 : vector<1000x128xf32>
    %slice3A_96 = vector.extract_strided_slice %get3A_1 {offsets = [0, 7], sizes = [1000, 1], strides = [1, 1]} : vector<1000x9xi32> to vector<1000x1xi32>
    %eq3A_97 = vector.broadcast %slice3A_96 : vector<1000x1xi32> to vector<1000x64xi32>
    %eq3A_98 = vector.broadcast %iota3A : vector<1x64xi32> to vector<1000x64xi32>
    %eq3A_99 = arith.cmpi eq, %eq3A_97, %eq3A_98 : vector<1000x64xi32>
    %convert_element_type3A_100 = arith.extui %eq3A_99 : vector<1000x64xi1> to vector<1000x64xi32>
    %convert_element_type3A_101 = arith.sitofp %convert_element_type3A_100 : vector<1000x64xi32> to vector<1000x64xf32>
    %get3A_102 = arith.constant 7 : index
    %get3A_103 = arith.constant 0 : index
    %get3A_104 = arith.constant 0 : index
    %get3A_105 = vector.load %arg2[%get3A_102, %get3A_103, %get3A_104] : memref<9x64x128xf32, #tpu.memory_space<vmem>>, vector<1x64x128xf32>
    %get3A_106 = vector.shape_cast %get3A_105 : vector<1x64x128xf32> to vector<64x128xf32>
    %dot_general3A_107 = arith.constant dense<0.000000e+00> : vector<1000x128xf32>
    %dot_general3A_108 = tpu.matmul %convert_element_type3A_101, %get3A_106, %dot_general3A_107 {dimension_numbers = #tpu.dot_dimension_numbers<[1], [0], [0], [1], [0, 0, 1, 1], [], []>, transpose_lhs_hint = false} : vector<1000x64xf32>, vector<64x128xf32>, vector<1000x128xf32> -> vector<1000x128xf32>
    %add3A_109 = arith.addf %add3A_95, %dot_general3A_108 : vector<1000x128xf32>
    %slice3A_110 = vector.extract_strided_slice %get3A_1 {offsets = [0, 8], sizes = [1000, 1], strides = [1, 1]} : vector<1000x9xi32> to vector<1000x1xi32>
    %eq3A_111 = vector.broadcast %slice3A_110 : vector<1000x1xi32> to vector<1000x64xi32>
    %eq3A_112 = vector.broadcast %iota3A : vector<1x64xi32> to vector<1000x64xi32>
    %eq3A_113 = arith.cmpi eq, %eq3A_111, %eq3A_112 : vector<1000x64xi32>
    %convert_element_type3A_114 = arith.extui %eq3A_113 : vector<1000x64xi1> to vector<1000x64xi32>
    %convert_element_type3A_115 = arith.sitofp %convert_element_type3A_114 : vector<1000x64xi32> to vector<1000x64xf32>
    %get3A_116 = arith.constant 8 : index
    %get3A_117 = arith.constant 0 : index
    %get3A_118 = arith.constant 0 : index
    %get3A_119 = vector.load %arg2[%get3A_116, %get3A_117, %get3A_118] : memref<9x64x128xf32, #tpu.memory_space<vmem>>, vector<1x64x128xf32>
    %get3A_120 = vector.shape_cast %get3A_119 : vector<1x64x128xf32> to vector<64x128xf32>
    %dot_general3A_121 = arith.constant dense<0.000000e+00> : vector<1000x128xf32>
    %dot_general3A_122 = tpu.matmul %convert_element_type3A_115, %get3A_120, %dot_general3A_121 {dimension_numbers = #tpu.dot_dimension_numbers<[1], [0], [0], [1], [0, 0, 1, 1], [], []>, transpose_lhs_hint = false} : vector<1000x64xf32>, vector<64x128xf32>, vector<1000x128xf32> -> vector<1000x128xf32>
    %add3A_123 = arith.addf %add3A_109, %dot_general3A_122 : vector<1000x128xf32>
    %swap3A = arith.constant 0 : index
    %swap3A_124 = arith.constant 0 : index
    %swap3A_125 = vector.load %arg3[%swap3A, %swap3A_124] : memref<1000x128xf32, #tpu.memory_space<vmem>>, vector<1000x128xf32>
    tpu.vector_store %arg3[%swap3A, %swap3A_124], %add3A_123 {strides = array<i32>} : memref<1000x128xf32, #tpu.memory_space<vmem>>, vector<1000x128xf32>,
    return
  }
  func.func @transform_0(%arg0: i32) -> (i32, i32) {
    %c0_i32 = arith.constant 0 : i32
    %c0_i32_0 = arith.constant 0 : i32
    return %arg0, %c0_i32 : i32, i32
  }
  func.func @transform_1(%arg0: i32) -> (i32, i32, i32) {
    %c0_i32 = arith.constant 0 : i32
    %c0_i32_0 = arith.constant 0 : i32
    %c0_i32_1 = arith.constant 0 : i32
    %c0_i32_2 = arith.constant 0 : i32
    return %c0_i32, %c0_i32_0, %c0_i32_1 : i32, i32, i32
  }
  func.func @transform_2(%arg0: i32) -> (i32, i32) {
    %c0_i32 = arith.constant 0 : i32
    %c0_i32_0 = arith.constant 0 : i32
    return %arg0, %c0_i32 : i32, i32
  }
}

module attributes {stable_mosaic.version = 14 : i64} {
  func.func @_pre_body(%arg0: i32, %arg1: memref<1000x128xf32, #tpu.memory_space<vmem>>, %arg2: memref<128x128xf32, #tpu.memory_space<vmem>>, %arg3: memref<1000x128xf32, #tpu.memory_space<vmem>>, %arg4: memref<1000x128xf32, #tpu.memory_space<vmem>>, %arg5: memref<1000x128xf32, #tpu.memory_space<vmem>>) attributes {dimension_semantics = [#tpu.dimension_semantics<arbitrary>], iteration_bounds = array<i64: 10>, scalar_prefetch = 0 : i64, scratch_operands = 0 : i64, tpu.core_type = #tpu.core_type<tc>, window_params = [{transform_indices = @transform_0, window_bounds = array<i64: 1000, 128>}, {pipeline_mode = #tpu.pipeline_mode<synchronous>, transform_indices = @transform_1, window_bounds = array<i64: 128, 128>}, {transform_indices = @transform_2, window_bounds = array<i64: 1000, 128>}, {transform_indices = @transform_3, window_bounds = array<i64: 1000, 128>}, {transform_indices = @transform_4, window_bounds = array<i64: 1000, 128>}]} {
    %get3A = arith.constant 0 : index
    %get3A_0 = arith.constant 0 : index
    %get3A_1 = vector.load %arg3[%get3A, %get3A_0] : memref<1000x128xf32, #tpu.memory_space<vmem>>, vector<1000x128xf32>
    %get3A_2 = arith.constant 0 : index
    %get3A_3 = arith.constant 0 : index
    %get3A_4 = vector.load %arg4[%get3A_2, %get3A_3] : memref<1000x128xf32, #tpu.memory_space<vmem>>, vector<1000x128xf32>
    %slice3A = vector.extract_strided_slice %get3A_1 {offsets = [0, 0], sizes = [1000, 1], strides = [1, 1]} : vector<1000x128xf32> to vector<1000x1xf32>
    %slice3A_5 = vector.extract_strided_slice %get3A_4 {offsets = [0, 0], sizes = [1000, 1], strides = [1, 1]} : vector<1000x128xf32> to vector<1000x1xf32>
    %add3A = arith.addf %slice3A, %slice3A_5 : vector<1000x1xf32>
    %add3A_6 = arith.constant 1.000000e+00 : f32
    %add3A_7 = vector.broadcast %add3A_6 : f32 to vector<1000x1xf32>
    %add3A_8 = arith.addf %add3A, %add3A_7 : vector<1000x1xf32>
    %rsqrt3A = math.rsqrt %add3A_8 : vector<1000x1xf32>
    %get3A_9 = arith.constant 0 : index
    %get3A_10 = arith.constant 0 : index
    %get3A_11 = vector.load %arg1[%get3A_9, %get3A_10] : memref<1000x128xf32, #tpu.memory_space<vmem>>, vector<1000x128xf32>
    %get3A_12 = arith.constant 0 : index
    %get3A_13 = arith.constant 0 : index
    %get3A_14 = vector.load %arg2[%get3A_12, %get3A_13] : memref<128x128xf32, #tpu.memory_space<vmem>>, vector<128x128xf32>
    %dot_general3A = arith.constant dense<0.000000e+00> : vector<1000x128xf32>
    %dot_general3A_15 = tpu.matmul %get3A_11, %get3A_14, %dot_general3A {dimension_numbers = #tpu.dot_dimension_numbers<[1], [0], [0], [1], [0, 0, 1, 1], [], []>, transpose_lhs_hint = false} : vector<1000x128xf32>, vector<128x128xf32>, vector<1000x128xf32> -> vector<1000x128xf32>
    %mul3A = vector.broadcast %rsqrt3A : vector<1000x1xf32> to vector<1000x128xf32>
    %mul3A_16 = arith.mulf %dot_general3A_15, %mul3A : vector<1000x128xf32>
    %swap3A = arith.constant 0 : index
    %swap3A_17 = arith.constant 0 : index
    %swap3A_18 = vector.load %arg5[%swap3A, %swap3A_17] : memref<1000x128xf32, #tpu.memory_space<vmem>>, vector<1000x128xf32>
    tpu.vector_store %arg5[%swap3A, %swap3A_17], %mul3A_16 {strides = array<i32>} : memref<1000x128xf32, #tpu.memory_space<vmem>>, vector<1000x128xf32>,
    return
  }
  func.func @transform_0(%arg0: i32) -> (i32, i32) {
    %c0_i32 = arith.constant 0 : i32
    %c0_i32_0 = arith.constant 0 : i32
    return %arg0, %c0_i32 : i32, i32
  }
  func.func @transform_1(%arg0: i32) -> (i32, i32) {
    %c0_i32 = arith.constant 0 : i32
    %c0_i32_0 = arith.constant 0 : i32
    %c0_i32_1 = arith.constant 0 : i32
    return %c0_i32, %c0_i32_0 : i32, i32
  }
  func.func @transform_2(%arg0: i32) -> (i32, i32) {
    %c0_i32 = arith.constant 0 : i32
    %c0_i32_0 = arith.constant 0 : i32
    return %arg0, %c0_i32 : i32, i32
  }
  func.func @transform_3(%arg0: i32) -> (i32, i32) {
    %c0_i32 = arith.constant 0 : i32
    %c0_i32_0 = arith.constant 0 : i32
    return %arg0, %c0_i32 : i32, i32
  }
  func.func @transform_4(%arg0: i32) -> (i32, i32) {
    %c0_i32 = arith.constant 0 : i32
    %c0_i32_0 = arith.constant 0 : i32
    return %arg0, %c0_i32 : i32, i32
  }
}

module attributes {stable_mosaic.version = 14 : i64} {
  func.func @_post_pre_body(%arg0: i32, %arg1: memref<1000x128xf32, #tpu.memory_space<vmem>>, %arg2: memref<1000x128xf32, #tpu.memory_space<vmem>>, %arg3: memref<1000x128xf32, #tpu.memory_space<vmem>>, %arg4: memref<1000x128xf32, #tpu.memory_space<vmem>>, %arg5: memref<1000x128xf32, #tpu.memory_space<vmem>>, %arg6: memref<1000x128xf32, #tpu.memory_space<vmem>>, %arg7: memref<1x128xf32, #tpu.memory_space<vmem>>, %arg8: memref<1x128xf32, #tpu.memory_space<vmem>>, %arg9: memref<1x128xf32, #tpu.memory_space<vmem>>, %arg10: memref<128x128xf32, #tpu.memory_space<vmem>>, %arg11: memref<1000x128xf32, #tpu.memory_space<vmem>>, %arg12: memref<1000x128xf32, #tpu.memory_space<vmem>>) attributes {dimension_semantics = [#tpu.dimension_semantics<arbitrary>], iteration_bounds = array<i64: 10>, scalar_prefetch = 0 : i64, scratch_operands = 0 : i64, tpu.core_type = #tpu.core_type<tc>, window_params = [{transform_indices = @transform_0, window_bounds = array<i64: 1000, 128>}, {transform_indices = @transform_1, window_bounds = array<i64: 1000, 128>}, {transform_indices = @transform_2, window_bounds = array<i64: 1000, 128>}, {transform_indices = @transform_3, window_bounds = array<i64: 1000, 128>}, {transform_indices = @transform_4, window_bounds = array<i64: 1000, 128>}, {transform_indices = @transform_5, window_bounds = array<i64: 1000, 128>}, {pipeline_mode = #tpu.pipeline_mode<synchronous>, transform_indices = @transform_6, window_bounds = array<i64: 1, 128>}, {pipeline_mode = #tpu.pipeline_mode<synchronous>, transform_indices = @transform_7, window_bounds = array<i64: 1, 128>}, {pipeline_mode = #tpu.pipeline_mode<synchronous>, transform_indices = @transform_8, window_bounds = array<i64: 1, 128>}, {pipeline_mode = #tpu.pipeline_mode<synchronous>, transform_indices = @transform_9, window_bounds = array<i64: 128, 128>}, {transform_indices = @transform_10, window_bounds = array<i64: 1000, 128>}, {transform_indices = @transform_11, window_bounds = array<i64: 1000, 128>}]} {
    %get3A = arith.constant 0 : index
    %get3A_0 = arith.constant 0 : index
    %get3A_1 = vector.load %arg4[%get3A, %get3A_0] : memref<1000x128xf32, #tpu.memory_space<vmem>>, vector<1000x128xf32>
    %get3A_2 = arith.constant 0 : index
    %get3A_3 = arith.constant 0 : index
    %get3A_4 = vector.load %arg5[%get3A_2, %get3A_3] : memref<1000x128xf32, #tpu.memory_space<vmem>>, vector<1000x128xf32>
    %slice3A = vector.extract_strided_slice %get3A_1 {offsets = [0, 0], sizes = [1000, 1], strides = [1, 1]} : vector<1000x128xf32> to vector<1000x1xf32>
    %slice3A_5 = vector.extract_strided_slice %get3A_4 {offsets = [0, 0], sizes = [1000, 1], strides = [1, 1]} : vector<1000x128xf32> to vector<1000x1xf32>
    %add3A = arith.addf %slice3A, %slice3A_5 : vector<1000x1xf32>
    %add3A_6 = arith.constant 1.000000e+00 : f32
    %add3A_7 = vector.broadcast %add3A_6 : f32 to vector<1000x1xf32>
    %add3A_8 = arith.addf %add3A, %add3A_7 : vector<1000x1xf32>
    %rsqrt3A = math.rsqrt %add3A_8 : vector<1000x1xf32>
    %get3A_9 = arith.constant 0 : index
    %get3A_10 = arith.constant 0 : index
    %get3A_11 = vector.load %arg1[%get3A_9, %get3A_10] : memref<1000x128xf32, #tpu.memory_space<vmem>>, vector<1000x128xf32>
    %get3A_12 = arith.constant 0 : index
    %get3A_13 = arith.constant 0 : index
    %get3A_14 = vector.load %arg2[%get3A_12, %get3A_13] : memref<1000x128xf32, #tpu.memory_space<vmem>>, vector<1000x128xf32>
    %get3A_15 = arith.constant 0 : index
    %get3A_16 = arith.constant 0 : index
    %get3A_17 = vector.load %arg3[%get3A_15, %get3A_16] : memref<1000x128xf32, #tpu.memory_space<vmem>>, vector<1000x128xf32>
    %get3A_18 = arith.constant 0 : index
    %get3A_19 = arith.constant 0 : index
    %get3A_20 = vector.load %arg6[%get3A_18, %get3A_19] : memref<1000x128xf32, #tpu.memory_space<vmem>>, vector<1000x128xf32>
    %get3A_21 = arith.constant 0 : index
    %get3A_22 = arith.constant 0 : index
    %get3A_23 = vector.load %arg7[%get3A_21, %get3A_22] : memref<1x128xf32, #tpu.memory_space<vmem>>, vector<1x128xf32>
    %get3A_24 = arith.constant 0 : index
    %get3A_25 = arith.constant 0 : index
    %get3A_26 = vector.load %arg8[%get3A_24, %get3A_25] : memref<1x128xf32, #tpu.memory_space<vmem>>, vector<1x128xf32>
    %get3A_27 = arith.constant 0 : index
    %get3A_28 = arith.constant 0 : index
    %get3A_29 = vector.load %arg9[%get3A_27, %get3A_28] : memref<1x128xf32, #tpu.memory_space<vmem>>, vector<1x128xf32>
    %add3A_30 = arith.addf %get3A_11, %get3A_14 : vector<1000x128xf32>
    %add3A_31 = arith.addf %add3A_30, %get3A_17 : vector<1000x128xf32>
    %mul3A = vector.broadcast %rsqrt3A : vector<1000x1xf32> to vector<1000x128xf32>
    %mul3A_32 = arith.mulf %add3A_31, %mul3A : vector<1000x128xf32>
    %add3A_33 = vector.broadcast %get3A_23 : vector<1x128xf32> to vector<1000x128xf32>
    %add3A_34 = arith.addf %mul3A_32, %add3A_33 : vector<1000x128xf32>
    %max3A = arith.constant 0.000000e+00 : f32
    %max3A_35 = vector.broadcast %max3A : f32 to vector<1000x128xf32>
    %max3A_36 = arith.maximumf %add3A_34, %max3A_35 : vector<1000x128xf32>
    %mul3A_37 = vector.broadcast %get3A_26 : vector<1x128xf32> to vector<1000x128xf32>
    %mul3A_38 = arith.mulf %max3A_36, %mul3A_37 : vector<1000x128xf32>
    %add3A_39 = vector.broadcast %get3A_29 : vector<1x128xf32> to vector<1000x128xf32>
    %add3A_40 = arith.addf %mul3A_38, %add3A_39 : vector<1000x128xf32>
    %max3A_41 = arith.constant 0.000000e+00 : f32
    %max3A_42 = vector.broadcast %max3A_41 : f32 to vector<1000x128xf32>
    %max3A_43 = arith.maximumf %add3A_40, %max3A_42 : vector<1000x128xf32>
    %add3A_44 = arith.addf %max3A_43, %get3A_20 : vector<1000x128xf32>
    %swap3A = arith.constant 0 : index
    %swap3A_45 = arith.constant 0 : index
    %swap3A_46 = vector.load %arg11[%swap3A, %swap3A_45] : memref<1000x128xf32, #tpu.memory_space<vmem>>, vector<1000x128xf32>
    tpu.vector_store %arg11[%swap3A, %swap3A_45], %add3A_44 {strides = array<i32>} : memref<1000x128xf32, #tpu.memory_space<vmem>>, vector<1000x128xf32>,
    %get3A_47 = arith.constant 0 : index
    %get3A_48 = arith.constant 0 : index
    %get3A_49 = vector.load %arg10[%get3A_47, %get3A_48] : memref<128x128xf32, #tpu.memory_space<vmem>>, vector<128x128xf32>
    %dot_general3A = arith.constant dense<0.000000e+00> : vector<1000x128xf32>
    %dot_general3A_50 = tpu.matmul %add3A_44, %get3A_49, %dot_general3A {dimension_numbers = #tpu.dot_dimension_numbers<[1], [0], [0], [1], [0, 0, 1, 1], [], []>, transpose_lhs_hint = false} : vector<1000x128xf32>, vector<128x128xf32>, vector<1000x128xf32> -> vector<1000x128xf32>
    %mul3A_51 = vector.broadcast %rsqrt3A : vector<1000x1xf32> to vector<1000x128xf32>
    %mul3A_52 = arith.mulf %dot_general3A_50, %mul3A_51 : vector<1000x128xf32>
    %swap3A_53 = arith.constant 0 : index
    %swap3A_54 = arith.constant 0 : index
    %swap3A_55 = vector.load %arg12[%swap3A_53, %swap3A_54] : memref<1000x128xf32, #tpu.memory_space<vmem>>, vector<1000x128xf32>
    tpu.vector_store %arg12[%swap3A_53, %swap3A_54], %mul3A_52 {strides = array<i32>} : memref<1000x128xf32, #tpu.memory_space<vmem>>, vector<1000x128xf32>,
    return
  }
  func.func @transform_0(%arg0: i32) -> (i32, i32) {
    %c0_i32 = arith.constant 0 : i32
    %c0_i32_0 = arith.constant 0 : i32
    return %arg0, %c0_i32 : i32, i32
  }
  func.func @transform_1(%arg0: i32) -> (i32, i32) {
    %c0_i32 = arith.constant 0 : i32
    %c0_i32_0 = arith.constant 0 : i32
    return %arg0, %c0_i32 : i32, i32
  }
  func.func @transform_2(%arg0: i32) -> (i32, i32) {
    %c0_i32 = arith.constant 0 : i32
    %c0_i32_0 = arith.constant 0 : i32
    return %arg0, %c0_i32 : i32, i32
  }
  func.func @transform_3(%arg0: i32) -> (i32, i32) {
    %c0_i32 = arith.constant 0 : i32
    %c0_i32_0 = arith.constant 0 : i32
    return %arg0, %c0_i32 : i32, i32
  }
  func.func @transform_4(%arg0: i32) -> (i32, i32) {
    %c0_i32 = arith.constant 0 : i32
    %c0_i32_0 = arith.constant 0 : i32
    return %arg0, %c0_i32 : i32, i32
  }
  func.func @transform_5(%arg0: i32) -> (i32, i32) {
    %c0_i32 = arith.constant 0 : i32
    %c0_i32_0 = arith.constant 0 : i32
    return %arg0, %c0_i32 : i32, i32
  }
  func.func @transform_6(%arg0: i32) -> (i32, i32) {
    %c0_i32 = arith.constant 0 : i32
    %c0_i32_0 = arith.constant 0 : i32
    %c0_i32_1 = arith.constant 0 : i32
    return %c0_i32, %c0_i32_0 : i32, i32
  }
  func.func @transform_7(%arg0: i32) -> (i32, i32) {
    %c0_i32 = arith.constant 0 : i32
    %c0_i32_0 = arith.constant 0 : i32
    %c0_i32_1 = arith.constant 0 : i32
    return %c0_i32, %c0_i32_0 : i32, i32
  }
  func.func @transform_8(%arg0: i32) -> (i32, i32) {
    %c0_i32 = arith.constant 0 : i32
    %c0_i32_0 = arith.constant 0 : i32
    %c0_i32_1 = arith.constant 0 : i32
    return %c0_i32, %c0_i32_0 : i32, i32
  }
  func.func @transform_9(%arg0: i32) -> (i32, i32) {
    %c0_i32 = arith.constant 0 : i32
    %c0_i32_0 = arith.constant 0 : i32
    %c0_i32_1 = arith.constant 0 : i32
    return %c0_i32, %c0_i32_0 : i32, i32
  }
  func.func @transform_10(%arg0: i32) -> (i32, i32) {
    %c0_i32 = arith.constant 0 : i32
    %c0_i32_0 = arith.constant 0 : i32
    return %arg0, %c0_i32 : i32, i32
  }
  func.func @transform_11(%arg0: i32) -> (i32, i32) {
    %c0_i32 = arith.constant 0 : i32
    %c0_i32_0 = arith.constant 0 : i32
    return %arg0, %c0_i32 : i32, i32
  }
}

module attributes {stable_mosaic.version = 14 : i64} {
  func.func @_post_readout_body(%arg0: i32, %arg1: memref<1000x128xf32, #tpu.memory_space<vmem>>, %arg2: memref<1000x128xf32, #tpu.memory_space<vmem>>, %arg3: memref<1000x128xf32, #tpu.memory_space<vmem>>, %arg4: memref<1000x128xf32, #tpu.memory_space<vmem>>, %arg5: memref<1000x128xf32, #tpu.memory_space<vmem>>, %arg6: memref<1000x128xf32, #tpu.memory_space<vmem>>, %arg7: memref<1x128xf32, #tpu.memory_space<vmem>>, %arg8: memref<1x128xf32, #tpu.memory_space<vmem>>, %arg9: memref<1x128xf32, #tpu.memory_space<vmem>>, %arg10: memref<1x1x1000xi32, #tpu.memory_space<vmem>>, %arg11: memref<1x128xf32, #tpu.memory_space<vmem>>, %arg12: memref<1x1xf32, #tpu.memory_space<vmem>>, %arg13: memref<64x1xf32, #tpu.memory_space<vmem>>, %arg14: memref<64x128xf32, #tpu.memory_space<vmem>>, %arg15: memref<64x1xf32, #tpu.memory_space<vmem>>) attributes {dimension_semantics = [#tpu.dimension_semantics<arbitrary>], iteration_bounds = array<i64: 10>, scalar_prefetch = 0 : i64, scratch_operands = 2 : i64, tpu.core_type = #tpu.core_type<tc>, window_params = [{transform_indices = @transform_0, window_bounds = array<i64: 1000, 128>}, {transform_indices = @transform_1, window_bounds = array<i64: 1000, 128>}, {transform_indices = @transform_2, window_bounds = array<i64: 1000, 128>}, {transform_indices = @transform_3, window_bounds = array<i64: 1000, 128>}, {transform_indices = @transform_4, window_bounds = array<i64: 1000, 128>}, {transform_indices = @transform_5, window_bounds = array<i64: 1000, 128>}, {pipeline_mode = #tpu.pipeline_mode<synchronous>, transform_indices = @transform_6, window_bounds = array<i64: 1, 128>}, {pipeline_mode = #tpu.pipeline_mode<synchronous>, transform_indices = @transform_7, window_bounds = array<i64: 1, 128>}, {pipeline_mode = #tpu.pipeline_mode<synchronous>, transform_indices = @transform_8, window_bounds = array<i64: 1, 128>}, {transform_indices = @transform_9, window_bounds = array<i64: 1, 1, 1000>}, {pipeline_mode = #tpu.pipeline_mode<synchronous>, transform_indices = @transform_10, window_bounds = array<i64: 1, 128>}, {pipeline_mode = #tpu.pipeline_mode<synchronous>, transform_indices = @transform_11, window_bounds = array<i64: 1, 1>}, {pipeline_mode = #tpu.pipeline_mode<synchronous>, transform_indices = @transform_12, window_bounds = array<i64: 64, 1>}]} {
    %get3A = arith.constant 0 : index
    %get3A_0 = arith.constant 0 : index
    %get3A_1 = vector.load %arg4[%get3A, %get3A_0] : memref<1000x128xf32, #tpu.memory_space<vmem>>, vector<1000x128xf32>
    %get3A_2 = arith.constant 0 : index
    %get3A_3 = arith.constant 0 : index
    %get3A_4 = vector.load %arg5[%get3A_2, %get3A_3] : memref<1000x128xf32, #tpu.memory_space<vmem>>, vector<1000x128xf32>
    %slice3A = vector.extract_strided_slice %get3A_1 {offsets = [0, 0], sizes = [1000, 1], strides = [1, 1]} : vector<1000x128xf32> to vector<1000x1xf32>
    %slice3A_5 = vector.extract_strided_slice %get3A_4 {offsets = [0, 0], sizes = [1000, 1], strides = [1, 1]} : vector<1000x128xf32> to vector<1000x1xf32>
    %add3A = arith.addf %slice3A, %slice3A_5 : vector<1000x1xf32>
    %add3A_6 = arith.constant 1.000000e+00 : f32
    %add3A_7 = vector.broadcast %add3A_6 : f32 to vector<1000x1xf32>
    %add3A_8 = arith.addf %add3A, %add3A_7 : vector<1000x1xf32>
    %rsqrt3A = math.rsqrt %add3A_8 : vector<1000x1xf32>
    %get3A_9 = arith.constant 0 : index
    %get3A_10 = arith.constant 0 : index
    %get3A_11 = vector.load %arg1[%get3A_9, %get3A_10] : memref<1000x128xf32, #tpu.memory_space<vmem>>, vector<1000x128xf32>
    %get3A_12 = arith.constant 0 : index
    %get3A_13 = arith.constant 0 : index
    %get3A_14 = vector.load %arg2[%get3A_12, %get3A_13] : memref<1000x128xf32, #tpu.memory_space<vmem>>, vector<1000x128xf32>
    %get3A_15 = arith.constant 0 : index
    %get3A_16 = arith.constant 0 : index
    %get3A_17 = vector.load %arg3[%get3A_15, %get3A_16] : memref<1000x128xf32, #tpu.memory_space<vmem>>, vector<1000x128xf32>
    %get3A_18 = arith.constant 0 : index
    %get3A_19 = arith.constant 0 : index
    %get3A_20 = vector.load %arg6[%get3A_18, %get3A_19] : memref<1000x128xf32, #tpu.memory_space<vmem>>, vector<1000x128xf32>
    %get3A_21 = arith.constant 0 : index
    %get3A_22 = arith.constant 0 : index
    %get3A_23 = vector.load %arg7[%get3A_21, %get3A_22] : memref<1x128xf32, #tpu.memory_space<vmem>>, vector<1x128xf32>
    %get3A_24 = arith.constant 0 : index
    %get3A_25 = arith.constant 0 : index
    %get3A_26 = vector.load %arg8[%get3A_24, %get3A_25] : memref<1x128xf32, #tpu.memory_space<vmem>>, vector<1x128xf32>
    %get3A_27 = arith.constant 0 : index
    %get3A_28 = arith.constant 0 : index
    %get3A_29 = vector.load %arg9[%get3A_27, %get3A_28] : memref<1x128xf32, #tpu.memory_space<vmem>>, vector<1x128xf32>
    %add3A_30 = arith.addf %get3A_11, %get3A_14 : vector<1000x128xf32>
    %add3A_31 = arith.addf %add3A_30, %get3A_17 : vector<1000x128xf32>
    %mul3A = vector.broadcast %rsqrt3A : vector<1000x1xf32> to vector<1000x128xf32>
    %mul3A_32 = arith.mulf %add3A_31, %mul3A : vector<1000x128xf32>
    %add3A_33 = vector.broadcast %get3A_23 : vector<1x128xf32> to vector<1000x128xf32>
    %add3A_34 = arith.addf %mul3A_32, %add3A_33 : vector<1000x128xf32>
    %max3A = arith.constant 0.000000e+00 : f32
    %max3A_35 = vector.broadcast %max3A : f32 to vector<1000x128xf32>
    %max3A_36 = arith.maximumf %add3A_34, %max3A_35 : vector<1000x128xf32>
    %mul3A_37 = vector.broadcast %get3A_26 : vector<1x128xf32> to vector<1000x128xf32>
    %mul3A_38 = arith.mulf %max3A_36, %mul3A_37 : vector<1000x128xf32>
    %add3A_39 = vector.broadcast %get3A_29 : vector<1x128xf32> to vector<1000x128xf32>
    %add3A_40 = arith.addf %mul3A_38, %add3A_39 : vector<1000x128xf32>
    %max3A_41 = arith.constant 0.000000e+00 : f32
    %max3A_42 = vector.broadcast %max3A_41 : f32 to vector<1000x128xf32>
    %max3A_43 = arith.maximumf %add3A_40, %max3A_42 : vector<1000x128xf32>
    %add3A_44 = arith.addf %max3A_43, %get3A_20 : vector<1000x128xf32>
    %get3A_45 = arith.constant 0 : index
    %get3A_46 = arith.constant 0 : index
    %get3A_47 = arith.constant 0 : index
    %get3A_48 = vector.load %arg10[%get3A_45, %get3A_46, %get3A_47] : memref<1x1x1000xi32, #tpu.memory_space<vmem>>, vector<1x1x1000xi32>
    %get3A_49 = vector.shape_cast %get3A_48 : vector<1x1x1000xi32> to vector<1x1000xi32>
    %iota3A = tpu.iota {dimensions = array<i32: 0>} : vector<64x1xi32>
    %eq3A = vector.broadcast %iota3A : vector<64x1xi32> to vector<64x1000xi32>
    %eq3A_50 = vector.broadcast %get3A_49 : vector<1x1000xi32> to vector<64x1000xi32>
    %eq3A_51 = arith.cmpi eq, %eq3A, %eq3A_50 : vector<64x1000xi32>
    %convert_element_type3A = arith.extui %eq3A_51 : vector<64x1000xi1> to vector<64x1000xi32>
    %convert_element_type3A_52 = arith.sitofp %convert_element_type3A : vector<64x1000xi32> to vector<64x1000xf32>
    %dot_general3A = arith.constant dense<0.000000e+00> : vector<64x128xf32>
    %dot_general3A_53 = tpu.matmul %convert_element_type3A_52, %add3A_44, %dot_general3A {dimension_numbers = #tpu.dot_dimension_numbers<[1], [0], [0], [1], [0, 0, 1, 1], [], []>, transpose_lhs_hint = false} : vector<64x1000xf32>, vector<1000x128xf32>, vector<64x128xf32> -> vector<64x128xf32>
    %reduce_sum3A = arith.constant dense<0.000000e+00> : vector<64xf32>
    %reduce_sum3A_54 = vector.multi_reduction <add>, %convert_element_type3A_52, %reduce_sum3A [1] : vector<64x1000xf32> to vector<64xf32>
    %broadcast_in_dim3A = vector.shape_cast %reduce_sum3A_54 : vector<64xf32> to vector<64x1xf32>
    %eq3A_55 = arith.constant 0 : i32
    %eq3A_56 = arith.cmpi eq, %arg0, %eq3A_55 : i32
    %convert_element_type3A_57 = arith.extui %eq3A_56 : i1 to i32
    %cond3A = arith.constant 0 : i32
    %cond3A_58 = arith.cmpi ne, %convert_element_type3A_57, %cond3A : i32
    scf.if %cond3A_58 {
      %swap3A = arith.constant 0 : index
      %swap3A_68 = arith.constant 0 : index
      %swap3A_69 = vector.load %arg14[%swap3A, %swap3A_68] : memref<64x128xf32, #tpu.memory_space<vmem>>, vector<64x128xf32>
      tpu.vector_store %arg14[%swap3A, %swap3A_68], %dot_general3A_53 {strides = array<i32>} : memref<64x128xf32, #tpu.memory_space<vmem>>, vector<64x128xf32>,
      %swap3A_70 = arith.constant 0 : index
      %swap3A_71 = arith.constant 0 : index
      %swap3A_72 = vector.load %arg15[%swap3A_70, %swap3A_71] : memref<64x1xf32, #tpu.memory_space<vmem>>, vector<64x1xf32>
      tpu.vector_store %arg15[%swap3A_70, %swap3A_71], %broadcast_in_dim3A {strides = array<i32>} : memref<64x1xf32, #tpu.memory_space<vmem>>, vector<64x1xf32>,
    } else {
    }
    %gt3A = arith.constant 0 : i32
    %gt3A_59 = arith.cmpi sgt, %arg0, %gt3A : i32
    %convert_element_type3A_60 = arith.extui %gt3A_59 : i1 to i32
    %cond3A_61 = arith.constant 0 : i32
    %cond3A_62 = arith.cmpi ne, %convert_element_type3A_60, %cond3A_61 : i32
    scf.if %cond3A_62 {
      %get3A_68 = arith.constant 0 : index
      %get3A_69 = arith.constant 0 : index
      %get3A_70 = vector.load %arg14[%get3A_68, %get3A_69] : memref<64x128xf32, #tpu.memory_space<vmem>>, vector<64x128xf32>
      %add3A_71 = arith.addf %get3A_70, %dot_general3A_53 : vector<64x128xf32>
      %swap3A = arith.constant 0 : index
      %swap3A_72 = arith.constant 0 : index
      %swap3A_73 = vector.load %arg14[%swap3A, %swap3A_72] : memref<64x128xf32, #tpu.memory_space<vmem>>, vector<64x128xf32>
      tpu.vector_store %arg14[%swap3A, %swap3A_72], %add3A_71 {strides = array<i32>} : memref<64x128xf32, #tpu.memory_space<vmem>>, vector<64x128xf32>,
      %get3A_74 = arith.constant 0 : index
      %get3A_75 = arith.constant 0 : index
      %get3A_76 = vector.load %arg15[%get3A_74, %get3A_75] : memref<64x1xf32, #tpu.memory_space<vmem>>, vector<64x1xf32>
      %add3A_77 = arith.addf %get3A_76, %broadcast_in_dim3A : vector<64x1xf32>
      %swap3A_78 = arith.constant 0 : index
      %swap3A_79 = arith.constant 0 : index
      %swap3A_80 = vector.load %arg15[%swap3A_78, %swap3A_79] : memref<64x1xf32, #tpu.memory_space<vmem>>, vector<64x1xf32>
      tpu.vector_store %arg15[%swap3A_78, %swap3A_79], %add3A_77 {strides = array<i32>} : memref<64x1xf32, #tpu.memory_space<vmem>>, vector<64x1xf32>,
    } else {
    }
    %eq3A_63 = arith.constant 9 : i32
    %eq3A_64 = arith.cmpi eq, %arg0, %eq3A_63 : i32
    %convert_element_type3A_65 = arith.extui %eq3A_64 : i1 to i32
    %cond3A_66 = arith.constant 0 : i32
    %cond3A_67 = arith.cmpi ne, %convert_element_type3A_65, %cond3A_66 : i32
    scf.if %cond3A_67 {
      %get3A_68 = arith.constant 0 : index
      %get3A_69 = arith.constant 0 : index
      %get3A_70 = vector.load %arg14[%get3A_68, %get3A_69] : memref<64x128xf32, #tpu.memory_space<vmem>>, vector<64x128xf32>
      %get3A_71 = arith.constant 0 : index
      %get3A_72 = arith.constant 0 : index
      %get3A_73 = vector.load %arg15[%get3A_71, %get3A_72] : memref<64x1xf32, #tpu.memory_space<vmem>>, vector<64x1xf32>
      %max3A_74 = arith.constant 1.000000e+00 : f32
      %max3A_75 = vector.broadcast %max3A_74 : f32 to vector<64x1xf32>
      %max3A_76 = arith.maximumf %get3A_73, %max3A_75 : vector<64x1xf32>
      %div3A = vector.broadcast %max3A_76 : vector<64x1xf32> to vector<64x128xf32>
      %div3A_77 = arith.divf %get3A_70, %div3A : vector<64x128xf32>
      %get3A_78 = arith.constant 0 : index
      %get3A_79 = arith.constant 0 : index
      %get3A_80 = vector.load %arg11[%get3A_78, %get3A_79] : memref<1x128xf32, #tpu.memory_space<vmem>>, vector<1x128xf32>
      %mul3A_81 = vector.broadcast %get3A_80 : vector<1x128xf32> to vector<64x128xf32>
      %mul3A_82 = arith.mulf %div3A_77, %mul3A_81 : vector<64x128xf32>
      %reduce_sum3A_83 = arith.constant dense<0.000000e+00> : vector<64xf32>
      %reduce_sum3A_84 = vector.multi_reduction <add>, %mul3A_82, %reduce_sum3A_83 [1] : vector<64x128xf32> to vector<64xf32>
      %broadcast_in_dim3A_85 = vector.shape_cast %reduce_sum3A_84 : vector<64xf32> to vector<64x1xf32>
      %get3A_86 = arith.constant 0 : index
      %get3A_87 = arith.constant 0 : index
      %get3A_88 = vector.load %arg12[%get3A_86, %get3A_87] : memref<1x1xf32, #tpu.memory_space<vmem>>, vector<1x1xf32>
      %add3A_89 = vector.broadcast %get3A_88 : vector<1x1xf32> to vector<64x1xf32>
      %add3A_90 = arith.addf %broadcast_in_dim3A_85, %add3A_89 : vector<64x1xf32>
      %logistic3A = arith.negf %add3A_90 : vector<64x1xf32>
      %logistic3A_91 = math.exp %logistic3A : vector<64x1xf32>
      %logistic3A_92 = arith.constant 1.000000e+00 : f32
      %logistic3A_93 = vector.broadcast %logistic3A_92 : f32 to vector<64x1xf32>
      %logistic3A_94 = arith.addf %logistic3A_93, %logistic3A_91 : vector<64x1xf32>
      %logistic3A_95 = arith.divf %logistic3A_93, %logistic3A_94 : vector<64x1xf32>
      %swap3A = arith.constant 0 : index
      %swap3A_96 = arith.constant 0 : index
      %swap3A_97 = vector.load %arg13[%swap3A, %swap3A_96] : memref<64x1xf32, #tpu.memory_space<vmem>>, vector<64x1xf32>
      tpu.vector_store %arg13[%swap3A, %swap3A_96], %logistic3A_95 {strides = array<i32>} : memref<64x1xf32, #tpu.memory_space<vmem>>, vector<64x1xf32>,
    } else {
    }
    return
  }
  func.func @transform_0(%arg0: i32) -> (i32, i32) {
    %c0_i32 = arith.constant 0 : i32
    %c0_i32_0 = arith.constant 0 : i32
    return %arg0, %c0_i32 : i32, i32
  }
  func.func @transform_1(%arg0: i32) -> (i32, i32) {
    %c0_i32 = arith.constant 0 : i32
    %c0_i32_0 = arith.constant 0 : i32
    return %arg0, %c0_i32 : i32, i32
  }
  func.func @transform_2(%arg0: i32) -> (i32, i32) {
    %c0_i32 = arith.constant 0 : i32
    %c0_i32_0 = arith.constant 0 : i32
    return %arg0, %c0_i32 : i32, i32
  }
  func.func @transform_3(%arg0: i32) -> (i32, i32) {
    %c0_i32 = arith.constant 0 : i32
    %c0_i32_0 = arith.constant 0 : i32
    return %arg0, %c0_i32 : i32, i32
  }
  func.func @transform_4(%arg0: i32) -> (i32, i32) {
    %c0_i32 = arith.constant 0 : i32
    %c0_i32_0 = arith.constant 0 : i32
    return %arg0, %c0_i32 : i32, i32
  }
  func.func @transform_5(%arg0: i32) -> (i32, i32) {
    %c0_i32 = arith.constant 0 : i32
    %c0_i32_0 = arith.constant 0 : i32
    return %arg0, %c0_i32 : i32, i32
  }
  func.func @transform_6(%arg0: i32) -> (i32, i32) {
    %c0_i32 = arith.constant 0 : i32
    %c0_i32_0 = arith.constant 0 : i32
    %c0_i32_1 = arith.constant 0 : i32
    return %c0_i32, %c0_i32_0 : i32, i32
  }
  func.func @transform_7(%arg0: i32) -> (i32, i32) {
    %c0_i32 = arith.constant 0 : i32
    %c0_i32_0 = arith.constant 0 : i32
    %c0_i32_1 = arith.constant 0 : i32
    return %c0_i32, %c0_i32_0 : i32, i32
  }
  func.func @transform_8(%arg0: i32) -> (i32, i32) {
    %c0_i32 = arith.constant 0 : i32
    %c0_i32_0 = arith.constant 0 : i32
    %c0_i32_1 = arith.constant 0 : i32
    return %c0_i32, %c0_i32_0 : i32, i32
  }
  func.func @transform_9(%arg0: i32) -> (i32, i32, i32) {
    %c0_i32 = arith.constant 0 : i32
    %c0_i32_0 = arith.constant 0 : i32
    %c0_i32_1 = arith.constant 0 : i32
    return %arg0, %c0_i32, %c0_i32_0 : i32, i32, i32
  }
  func.func @transform_10(%arg0: i32) -> (i32, i32) {
    %c0_i32 = arith.constant 0 : i32
    %c0_i32_0 = arith.constant 0 : i32
    %c0_i32_1 = arith.constant 0 : i32
    return %c0_i32, %c0_i32_0 : i32, i32
  }
  func.func @transform_11(%arg0: i32) -> (i32, i32) {
    %c0_i32 = arith.constant 0 : i32
    %c0_i32_0 = arith.constant 0 : i32
    %c0_i32_1 = arith.constant 0 : i32
    return %c0_i32, %c0_i32_0 : i32, i32
  }
  func.func @transform_12(%arg0: i32) -> (i32, i32) {
    %c0_i32 = arith.constant 0 : i32
    %c0_i32_0 = arith.constant 0 : i32
    %c0_i32_1 = arith.constant 0 : i32
    return %c0_i32, %c0_i32_0 : i32, i32
  }
}

</mosaic_0001>

<sc_bundles>
// kernel: kernel.11.cloned.1.call-start
scs
__scs_entry_jumppad:
0x0: {  	(pc) =	sbr.rel $0x88, $3  }
0x1: {  	(tag) =	ssettag $0x0;
	lr =	simm.s32 $0x1  }
0x2: {  	[smem:$0x3F97] =	sst lr;
	_ =	strace $0xD0000000  }
0x3: {  	_ = 	snop  }
0x4: {  	_ = 	snop  }
0x5: {  	_ = 	snop  }
0x6: {  	_ = 	snop  }
0x7: {  	_ = 	snop  }
__scs_overlays_trampoline_lowered:
0x8: {  	[smem:$0x3FA6] =	sst s0  }
0x9: {  	[smem:$0x3FA7] =	sst s1  }
0xa: {  	[smem:$0x3FA8] =	sst s2  }
0xb: {  	[smem:$0x3FA9] =	sst s3  }
0xc: {  	[smem:$0x3FAA] =	sst s4  }
0xd: {  	[smem:$0x3FAB] =	sst s5  }
0xe: {  	[smem:$0x3FAC] =	sst s6  }
0xf: {  	[smem:$0x3FAD] =	sst s7  }
0x10: {  	[smem:$0x3FAE] =	sst s8  }
0x11: {  	[smem:$0x3FAF] =	sst s9;
	s0 =	simm.s32 @!p0 $0x0  }
0x12: {  	s1 =	sld [smem:$0x3F95];
	s0 =	simm.s32 @p0 $0x1  }
0x13: {  	[smem:$0x3FB0] =	sst s0;
	s0 =	simm.s32 @!p1 $0x0  }
0x14: {  	s2 =	sld [smem:$0x3F94];
	s0 =	simm.s32 @p1 $0x1  }
0x15: {  	[smem:$0x3FB1] =	sst s0;
	s0 =	simm.s32 @!p2 $0x0  }
0x16: {  	s3 =	sld [smem:$0x3FDB];
	s0 =	simm.s32 @p2 $0x1  }
0x17: {  	s4 =	simm.s32 $0x1BF5;
	[smem:$0x3FB3] =	sst s0  }
0x18: {  	s0 =	sld [smem:$0x3F96];
	_ =	swait.ge [sflag:s4], $0x0  }
0x19: {  	s7 =	sld [smem:$0x3F97]  }
0x1a: {  	s8 =	sadd.s32 $0xFFFFE003, lr  }
0x1b: {  	s9 =	sadd.s32 $0xFFFFFEF7, lr;
	s5 =	simm.s32 $0xFFFFFFFF;
	p2 =	slt.u32 s8, $0xFFFFF086  }
0x1c: {  	p1 =	slt.u32 s9, $0xF7A;
	s5 =	simm.s32 @!p2 $0x0  }
0x1d: {  	s5 =	simm.s32 @p1 $0x1;
	p0 =	seq.s32 s7, s2  }
0x1e: {  	s7 =	smul.u32 @!p0 $0xF7A, s2;
	p2 =	seq.s32 @!p0 s5, $0x0  }
0x1f: {  	s9 =	smul.u32 $0xF7A, s1;
	s8 =	simm.s32 @!p0 $0x1BF5;
	p2 =	por !p2, p0  }
0x20: {  	[sflag:s8] =	ssyncset.s32 @!p0 $0xFFFFF086;
	s6 =	sadd.s32 @!p0 s3, s7;
	s7 =	simm.s32 @!p0 $0x108  }
0x21: {  	s3 =	sadd.s32 s3, s9;
	s6 =	sadd.s32 @!p0 $0x88, s6;
	s7 =	simm.s32 @p2 $0x1082  }
0x22: {  	[simem:s7], [sflag:s8] =	dma.local @!p0 [hbm:s6], $0xF7A  }
0x23: {  	s9 =	sor.u32 $0xD0000000, s2;
	s6 =	simm.s32 $0x108;
	_ =	swait.ge @!p0 [sflag:s8], $0x0  }
0x24: {  	s3 =	sadd.s32 $0x88, s3;
	s6 =	simm.s32 @!p1 $0x1082;
	[sflag:s4] =	ssyncset.s32 $0xFFFFF086  }
0x25: {  	[simem:s6], [sflag:s4] =	dma.local [hbm:s3], $0xF7A  }
0x26: {  	[smem:$0x3F97] =	sst s1;
	(tag) =	ssettag s2;
	_ =	strace s9  }
0x27: {  	s1 =	sld [smem:$0x3FA7]  }
0x28: {  	s2 =	sld [smem:$0x3FA8]  }
0x29: {  	s4 =	sld [smem:$0x3FAA]  }
0x2a: {  	p0 =	seq.s32 s5, $0x0;
	s5 =	sld [smem:$0x3FAB]  }
0x2b: {  	s6 =	sld [smem:$0x3FAC]  }
0x2c: {  	s7 =	sld [smem:$0x3FAD]  }
0x2d: {  	s3 =	simm.s32 $0x108;
	s8 =	sld [smem:$0x3FAE]  }
0x2e: {  	s3 =	simm.s32 @!p0 $0x1082;
	s9 =	sld [smem:$0x3FAF]  }
0x2f: {  	lr =	sadd.s32 s0, s3;
	s0 =	sld [smem:$0x3FA6]  }
0x30: {  	s3 =	sld [smem:$0x3FA9]  }
0x31: {  	[smem:$0x3FB2] =	sst s10  }
0x32: {  	s10 =	sld [smem:$0x3FB0];
	_ =	sdelay $0x3  }
0x33: {  	p0 =	seq.s32 s10, $0x1;
	s10 =	sld [smem:$0x3FB2];
	_ =	sdelay $0x3  }
0x34: {  	[smem:$0x3FB2] =	sst s10  }
0x35: {  	s10 =	sld [smem:$0x3FB1];
	_ =	sdelay $0x3  }
0x36: {  	p1 =	seq.s32 s10, $0x1;
	s10 =	sld [smem:$0x3FB2];
	_ =	sdelay $0x3  }
0x37: {  	[smem:$0x3FB2] =	sst s10  }
0x38: {  	s10 =	sld [smem:$0x3FB3]  }
0x39: {  	_ = 	snop;
	(pc) =	sbr.ind lr, $3  }
0x3a: {  	_ = 	snop  }
0x3b: {  	_ = 	snop  }
0x3c: {  	p2 =	seq.s32 s10, $0x1;
	s10 =	sld [smem:$0x3FB2]  }
0x3d: {  	_ =	shalt  }
0x3e: {  	_ =	shalt  }
0x3f: {  	_ =	shalt  }
0x40: {  	_ =	shalt  }
0x41: {  	_ =	shalt  }
0x42: {  	_ =	shalt  }
0x43: {  	_ =	shalt  }
0x44: {  	_ =	shalt  }
0x45: {  	_ =	shalt  }
0x46: {  	_ =	shalt  }
0x47: {  	_ =	shalt  }
0x48: {  	_ =	shalt  }
0x49: {  	_ =	shalt  }
0x4a: {  	_ =	shalt  }
0x4b: {  	_ =	shalt  }
0x4c: {  	_ =	shalt  }
0x4d: {  	_ =	shalt  }
0x4e: {  	_ =	shalt  }
0x4f: {  	_ =	shalt  }
0x50: {  	_ =	shalt  }
0x51: {  	_ =	shalt  }
0x52: {  	_ =	shalt  }
0x53: {  	_ =	shalt  }
0x54: {  	_ =	shalt  }
0x55: {  	_ =	shalt  }
0x56: {  	_ =	shalt  }
0x57: {  	_ =	shalt  }
0x58: {  	_ =	shalt  }
0x59: {  	_ =	shalt  }
0x5a: {  	_ =	shalt  }
0x5b: {  	_ =	shalt  }
0x5c: {  	_ =	shalt  }
0x5d: {  	_ =	shalt  }
0x5e: {  	_ =	shalt  }
0x5f: {  	_ =	shalt  }
0x60: {  	_ =	shalt  }
0x61: {  	_ =	shalt  }
0x62: {  	_ =	shalt  }
0x63: {  	_ =	shalt  }
0x64: {  	_ =	shalt  }
0x65: {  	_ =	shalt  }
0x66: {  	_ =	shalt  }
0x67: {  	_ =	shalt  }
0x68: {  	_ =	shalt  }
0x69: {  	_ =	shalt  }
0x6a: {  	_ =	shalt  }
0x6b: {  	_ =	shalt  }
0x6c: {  	_ =	shalt  }
0x6d: {  	_ =	shalt  }
0x6e: {  	_ =	shalt  }
0x6f: {  	_ =	shalt  }
0x70: {  	_ =	shalt  }
0x71: {  	_ =	shalt  }
0x72: {  	_ =	shalt  }
0x73: {  	_ =	shalt  }
0x74: {  	_ =	shalt  }
0x75: {  	_ =	shalt  }
0x76: {  	_ =	shalt  }
0x77: {  	_ =	shalt  }
0x78: {  	_ =	shalt  }
0x79: {  	_ =	shalt  }
0x7a: {  	_ =	shalt  }
0x7b: {  	_ =	shalt  }
0x7c: {  	_ =	shalt  }
0x7d: {  	_ =	shalt  }
0x7e: {  	_ =	shalt  }
0x7f: {  	_ =	shalt  }
0x80: {  	_ =	shalt  }
0x81: {  	_ =	shalt  }
0x82: {  	_ =	shalt  }
0x83: {  	_ =	shalt  }
0x84: {  	_ =	shalt  }
0x85: {  	_ =	shalt  }
0x86: {  	_ =	shalt  }
0x87: {  	_ =	shalt  }
.Lfunc_end0:
.L_simem_size_0:
called_computation_lowered:
.L_overlay_start_0:
0x88: {  	s2 =	sld [smem:$0x3FD9]  }
0x89: {  	s3 =	sld [smem:$0x3FFE];
	_ =	sdelay $0x1  }
0x8a: {  	s1 =	srdreg.scid  }
0x8b: {  	s0 =	sand.u32 $0x1, s1  }
0x8c: {  	s16 =	sshll.u32 s0, $0xA;
	s2 =	sadd.s32 s3, s2  }
0x8d: {  	s2 =	sadd.s32 s2, s16  }
0x8e: {  	[smem:$0x3FBE] =	sst s2  }
0x8f: {  	_ = 	snop  }
0x90: {  	(tm) =	ssettm $0x1  }
0x91: {  	s17 =	sld [smem:$0x3FFB];
	_ =	sdelay $0x3  }
0x92: {  	_ =	strace s17  }
0x93: {  	s2 =	sld [smem:$0x3FFC];
	_ =	sdelay $0x3  }
0x94: {  	_ =	strace s2  }
0x95: {  	s2 =	sld [smem:$0x3FFD];
	_ =	sdelay $0x3  }
0x96: {  	_ =	strace s2  }
0x97: {  	_ =	strace $0x8FFFFFFF  }
0x98: {  	s18 =	sld [smem:$0x3FDB];
	_ =	sdelay $0x1  }
0x99: {  	s19 =	simm.s32 $_scs_section_size  }
0x9a: {  	s4 =	simm.s32 $_size__tile_overlayer_lowered;
	s5 =	simm.s32 $_tile_overlayer_lowered  }
0x9b: {  	s22 =	simm.s32 $0x1BFF;
	s21 =	sshll.u32 s5, $0x1;
	s2 =	sadd.s32 s19, s18  }
0x9c: {  	s6 =	simm.s32 $0x0;
	s20 =	sshll.u32 s4, $0x1;
	s4 =	sadd.s32 s21, s2  }
0x9d: {  	[timem:s6], [sflag:s22] =	dma.local [hbm:s4], s20  }
0x9e: {  	_ =	swait.ge [sflag:s22], s20  }
0x9f: {  	s3 =	ssub.s32 $0x0, s20;
	[sflag:s22] =	ssyncset.done $0x0  }
0xa0: {  	[sflag:s22] =	ssyncadd.s32 s3;
	_ =	sdelay $0x1  }
0xa1: {  	s23 =	simm.s32 $0x1B8B  }
0xa2: {  	_ =	swait.ge [sflag:s23], $0x1  }
0xa3: {  	[sflag:s23] =	ssyncset.done $0x0  }
0xa4: {  	s25 =	simm.s32 $0x1B8E;
	s24 =	sld [smem:$0x3FFE];
	[sflag:s23] =	ssyncadd.s32 $0xFFFFFFFF  }
0xa5: {  	s26 =	simm.s32 $execute0_lowered;
	[smem:$0x3FD2] =	sst s25  }
0xa6: {  	s4 =	sshll.u32 s26, $0x1;
	_ =	strace $0x80000046;
	[dreg:$0x1] =	wrdreg $0xFFFFFFFF  }
0xa7: {  	s28 =	simm.s32 $_size_execute0_lowered;
	s2 =	sadd.s32 s2, s4;
	[dreg:$0x0] =	wrdreg $0x0  }
0xa8: {  	s4 =	sshll.u32 s28, $0x1;
	[dreg:$0x2] =	wrdreg s2  }
0xa9: {  	[dreg:$0x3] =	wrdreg s4  }
0xaa: {  	[dreg:$0x4] =	wrdreg $0xC0  }
0xab: {  	_ =	task [dreg:s6], $0x5FFFF  }
0xac: {  	[dreg:$0x1] =	wrdreg $0xFFFFFFFF  }
0xad: {  	[dreg:$0x0] =	wrdreg $0x60  }
0xae: {  	[dreg:$0x2] =	wrdreg s24  }
0xaf: {  	[dreg:$0x3] =	wrdreg $0x7C000  }
0xb0: {  	[dreg:$0x4] =	wrdreg $0x9  }
0xb1: {  	_ =	task.clear_ibuf [dreg:s6], $0x5FFFF;
	_ =	strace $0x90000046  }
0xb2: {  	s29 =	simm.s32 $0x9;
	_ =	strace $0x80000048  }
0xb3: {  	_ =	swait.ge [sflag:s29], $0x1  }
0xb4: {  	[sflag:s29] =	ssyncadd.s32 $0xFFFFFFFF  }
0xb5: {  	_ =	strace $0x90000048  }
0xb6: {  	_ =	sfence  }
0xb7: {  	s30 =	sld [smem:$0x0];
	_ =	sdelay $0x2  }
0xb8: {  	s31 =	sshll.u32 s1, $0xD;
	s1 =	sshrl.u32 s1, $0x2  }
0xb9: {  	s3 =	sand.u32 $0x4000, s31;
	s1 =	sadd.s32 s1, s30  }
0xba: {  	s0 =	sor.u32 s3, s0;
	s1 =	sshll.u32 s1, $0x11  }
0xbb: {  	s0 =	sor.u32 s1, s0  }
0xbc: {  	s0 =	sadd.s32 $0x8F2B, s0  }
0xbd: {  	[sflag:s0] =	ssyncadd.remote.s32 $0x1  }
0xbe: {  	_ =	sfence.sel $0xFFFF  }
0xbf: {  	[dreg:$0x0] =	wrdreg $0xFFFFFFFF;
	(pc) =	sbr.abs _section_cstart, $3  }
0xc0: {  	[dreg:$0x1] =	wrdreg $0xFFFFFFFF  }
0xc1: {  	_ =	task.clear_ibuf [dreg:s6], $0x2FFFF;
	_ =	strace $0x9FFFFFFF  }
0xc2: {  	(tm) =	ssettm $0x7FFFFFFF  }
0xc3: {  	_ =	shalt  }
tec
execute0_lowered:
.L_overlay_start_1:
0x0: {  	(tag) =	ssettag $0x1  }
0x1: {  	s5 =	rddreg [dreg:$0x0];
	s1 =	srdreg.scid  }
0x2: {  	s0 =	stileid.u32;
	s2 =	rddreg [dreg:$0x1]  }
0x3: {  	s3 =	simm.s32 $0x0;
	s23 =	simm.s32 $0x6800;
	s26 =	simm.s32 $0x2800  }
0x4: {  	s28 =	simm.s32 $0x80;
	s4 =	sand.u32 $0x1, s1;
	s9 =	smul.u32 $0x50000, s0  }
0x5: {  	s6 =	sshll.u32 s0, $0x1;
	s1 =	rddreg [dreg:$0x2];
	s25 =	smul.u32 $0x2800, s0  }
0x6: {  	[smem:$0x7FF] =	sst s3;
	s6 =	sor.u32 s4, s6;
	s7 =	smul.u32 $0x28000, s4  }
0x7: {  	_ =	strace $0x80000047;
	s8 =	ssub.s32 $0x2, s4;
	s6 =	smul.u32 $0x500, s6  }
0x8: {  	s4 =	sadd.s32 $0x18C00, s5;
	s30 =	sshrl.u32 s8, $0x1;
	s31 =	sshrl.u32 s9, $0x2  }
0x9: {  	s7 =	sadd.s32 s7, s5;
	s8 =	ssub.s32 s8, s30;
	s6 =	sadd.s32 s6, s5  }
0xa: {  	s24 =	sadd.s32 $0x19400, s7;
	s7 =	smax.u32 s8, $0x1;
	s5 =	sadd.s32 $0x4C00, s6  }
0xb: {  	s6 =	sadd.s32 s31, s2;
	s24 =	sadd.s32 s25, s24;
	s25 =	simm.s32 $0x1  }
0xc: {  	s8 =	sadd.s32 $0x1400, s6;
	s9 =	sadd.s32 $0x2800, s6;
	s10 =	sadd.s32 $0x3C00, s6  }
0xd: {  	s11 =	sadd.s32 $0x5000, s6;
	s12 =	sadd.s32 $0x6400, s6;
	s13 =	sadd.s32 $0x7800, s6  }
0xe: {  	s14 =	sadd.s32 $0x8C00, s6;
	s15 =	sadd.s32 $0xA000, s6;
	s16 =	sadd.s32 $0xB400, s6  }
0xf: {  	s17 =	sadd.s32 $0xC800, s6;
	s18 =	sadd.s32 $0xDC00, s6;
	s19 =	sadd.s32 $0xF000, s6  }
0x10: {  	v0 =	vimm.f32 $0.0e+00;
	s20 =	sadd.s32 $0x10400, s6;
	s21 =	sadd.s32 $0x11800, s6;
	s22 =	sadd.s32 $0x12C00, s6  }
.LBB2_1:
0x11: {  	s29 =	simm.s32 $0x0;
	s30 =	simm.s32 $0x200  }
.LBB2_2:
0x12: {  	p0 =	sne.s32 s30, $0x4E00;
	[tilespmem:s29+$0x6870] =	vst v0  }
0x13: {  	[tilespmem:s29+$0x6800] =	vst v0  }
0x14: {  	[tilespmem:s29+$0x6810] =	vst v0  }
.Ltmp0:
0x15: {  	[tilespmem:s29+$0x6820] =	vst v0;
	(pc) =	sbr.rel @p0 .LBB2_2-.Ltmp0, $4  }
0x16: {  	[tilespmem:s29+$0x6830] =	vst v0  }
0x17: {  	[tilespmem:s29+$0x6840] =	vst v0  }
0x18: {  	[tilespmem:s29+$0x6850] =	vst v0  }
0x19: {  	[tilespmem:s29+$0x6860] =	vst v0;
	s29 =	sshra.s32 s30, $0x2;
	s30 =	sadd.s32 $0x200, s30  }
0x1a: {  	[tilespmem:s29+$0x6870] =	vst v0  }
0x1b: {  	[tilespmem:s29+$0x6800] =	vst v0  }
0x1c: {  	[tilespmem:s29+$0x6810] =	vst v0  }
0x1d: {  	[tilespmem:s29+$0x6820] =	vst v0  }
0x1e: {  	[tilespmem:s29+$0x6830] =	vst v0  }
0x1f: {  	[tilespmem:s29+$0x6840] =	vst v0  }
0x20: {  	[tilespmem:s29+$0x6850] =	vst v0  }
0x21: {  	[tilespmem:s29+$0x6860] =	vst v0  }
0x22: {  	[spmem:s6] =	stream.linear.scatter [tilespmem:s23], [sflag:$0x1], $0x1400, $0x38;
	[tilespmem:$0x1BC00] =	vst v63  }
0x23: {  	_ =	swait.ge [sflag:s25], $0x1400  }
0x24: {  	[sflag:s25] =	ssyncset.done $0x0  }
0x25: {  	[sflag:s25] =	ssyncadd.s32 $0xFFFFEC00  }
0x26: {  	[spmem:s8] =	stream.linear.scatter [tilespmem:s23], [sflag:$0x1], $0x1400, $0x38;
	[tilespmem:$0x1BC00] =	vst v63  }
0x27: {  	_ =	swait.ge [sflag:s25], $0x1400  }
0x28: {  	[sflag:s25] =	ssyncset.done $0x0  }
0x29: {  	[sflag:s25] =	ssyncadd.s32 $0xFFFFEC00  }
0x2a: {  	[spmem:s9] =	stream.linear.scatter [tilespmem:s23], [sflag:$0x1], $0x1400, $0x38;
	[tilespmem:$0x1BC00] =	vst v63  }
0x2b: {  	_ =	swait.ge [sflag:s25], $0x1400  }
0x2c: {  	[sflag:s25] =	ssyncset.done $0x0  }
0x2d: {  	[sflag:s25] =	ssyncadd.s32 $0xFFFFEC00  }
0x2e: {  	[spmem:s10] =	stream.linear.scatter [tilespmem:s23], [sflag:$0x1], $0x1400, $0x38;
	[tilespmem:$0x1BC00] =	vst v63  }
0x2f: {  	_ =	swait.ge [sflag:s25], $0x1400  }
0x30: {  	[sflag:s25] =	ssyncset.done $0x0  }
0x31: {  	[sflag:s25] =	ssyncadd.s32 $0xFFFFEC00  }
0x32: {  	[spmem:s11] =	stream.linear.scatter [tilespmem:s23], [sflag:$0x1], $0x1400, $0x38;
	[tilespmem:$0x1BC00] =	vst v63  }
0x33: {  	_ =	swait.ge [sflag:s25], $0x1400  }
0x34: {  	[sflag:s25] =	ssyncset.done $0x0  }
0x35: {  	[sflag:s25] =	ssyncadd.s32 $0xFFFFEC00  }
0x36: {  	[spmem:s12] =	stream.linear.scatter [tilespmem:s23], [sflag:$0x1], $0x1400, $0x38;
	[tilespmem:$0x1BC00] =	vst v63  }
0x37: {  	_ =	swait.ge [sflag:s25], $0x1400  }
0x38: {  	[sflag:s25] =	ssyncset.done $0x0  }
0x39: {  	[sflag:s25] =	ssyncadd.s32 $0xFFFFEC00  }
0x3a: {  	[spmem:s13] =	stream.linear.scatter [tilespmem:s23], [sflag:$0x1], $0x1400, $0x38;
	[tilespmem:$0x1BC00] =	vst v63  }
0x3b: {  	_ =	swait.ge [sflag:s25], $0x1400  }
0x3c: {  	[sflag:s25] =	ssyncset.done $0x0  }
0x3d: {  	[sflag:s25] =	ssyncadd.s32 $0xFFFFEC00  }
0x3e: {  	[spmem:s14] =	stream.linear.scatter [tilespmem:s23], [sflag:$0x1], $0x1400, $0x38;
	[tilespmem:$0x1BC00] =	vst v63  }
0x3f: {  	_ =	swait.ge [sflag:s25], $0x1400  }
0x40: {  	[sflag:s25] =	ssyncset.done $0x0  }
0x41: {  	[sflag:s25] =	ssyncadd.s32 $0xFFFFEC00  }
0x42: {  	[spmem:s15] =	stream.linear.scatter [tilespmem:s23], [sflag:$0x1], $0x1400, $0x38;
	[tilespmem:$0x1BC00] =	vst v63  }
0x43: {  	_ =	swait.ge [sflag:s25], $0x1400  }
0x44: {  	[sflag:s25] =	ssyncset.done $0x0  }
0x45: {  	[sflag:s25] =	ssyncadd.s32 $0xFFFFEC00  }
0x46: {  	[spmem:s16] =	stream.linear.scatter [tilespmem:s23], [sflag:$0x1], $0x1400, $0x38;
	[tilespmem:$0x1BC00] =	vst v63  }
0x47: {  	_ =	swait.ge [sflag:s25], $0x1400  }
0x48: {  	[sflag:s25] =	ssyncset.done $0x0  }
0x49: {  	[sflag:s25] =	ssyncadd.s32 $0xFFFFEC00  }
0x4a: {  	[spmem:s17] =	stream.linear.scatter [tilespmem:s23], [sflag:$0x1], $0x1400, $0x38;
	[tilespmem:$0x1BC00] =	vst v63  }
0x4b: {  	_ =	swait.ge [sflag:s25], $0x1400  }
0x4c: {  	[sflag:s25] =	ssyncset.done $0x0  }
0x4d: {  	[sflag:s25] =	ssyncadd.s32 $0xFFFFEC00  }
0x4e: {  	[spmem:s18] =	stream.linear.scatter [tilespmem:s23], [sflag:$0x1], $0x1400, $0x38;
	[tilespmem:$0x1BC00] =	vst v63  }
0x4f: {  	_ =	swait.ge [sflag:s25], $0x1400  }
0x50: {  	[sflag:s25] =	ssyncset.done $0x0  }
0x51: {  	[sflag:s25] =	ssyncadd.s32 $0xFFFFEC00  }
0x52: {  	[spmem:s19] =	stream.linear.scatter [tilespmem:s23], [sflag:$0x1], $0x1400, $0x38;
	[tilespmem:$0x1BC00] =	vst v63  }
0x53: {  	_ =	swait.ge [sflag:s25], $0x1400  }
0x54: {  	[sflag:s25] =	ssyncset.done $0x0  }
0x55: {  	[sflag:s25] =	ssyncadd.s32 $0xFFFFEC00  }
0x56: {  	[spmem:s20] =	stream.linear.scatter [tilespmem:s23], [sflag:$0x1], $0x1400, $0x38;
	[tilespmem:$0x1BC00] =	vst v63  }
0x57: {  	_ =	swait.ge [sflag:s25], $0x1400  }
0x58: {  	[sflag:s25] =	ssyncset.done $0x0  }
0x59: {  	[sflag:s25] =	ssyncadd.s32 $0xFFFFEC00  }
0x5a: {  	[spmem:s21] =	stream.linear.scatter [tilespmem:s23], [sflag:$0x1], $0x1400, $0x38;
	[tilespmem:$0x1BC00] =	vst v63  }
0x5b: {  	_ =	swait.ge [sflag:s25], $0x1400  }
0x5c: {  	[sflag:s25] =	ssyncset.done $0x0  }
0x5d: {  	[sflag:s25] =	ssyncadd.s32 $0xFFFFEC00  }
0x5e: {  	[spmem:s22] =	stream.linear.scatter [tilespmem:s23], [sflag:$0x1], $0x1400, $0x38;
	[tilespmem:$0x1BC00] =	vst v63  }
0x5f: {  	_ =	swait.ge [sflag:s25], $0x1400  }
0x60: {  	[sflag:s25] =	ssyncset.done $0x0  }
0x61: {  	s29 =	simm.s32 $0x0;
	[sflag:s25] =	ssyncadd.s32 $0xFFFFEC00  }
0x62: {  	[tilespmem:s26], [sflag:$0x1] =	stream.linear.gather [hbm4b:s4+s29], $0x4000, $0x38;
	[tilespmem:$0x1BC00] =	vst v63  }
0x63: {  	_ =	swait.ge [sflag:s25], $0x4000  }
0x64: {  	[sflag:s25] =	ssyncset.done $0x0  }
0x65: {  	[sflag:s25] =	ssyncadd.s32 $0xFFFFC000  }
0x66: {  	[bflag:$0x0] =	sbarrier.arrive $0xFFFF  }
0x67: {  	[tilespmem:s29], [sflag:$0x1] =	stream.linear.gather [hbm4b:s5+s29], $0x2800, $0x38;
	[tilespmem:$0x1BC00] =	vst v63  }
0x68: {  	_ =	swait.ge [sflag:s25], $0x2800  }
0x69: {  	[sflag:s25] =	ssyncset.done $0x0  }
0x6a: {  	s29 =	simm.s32 $0x0;
	[sflag:s25] =	ssyncadd.s32 $0xFFFFD800  }
0x6b: {  	[spmem:s2] =	stream.indirect.scatter.add.f32 [tilespmem:s26], [sflag:$0x1], $0x80, s29, s28, $0xb8;
	[tilespmem:$0x1BC00] =	vst v63  }
0x6c: {  	_ =	swait.ge [sflag:s25], $0x4000  }
0x6d: {  	s29 =	simm.s32 $0x200;
	[sflag:s25] =	ssyncset.done $0x0  }
.LBB2_4:
0x6e: {  	s30 =	sshra.s32 s29, $0x2;
	[sflag:s25] =	ssyncadd.s32 $0xFFFFC000;
	p0 =	sne.s32 s29, $0x9E00  }
0x6f: {  	[spmem:s2] =	stream.indirect.scatter.add.f32 [tilespmem:s26], [sflag:$0x1], $0x80, s30, s28, $0xb8;
	[tilespmem:$0x1BC00] =	vst v63  }
.Ltmp1:
0x70: {  	_ = 	snop;
	(pc) =	sbr.rel @p0 .LBB2_4-.Ltmp1, $4  }
0x71: {  	_ = 	snop  }
0x72: {  	s29 =	sadd.s32 $0x200, s29  }
0x73: {  	_ =	swait.ge [sflag:s25], $0x4000  }
0x74: {  	[sflag:s25] =	ssyncset.done $0x0  }
0x75: {  	[sflag:s25] =	ssyncadd.s32 $0xFFFFC000;
	s3 =	sadd.s32 $0x1, s3  }
0x76: {  	s29 =	sshll.u32 s0, $0x6;
	s30 =	sshrl.u32 s6, $0x3;
	p0 =	sne.s32 s3, s7  }
.Ltmp2:
0x77: {  	[bflag:$0x0] =	sbarrier.arrive $0xFFFF;
	s29 =	sor.u32 $0x1C01, s29;
	(pc) =	sbr.rel @p0 .LBB2_1-.Ltmp2, $4  }
0x78: {  	[hbm:s24], [sflag:s29] =	dma.local [spmem:s30], $0x2800  }
0x79: {  	_ =	swait.ge [sflag:s25], $0x2800  }
0x7a: {  	[sflag:s25] =	ssyncset.done $0x0  }
0x7b: {  	[sflag:s25] =	ssyncadd.s32 $0xFFFFD800  }
0x7c: {  	_ =	sfence.sel $0x180000  }
0x7d: {  	[bflag:$0x0] =	sbarrier.arrive $0xFFFF  }
0x7e: {  	p0 =	sne.s32 s0, $0x0;
	_ =	strace $0x90000047  }
0x7f: {  	s0 =	sadd.s32 @!p0 $0x100000, s1;
	[bflag:$0x2] =	sbarrier.arrive $0xFFFF  }
0x80: {  	[sflag:s0] =	ssyncadd.tile.s32 @!p0 $0x1;
	_ =	shalt  }
.Lfunc_end2:
_tile_overlayer_lowered:
.L_overlay_start_2:
0x81: {  	(tag) =	ssettag $0x2  }
0x82: {  	s0 =	rddreg [dreg:$0x0];
	s2 =	stileid.u32  }
0x83: {  	s1 =	rddreg [dreg:$0x1];
	p0 =	sne.s32 s2, $0x0  }
0x84: {  	s3 =	rddreg [dreg:$0x2];
	[bflag:$0x3] =	sbarrier.arrive $0xFFFF;
	s2 =	simm.s32 @!p0 $0x1C01  }
0x85: {  	[timem:s3], [sflag:s2] =	dma.local @!p0 [hbm:s0], s1  }
0x86: {  	s0 =	simm.s32 @!p0 $0x1  }
0x87: {  	_ =	swait.ge @!p0 [sflag:s0], s1  }
0x88: {  	s1 =	ssub.s32 @!p0 $0x0, s1;
	[sflag:s0] =	ssyncset.done @!p0 $0x0  }
0x89: {  	[sflag:s0] =	ssyncadd.s32 @!p0 s1  }
0x8a: {  	[bflag:$0x3] =	sbarrier.arrive $0xFFFF  }
0x8b: {  	_ =	shalt  }

// kernel: kernel.14.cloned.1.call-start
scs
__scs_entry_jumppad:
0x0: {  	(pc) =	sbr.rel $0x88, $3  }
0x1: {  	(tag) =	ssettag $0x0;
	lr =	simm.s32 $0x1  }
0x2: {  	[smem:$0x3F97] =	sst lr;
	_ =	strace $0xD0000000  }
0x3: {  	_ = 	snop  }
0x4: {  	_ = 	snop  }
0x5: {  	_ = 	snop  }
0x6: {  	_ = 	snop  }
0x7: {  	_ = 	snop  }
__scs_overlays_trampoline_lowered:
0x8: {  	[smem:$0x3FA6] =	sst s0  }
0x9: {  	[smem:$0x3FA7] =	sst s1  }
0xa: {  	[smem:$0x3FA8] =	sst s2  }
0xb: {  	[smem:$0x3FA9] =	sst s3  }
0xc: {  	[smem:$0x3FAA] =	sst s4  }
0xd: {  	[smem:$0x3FAB] =	sst s5  }
0xe: {  	[smem:$0x3FAC] =	sst s6  }
0xf: {  	[smem:$0x3FAD] =	sst s7  }
0x10: {  	[smem:$0x3FAE] =	sst s8  }
0x11: {  	[smem:$0x3FAF] =	sst s9;
	s0 =	simm.s32 @!p0 $0x0  }
0x12: {  	s1 =	sld [smem:$0x3F95];
	s0 =	simm.s32 @p0 $0x1  }
0x13: {  	[smem:$0x3FB0] =	sst s0;
	s0 =	simm.s32 @!p1 $0x0  }
0x14: {  	s2 =	sld [smem:$0x3F94];
	s0 =	simm.s32 @p1 $0x1  }
0x15: {  	[smem:$0x3FB1] =	sst s0;
	s0 =	simm.s32 @!p2 $0x0  }
0x16: {  	s3 =	sld [smem:$0x3FDB];
	s0 =	simm.s32 @p2 $0x1  }
0x17: {  	s4 =	simm.s32 $0x1BF5;
	[smem:$0x3FB3] =	sst s0  }
0x18: {  	s0 =	sld [smem:$0x3F96];
	_ =	swait.ge [sflag:s4], $0x0  }
0x19: {  	s7 =	sld [smem:$0x3F97]  }
0x1a: {  	s8 =	sadd.s32 $0xFFFFE003, lr  }
0x1b: {  	s9 =	sadd.s32 $0xFFFFFEF7, lr;
	s5 =	simm.s32 $0xFFFFFFFF;
	p2 =	slt.u32 s8, $0xFFFFF086  }
0x1c: {  	p1 =	slt.u32 s9, $0xF7A;
	s5 =	simm.s32 @!p2 $0x0  }
0x1d: {  	s5 =	simm.s32 @p1 $0x1;
	p0 =	seq.s32 s7, s2  }
0x1e: {  	s7 =	smul.u32 @!p0 $0xF7A, s2;
	p2 =	seq.s32 @!p0 s5, $0x0  }
0x1f: {  	s9 =	smul.u32 $0xF7A, s1;
	s8 =	simm.s32 @!p0 $0x1BF5;
	p2 =	por !p2, p0  }
0x20: {  	[sflag:s8] =	ssyncset.s32 @!p0 $0xFFFFF086;
	s6 =	sadd.s32 @!p0 s3, s7;
	s7 =	simm.s32 @!p0 $0x108  }
0x21: {  	s3 =	sadd.s32 s3, s9;
	s6 =	sadd.s32 @!p0 $0x88, s6;
	s7 =	simm.s32 @p2 $0x1082  }
0x22: {  	[simem:s7], [sflag:s8] =	dma.local @!p0 [hbm:s6], $0xF7A  }
0x23: {  	s9 =	sor.u32 $0xD0000000, s2;
	s6 =	simm.s32 $0x108;
	_ =	swait.ge @!p0 [sflag:s8], $0x0  }
0x24: {  	s3 =	sadd.s32 $0x88, s3;
	s6 =	simm.s32 @!p1 $0x1082;
	[sflag:s4] =	ssyncset.s32 $0xFFFFF086  }
0x25: {  	[simem:s6], [sflag:s4] =	dma.local [hbm:s3], $0xF7A  }
0x26: {  	[smem:$0x3F97] =	sst s1;
	(tag) =	ssettag s2;
	_ =	strace s9  }
0x27: {  	s1 =	sld [smem:$0x3FA7]  }
0x28: {  	s2 =	sld [smem:$0x3FA8]  }
0x29: {  	s4 =	sld [smem:$0x3FAA]  }
0x2a: {  	p0 =	seq.s32 s5, $0x0;
	s5 =	sld [smem:$0x3FAB]  }
0x2b: {  	s6 =	sld [smem:$0x3FAC]  }
0x2c: {  	s7 =	sld [smem:$0x3FAD]  }
0x2d: {  	s3 =	simm.s32 $0x108;
	s8 =	sld [smem:$0x3FAE]  }
0x2e: {  	s3 =	simm.s32 @!p0 $0x1082;
	s9 =	sld [smem:$0x3FAF]  }
0x2f: {  	lr =	sadd.s32 s0, s3;
	s0 =	sld [smem:$0x3FA6]  }
0x30: {  	s3 =	sld [smem:$0x3FA9]  }
0x31: {  	[smem:$0x3FB2] =	sst s10  }
0x32: {  	s10 =	sld [smem:$0x3FB0];
	_ =	sdelay $0x3  }
0x33: {  	p0 =	seq.s32 s10, $0x1;
	s10 =	sld [smem:$0x3FB2];
	_ =	sdelay $0x3  }
0x34: {  	[smem:$0x3FB2] =	sst s10  }
0x35: {  	s10 =	sld [smem:$0x3FB1];
	_ =	sdelay $0x3  }
0x36: {  	p1 =	seq.s32 s10, $0x1;
	s10 =	sld [smem:$0x3FB2];
	_ =	sdelay $0x3  }
0x37: {  	[smem:$0x3FB2] =	sst s10  }
0x38: {  	s10 =	sld [smem:$0x3FB3]  }
0x39: {  	_ = 	snop;
	(pc) =	sbr.ind lr, $3  }
0x3a: {  	_ = 	snop  }
0x3b: {  	_ = 	snop  }
0x3c: {  	p2 =	seq.s32 s10, $0x1;
	s10 =	sld [smem:$0x3FB2]  }
0x3d: {  	_ =	shalt  }
0x3e: {  	_ =	shalt  }
0x3f: {  	_ =	shalt  }
0x40: {  	_ =	shalt  }
0x41: {  	_ =	shalt  }
0x42: {  	_ =	shalt  }
0x43: {  	_ =	shalt  }
0x44: {  	_ =	shalt  }
0x45: {  	_ =	shalt  }
0x46: {  	_ =	shalt  }
0x47: {  	_ =	shalt  }
0x48: {  	_ =	shalt  }
0x49: {  	_ =	shalt  }
0x4a: {  	_ =	shalt  }
0x4b: {  	_ =	shalt  }
0x4c: {  	_ =	shalt  }
0x4d: {  	_ =	shalt  }
0x4e: {  	_ =	shalt  }
0x4f: {  	_ =	shalt  }
0x50: {  	_ =	shalt  }
0x51: {  	_ =	shalt  }
0x52: {  	_ =	shalt  }
0x53: {  	_ =	shalt  }
0x54: {  	_ =	shalt  }
0x55: {  	_ =	shalt  }
0x56: {  	_ =	shalt  }
0x57: {  	_ =	shalt  }
0x58: {  	_ =	shalt  }
0x59: {  	_ =	shalt  }
0x5a: {  	_ =	shalt  }
0x5b: {  	_ =	shalt  }
0x5c: {  	_ =	shalt  }
0x5d: {  	_ =	shalt  }
0x5e: {  	_ =	shalt  }
0x5f: {  	_ =	shalt  }
0x60: {  	_ =	shalt  }
0x61: {  	_ =	shalt  }
0x62: {  	_ =	shalt  }
0x63: {  	_ =	shalt  }
0x64: {  	_ =	shalt  }
0x65: {  	_ =	shalt  }
0x66: {  	_ =	shalt  }
0x67: {  	_ =	shalt  }
0x68: {  	_ =	shalt  }
0x69: {  	_ =	shalt  }
0x6a: {  	_ =	shalt  }
0x6b: {  	_ =	shalt  }
0x6c: {  	_ =	shalt  }
0x6d: {  	_ =	shalt  }
0x6e: {  	_ =	shalt  }
0x6f: {  	_ =	shalt  }
0x70: {  	_ =	shalt  }
0x71: {  	_ =	shalt  }
0x72: {  	_ =	shalt  }
0x73: {  	_ =	shalt  }
0x74: {  	_ =	shalt  }
0x75: {  	_ =	shalt  }
0x76: {  	_ =	shalt  }
0x77: {  	_ =	shalt  }
0x78: {  	_ =	shalt  }
0x79: {  	_ =	shalt  }
0x7a: {  	_ =	shalt  }
0x7b: {  	_ =	shalt  }
0x7c: {  	_ =	shalt  }
0x7d: {  	_ =	shalt  }
0x7e: {  	_ =	shalt  }
0x7f: {  	_ =	shalt  }
0x80: {  	_ =	shalt  }
0x81: {  	_ =	shalt  }
0x82: {  	_ =	shalt  }
0x83: {  	_ =	shalt  }
0x84: {  	_ =	shalt  }
0x85: {  	_ =	shalt  }
0x86: {  	_ =	shalt  }
0x87: {  	_ =	shalt  }
.Lfunc_end0:
.L_simem_size_0:
called_computation.1_lowered:
.L_overlay_start_0:
0x88: {  	s2 =	sld [smem:$0x3FD9]  }
0x89: {  	s3 =	sld [smem:$0x3FFE];
	_ =	sdelay $0x1  }
0x8a: {  	s1 =	srdreg.scid  }
0x8b: {  	s0 =	sand.u32 $0x1, s1  }
0x8c: {  	s16 =	sshll.u32 s0, $0xA;
	s2 =	sadd.s32 s3, s2  }
0x8d: {  	s2 =	sadd.s32 s2, s16  }
0x8e: {  	[smem:$0x3FBE] =	sst s2  }
0x8f: {  	_ = 	snop  }
0x90: {  	(tm) =	ssettm $0x1  }
0x91: {  	s17 =	sld [smem:$0x3FFB];
	_ =	sdelay $0x3  }
0x92: {  	_ =	strace s17  }
0x93: {  	s2 =	sld [smem:$0x3FFC];
	_ =	sdelay $0x3  }
0x94: {  	_ =	strace s2  }
0x95: {  	s2 =	sld [smem:$0x3FFD];
	_ =	sdelay $0x3  }
0x96: {  	_ =	strace s2  }
0x97: {  	_ =	strace $0x8FFFFFFF  }
0x98: {  	s18 =	sld [smem:$0x3FDB];
	_ =	sdelay $0x1  }
0x99: {  	s19 =	simm.s32 $_scs_section_size  }
0x9a: {  	s4 =	simm.s32 $_size__tile_overlayer_lowered;
	s5 =	simm.s32 $_tile_overlayer_lowered  }
0x9b: {  	s22 =	simm.s32 $0x1BFF;
	s21 =	sshll.u32 s5, $0x1;
	s2 =	sadd.s32 s19, s18  }
0x9c: {  	s6 =	simm.s32 $0x0;
	s20 =	sshll.u32 s4, $0x1;
	s4 =	sadd.s32 s21, s2  }
0x9d: {  	[timem:s6], [sflag:s22] =	dma.local [hbm:s4], s20  }
0x9e: {  	_ =	swait.ge [sflag:s22], s20  }
0x9f: {  	s3 =	ssub.s32 $0x0, s20;
	[sflag:s22] =	ssyncset.done $0x0  }
0xa0: {  	[sflag:s22] =	ssyncadd.s32 s3;
	_ =	sdelay $0x1  }
0xa1: {  	s23 =	simm.s32 $0x1B8B  }
0xa2: {  	_ =	swait.ge [sflag:s23], $0x1  }
0xa3: {  	[sflag:s23] =	ssyncset.done $0x0  }
0xa4: {  	s25 =	simm.s32 $0x1B8E;
	s24 =	sld [smem:$0x3FFE];
	[sflag:s23] =	ssyncadd.s32 $0xFFFFFFFF  }
0xa5: {  	s26 =	simm.s32 $execute0_lowered;
	[smem:$0x3FD2] =	sst s25  }
0xa6: {  	s4 =	sshll.u32 s26, $0x1;
	_ =	strace $0x80000049;
	[dreg:$0x1] =	wrdreg $0xFFFFFFFF  }
0xa7: {  	s28 =	simm.s32 $_size_execute0_lowered;
	s2 =	sadd.s32 s2, s4;
	[dreg:$0x0] =	wrdreg $0x0  }
0xa8: {  	s4 =	sshll.u32 s28, $0x1;
	[dreg:$0x2] =	wrdreg s2  }
0xa9: {  	[dreg:$0x3] =	wrdreg s4  }
0xaa: {  	[dreg:$0x4] =	wrdreg $0xC0  }
0xab: {  	_ =	task [dreg:s6], $0x5FFFF  }
0xac: {  	[dreg:$0x1] =	wrdreg $0xFFFFFFFF  }
0xad: {  	[dreg:$0x0] =	wrdreg $0x60  }
0xae: {  	[dreg:$0x2] =	wrdreg s24  }
0xaf: {  	[dreg:$0x3] =	wrdreg $0xA8000  }
0xb0: {  	[dreg:$0x4] =	wrdreg $0x9  }
0xb1: {  	_ =	task.clear_ibuf [dreg:s6], $0x5FFFF;
	_ =	strace $0x90000049  }
0xb2: {  	s29 =	simm.s32 $0x9;
	_ =	strace $0x8000004B  }
0xb3: {  	_ =	swait.ge [sflag:s29], $0x1  }
0xb4: {  	[sflag:s29] =	ssyncadd.s32 $0xFFFFFFFF  }
0xb5: {  	_ =	strace $0x9000004B  }
0xb6: {  	_ =	sfence  }
0xb7: {  	s30 =	sld [smem:$0x0];
	_ =	sdelay $0x2  }
0xb8: {  	s31 =	sshll.u32 s1, $0xD;
	s1 =	sshrl.u32 s1, $0x2  }
0xb9: {  	s3 =	sand.u32 $0x4000, s31;
	s1 =	sadd.s32 s1, s30  }
0xba: {  	s0 =	sor.u32 s3, s0;
	s1 =	sshll.u32 s1, $0x11  }
0xbb: {  	s0 =	sor.u32 s1, s0  }
0xbc: {  	s0 =	sadd.s32 $0x8F2B, s0  }
0xbd: {  	[sflag:s0] =	ssyncadd.remote.s32 $0x1  }
0xbe: {  	_ =	sfence.sel $0xFFFF  }
0xbf: {  	[dreg:$0x0] =	wrdreg $0xFFFFFFFF;
	(pc) =	sbr.abs _section_cstart, $3  }
0xc0: {  	[dreg:$0x1] =	wrdreg $0xFFFFFFFF  }
0xc1: {  	_ =	task.clear_ibuf [dreg:s6], $0x2FFFF;
	_ =	strace $0x9FFFFFFF  }
0xc2: {  	(tm) =	ssettm $0x7FFFFFFF  }
0xc3: {  	_ =	shalt  }
tec
execute0_lowered:
.L_overlay_start_1:
0x0: {  	(tag) =	ssettag $0x1  }
0x1: {  	s5 =	rddreg [dreg:$0x0]  }
0x2: {  	s1 =	rddreg [dreg:$0x1]  }
0x3: {  	s0 =	rddreg [dreg:$0x2]  }
0x4: {  	s2 =	simm.s32 $0x0;
	s3 =	srdreg.scid;
	s15 =	simm.s32 $0x2800  }
0x5: {  	s16 =	simm.s32 $0x3;
	s17 =	simm.s32 $0x1400;
	s18 =	simm.s32 $0x80  }
0x6: {  	s19 =	simm.s32 $0x6800;
	s20 =	simm.s32 $0x1;
	s21 =	simm.s32 $0x2  }
0x7: {  	s22 =	simm.s32 $0x1380;
	s23 =	simm.s32 $0x2700;
	[smem:$0x7FF] =	sst s2  }
0x8: {  	s6 =	sand.u32 $0x1, s3;
	s3 =	stileid.u32;
	s4 =	sadd.s32 $0x90600, s5  }
0x9: {  	s9 =	sadd.s32 $0xEC00, s5;
	s11 =	sadd.s32 $0x4C00, s5;
	s7 =	smul.u32 $0x28000, s6  }
0xa: {  	_ =	strace $0x8000004A;
	s8 =	sshll.u32 s3, $0x1;
	s10 =	smul.u32 $0x50000, s3  }
0xb: {  	s25 =	smul.u32 $0x2800, s3;
	s8 =	sor.u32 s6, s8;
	s6 =	ssub.s32 $0x2, s6  }
0xc: {  	s12 =	smul.u32 $0x2800, s8;
	s13 =	sadd.s32 s7, s5;
	s26 =	sshrl.u32 s6, $0x1  }
0xd: {  	s28 =	smul.u32 $0x500, s8;
	s29 =	sshrl.u32 s10, $0x2;
	s14 =	ssub.s32 s6, s26  }
0xe: {  	s5 =	sadd.s32 s29, s1;
	s24 =	sadd.s32 $0xB7800, s13;
	s30 =	sshrl.u32 s12, $0x3  }
0xf: {  	s6 =	sadd.s32 s9, s28;
	s7 =	sadd.s32 s11, s28;
	s10 =	smax.u32 s14, $0x1  }
0x10: {  	s12 =	sadd.s32 $0x8000, s5;
	s13 =	sadd.s32 $0xC000, s5;
	s14 =	sadd.s32 $0x10000, s5  }
0x11: {  	s24 =	sadd.s32 s25, s24;
	s25 =	simm.s32 $0x2780;
	s31 =	sadd.s32 $0x280, s30  }
0x12: {  	v0 =	vimm.f32 $0.0e+00;
	s8 =	sadd.s32 s9, s31;
	s9 =	sadd.s32 s11, s31;
	s11 =	sadd.s32 $0x4000, s5  }
.LBB2_1:
0x13: {  	s26 =	simm.s32 $0x0;
	s28 =	simm.s32 $0x200  }
.LBB2_2:
0x14: {  	p0 =	sne.s32 s28, $0xFE00;
	[tilespmem:s26+$0x2870] =	vst v0  }
0x15: {  	[tilespmem:s26+$0x2800] =	vst v0  }
0x16: {  	[tilespmem:s26+$0x2810] =	vst v0  }
.Ltmp0:
0x17: {  	[tilespmem:s26+$0x2820] =	vst v0;
	(pc) =	sbr.rel @p0 .LBB2_2-.Ltmp0, $4  }
0x18: {  	[tilespmem:s26+$0x2830] =	vst v0  }
0x19: {  	[tilespmem:s26+$0x2840] =	vst v0  }
0x1a: {  	[tilespmem:s26+$0x2850] =	vst v0  }
0x1b: {  	[tilespmem:s26+$0x2860] =	vst v0;
	s26 =	sshra.s32 s28, $0x2;
	s28 =	sadd.s32 $0x200, s28  }
0x1c: {  	[tilespmem:s26+$0x2870] =	vst v0  }
0x1d: {  	[tilespmem:s26+$0x2800] =	vst v0  }
0x1e: {  	[tilespmem:s26+$0x2810] =	vst v0  }
0x1f: {  	[tilespmem:s26+$0x2820] =	vst v0  }
0x20: {  	[tilespmem:s26+$0x2830] =	vst v0  }
0x21: {  	[tilespmem:s26+$0x2840] =	vst v0  }
0x22: {  	[tilespmem:s26+$0x2850] =	vst v0  }
0x23: {  	[tilespmem:s26+$0x2860] =	vst v0  }
0x24: {  	[spmem:s5] =	stream.linear.scatter [tilespmem:s15], [sflag:$0x3], $0x4000, $0x38;
	[tilespmem:$0x1E800] =	vst v63  }
0x25: {  	_ =	swait.ge [sflag:s16], $0x4000  }
0x26: {  	[sflag:s16] =	ssyncset.done $0x0  }
0x27: {  	[sflag:s16] =	ssyncadd.s32 $0xFFFFC000  }
0x28: {  	[spmem:s11] =	stream.linear.scatter [tilespmem:s15], [sflag:$0x3], $0x4000, $0x38;
	[tilespmem:$0x1E800] =	vst v63  }
0x29: {  	_ =	swait.ge [sflag:s16], $0x4000  }
0x2a: {  	[sflag:s16] =	ssyncset.done $0x0  }
0x2b: {  	[sflag:s16] =	ssyncadd.s32 $0xFFFFC000  }
0x2c: {  	[spmem:s12] =	stream.linear.scatter [tilespmem:s15], [sflag:$0x3], $0x4000, $0x38;
	[tilespmem:$0x1E800] =	vst v63  }
0x2d: {  	_ =	swait.ge [sflag:s16], $0x4000  }
0x2e: {  	[sflag:s16] =	ssyncset.done $0x0  }
0x2f: {  	[sflag:s16] =	ssyncadd.s32 $0xFFFFC000  }
0x30: {  	[spmem:s13] =	stream.linear.scatter [tilespmem:s15], [sflag:$0x3], $0x4000, $0x38;
	[tilespmem:$0x1E800] =	vst v63  }
0x31: {  	_ =	swait.ge [sflag:s16], $0x4000  }
0x32: {  	[sflag:s16] =	ssyncset.done $0x0  }
0x33: {  	[sflag:s16] =	ssyncadd.s32 $0xFFFFC000  }
0x34: {  	[spmem:s14] =	stream.linear.scatter [tilespmem:s15], [sflag:$0x3], $0x4000, $0x38;
	[tilespmem:$0x1E800] =	vst v63  }
0x35: {  	_ =	swait.ge [sflag:s16], $0x4000  }
0x36: {  	[sflag:s16] =	ssyncset.done $0x0  }
0x37: {  	[sflag:s16] =	ssyncadd.s32 $0xFFFFC000  }
0x38: {  	s30 =	simm.s32 $0x0;
	[bflag:$0x0] =	sbarrier.arrive $0xFFFF  }
0x39: {  	[tilespmem:s30], [sflag:$0x3] =	stream.linear.gather [hbm4b:s6+s30], $0x1400, $0x38;
	[tilespmem:$0x1E800] =	vst v63  }
0x3a: {  	_ =	swait.ge [sflag:s16], $0x1400  }
0x3b: {  	[sflag:s16] =	ssyncset.done $0x0  }
0x3c: {  	[sflag:s16] =	ssyncadd.s32 $0xFFFFEC00  }
0x3d: {  	[tilespmem:s17], [sflag:$0x3] =	stream.linear.gather [hbm4b:s7+s30], $0x1400, $0x38;
	[tilespmem:$0x1E800] =	vst v63  }
0x3e: {  	_ =	swait.ge [sflag:s16], $0x1400  }
0x3f: {  	[sflag:s16] =	ssyncset.done $0x0  }
0x40: {  	[sflag:s16] =	ssyncadd.s32 $0xFFFFEC00  }
0x41: {  	[tilespmem:s15], [sflag:$0x1] =	stream.indirect.gather [hbm4b:s4+s18], $0x80, s30, s18, $0xb8;
	[tilespmem:$0x1E800] =	vst v63  }
0x42: {  	s31 =	simm.s32 $0x80  }
0x43: {  	[tilespmem:s19], [sflag:$0x2] =	stream.indirect.gather [hbm4b:s4+s18], $0x80, s31, s18, $0xb8;
	[tilespmem:$0x1E800] =	vst v63  }
0x44: {  	_ =	swait.ge [sflag:s20], $0x4000  }
0x45: {  	[sflag:s20] =	ssyncset.done $0x0  }
0x46: {  	s29 =	simm.s32 $0x1400;
	[sflag:s20] =	ssyncadd.s32 $0xFFFFC000  }
0x47: {  	[spmem:s1] =	stream.indirect.scatter.add.f32 [tilespmem:s15], [sflag:$0x3], $0x80, s29, s18, $0xb8;
	[tilespmem:$0x1E800] =	vst v63  }
0x48: {  	_ =	swait.ge [sflag:s16], $0x4000  }
0x49: {  	[sflag:s16] =	ssyncset.done $0x0  }
0x4a: {  	s30 =	simm.s32 $0x100;
	[sflag:s16] =	ssyncadd.s32 $0xFFFFC000  }
0x4b: {  	[tilespmem:s15], [sflag:$0x1] =	stream.indirect.gather [hbm4b:s4+s18], $0x80, s30, s18, $0xb8;
	[tilespmem:$0x1E800] =	vst v63  }
0x4c: {  	_ =	swait.ge [sflag:s21], $0x4000  }
0x4d: {  	[sflag:s21] =	ssyncset.done $0x0  }
0x4e: {  	s31 =	simm.s32 $0x1480;
	[sflag:s21] =	ssyncadd.s32 $0xFFFFC000  }
0x4f: {  	[spmem:s1] =	stream.indirect.scatter.add.f32 [tilespmem:s19], [sflag:$0x3], $0x80, s31, s18, $0xb8;
	[tilespmem:$0x1E800] =	vst v63  }
0x50: {  	_ =	swait.ge [sflag:s16], $0x4000  }
0x51: {  	s28 =	simm.s32 $0x800;
	s26 =	simm.s32 $0x100;
	[sflag:s16] =	ssyncset.done $0x0  }
.LBB2_4:
0x52: {  	s29 =	sadd.s32 $0x80, s26  }
0x53: {  	[sflag:s16] =	ssyncadd.s32 $0xFFFFC000;
	s30 =	smov.u32 s28;
	s31 =	sadd.s32 $0x400, s28  }
0x54: {  	[tilespmem:s19], [sflag:$0x2] =	stream.indirect.gather [hbm4b:s4+s18], $0x80, s29, s18, $0xb8;
	[tilespmem:$0x1E800] =	vst v63  }
0x55: {  	p0 =	sne.s32 s28, $0x4800;
	_ =	swait.ge [sflag:s20], $0x4000  }
0x56: {  	[sflag:s20] =	ssyncset.done $0x0  }
0x57: {  	s28 =	sadd.s32 $0x1400, s26;
	[sflag:s20] =	ssyncadd.s32 $0xFFFFC000  }
0x58: {  	[spmem:s1] =	stream.indirect.scatter.add.f32 [tilespmem:s15], [sflag:$0x3], $0x80, s28, s18, $0xb8;
	[tilespmem:$0x1E800] =	vst v63  }
0x59: {  	_ =	swait.ge [sflag:s16], $0x4000  }
0x5a: {  	[sflag:s16] =	ssyncset.done $0x0  }
0x5b: {  	s28 =	sadd.s32 $0x100, s26;
	[sflag:s16] =	ssyncadd.s32 $0xFFFFC000  }
0x5c: {  	[tilespmem:s15], [sflag:$0x1] =	stream.indirect.gather [hbm4b:s4+s18], $0x80, s28, s18, $0xb8;
	[tilespmem:$0x1E800] =	vst v63  }
0x5d: {  	_ =	swait.ge [sflag:s21], $0x4000  }
.Ltmp1:
0x5e: {  	[sflag:s21] =	ssyncset.done $0x0;
	(pc) =	sbr.rel @p0 .LBB2_4-.Ltmp1, $4  }
0x5f: {  	s26 =	sadd.s32 $0x1480, s26;
	[sflag:s21] =	ssyncadd.s32 $0xFFFFC000  }
0x60: {  	[spmem:s1] =	stream.indirect.scatter.add.f32 [tilespmem:s19], [sflag:$0x3], $0x80, s26, s18, $0xb8;
	[tilespmem:$0x1E800] =	vst v63  }
0x61: {  	_ =	swait.ge [sflag:s16], $0x4000  }
0x62: {  	s28 =	smov.u32 s31;
	s26 =	sshra.s32 s30, $0x2;
	[sflag:s16] =	ssyncset.done $0x0  }
0x63: {  	s28 =	sadd.s32 $0x80, s26;
	[sflag:s16] =	ssyncadd.s32 $0xFFFFC000  }
0x64: {  	[tilespmem:s19], [sflag:$0x2] =	stream.indirect.gather [hbm4b:s4+s18], $0x80, s28, s18, $0xb8;
	[tilespmem:$0x1E800] =	vst v63  }
0x65: {  	_ =	swait.ge [sflag:s20], $0x4000  }
0x66: {  	[sflag:s20] =	ssyncset.done $0x0  }
0x67: {  	s28 =	sadd.s32 $0x1400, s26;
	[sflag:s20] =	ssyncadd.s32 $0xFFFFC000  }
0x68: {  	[spmem:s1] =	stream.indirect.scatter.add.f32 [tilespmem:s15], [sflag:$0x3], $0x80, s28, s18, $0xb8;
	[tilespmem:$0x1E800] =	vst v63  }
0x69: {  	_ =	swait.ge [sflag:s16], $0x4000  }
0x6a: {  	[sflag:s16] =	ssyncset.done $0x0  }
0x6b: {  	s28 =	sadd.s32 $0x100, s26;
	[sflag:s16] =	ssyncadd.s32 $0xFFFFC000  }
0x6c: {  	[tilespmem:s15], [sflag:$0x1] =	stream.indirect.gather [hbm4b:s4+s18], $0x80, s28, s18, $0xb8;
	[tilespmem:$0x1E800] =	vst v63  }
0x6d: {  	_ =	swait.ge [sflag:s21], $0x4000  }
0x6e: {  	[sflag:s21] =	ssyncset.done $0x0  }
0x6f: {  	s29 =	sadd.s32 $0x1480, s26;
	[sflag:s21] =	ssyncadd.s32 $0xFFFFC000  }
0x70: {  	[spmem:s1] =	stream.indirect.scatter.add.f32 [tilespmem:s19], [sflag:$0x3], $0x80, s29, s18, $0xb8;
	[tilespmem:$0x1E800] =	vst v63  }
0x71: {  	_ =	swait.ge [sflag:s16], $0x4000  }
0x72: {  	[sflag:s16] =	ssyncset.done $0x0  }
0x73: {  	[sflag:s16] =	ssyncadd.s32 $0xFFFFC000  }
0x74: {  	[tilespmem:s19], [sflag:$0x2] =	stream.indirect.gather [hbm4b:s4+s18], $0x80, s22, s18, $0xb8;
	[tilespmem:$0x1E800] =	vst v63  }
0x75: {  	_ =	swait.ge [sflag:s20], $0x4000  }
0x76: {  	[sflag:s20] =	ssyncset.done $0x0  }
0x77: {  	[sflag:s20] =	ssyncadd.s32 $0xFFFFC000  }
0x78: {  	[spmem:s1] =	stream.indirect.scatter.add.f32 [tilespmem:s15], [sflag:$0x3], $0x80, s23, s18, $0xb8;
	[tilespmem:$0x1E800] =	vst v63  }
0x79: {  	_ =	swait.ge [sflag:s16], $0x4000  }
0x7a: {  	[sflag:s16] =	ssyncset.done $0x0  }
0x7b: {  	[sflag:s16] =	ssyncadd.s32 $0xFFFFC000  }
0x7c: {  	_ =	swait.ge [sflag:s21], $0x4000  }
0x7d: {  	[sflag:s21] =	ssyncset.done $0x0  }
0x7e: {  	[sflag:s21] =	ssyncadd.s32 $0xFFFFC000  }
0x7f: {  	[spmem:s1] =	stream.indirect.scatter.add.f32 [tilespmem:s19], [sflag:$0x3], $0x80, s25, s18, $0xb8;
	[tilespmem:$0x1E800] =	vst v63  }
0x80: {  	_ =	swait.ge [sflag:s16], $0x4000  }
0x81: {  	[sflag:s16] =	ssyncset.done $0x0  }
0x82: {  	s30 =	simm.s32 $0x0;
	[sflag:s16] =	ssyncadd.s32 $0xFFFFC000  }
0x83: {  	[tilespmem:s30], [sflag:$0x3] =	stream.linear.gather [hbm4b:s8+s30], $0x1400, $0x38;
	[tilespmem:$0x1E800] =	vst v63  }
0x84: {  	_ =	swait.ge [sflag:s16], $0x1400  }
0x85: {  	[sflag:s16] =	ssyncset.done $0x0  }
0x86: {  	[sflag:s16] =	ssyncadd.s32 $0xFFFFEC00  }
0x87: {  	[tilespmem:s17], [sflag:$0x3] =	stream.linear.gather [hbm4b:s9+s30], $0x1400, $0x38;
	[tilespmem:$0x1E800] =	vst v63  }
0x88: {  	_ =	swait.ge [sflag:s16], $0x1400  }
0x89: {  	[sflag:s16] =	ssyncset.done $0x0  }
0x8a: {  	[sflag:s16] =	ssyncadd.s32 $0xFFFFEC00  }
0x8b: {  	[tilespmem:s15], [sflag:$0x1] =	stream.indirect.gather [hbm4b:s4+s18], $0x80, s30, s18, $0xb8;
	[tilespmem:$0x1E800] =	vst v63  }
0x8c: {  	s31 =	simm.s32 $0x80  }
0x8d: {  	[tilespmem:s19], [sflag:$0x2] =	stream.indirect.gather [hbm4b:s4+s18], $0x80, s31, s18, $0xb8;
	[tilespmem:$0x1E800] =	vst v63  }
0x8e: {  	_ =	swait.ge [sflag:s20], $0x4000  }
0x8f: {  	[sflag:s20] =	ssyncset.done $0x0  }
0x90: {  	s29 =	simm.s32 $0x1400;
	[sflag:s20] =	ssyncadd.s32 $0xFFFFC000  }
0x91: {  	[spmem:s1] =	stream.indirect.scatter.add.f32 [tilespmem:s15], [sflag:$0x3], $0x80, s29, s18, $0xb8;
	[tilespmem:$0x1E800] =	vst v63  }
0x92: {  	_ =	swait.ge [sflag:s16], $0x4000  }
0x93: {  	[sflag:s16] =	ssyncset.done $0x0  }
0x94: {  	s30 =	simm.s32 $0x100;
	[sflag:s16] =	ssyncadd.s32 $0xFFFFC000  }
0x95: {  	[tilespmem:s15], [sflag:$0x1] =	stream.indirect.gather [hbm4b:s4+s18], $0x80, s30, s18, $0xb8;
	[tilespmem:$0x1E800] =	vst v63  }
0x96: {  	_ =	swait.ge [sflag:s21], $0x4000  }
0x97: {  	[sflag:s21] =	ssyncset.done $0x0  }
0x98: {  	s31 =	simm.s32 $0x1480;
	[sflag:s21] =	ssyncadd.s32 $0xFFFFC000  }
0x99: {  	[spmem:s1] =	stream.indirect.scatter.add.f32 [tilespmem:s19], [sflag:$0x3], $0x80, s31, s18, $0xb8;
	[tilespmem:$0x1E800] =	vst v63  }
0x9a: {  	_ =	swait.ge [sflag:s16], $0x4000  }
0x9b: {  	s26 =	simm.s32 $0x100;
	s28 =	simm.s32 $0x800;
	[sflag:s16] =	ssyncset.done $0x0  }
.LBB2_6:
0x9c: {  	s29 =	sadd.s32 $0x80, s26  }
0x9d: {  	[sflag:s16] =	ssyncadd.s32 $0xFFFFC000;
	s30 =	smov.u32 s28;
	s31 =	sadd.s32 $0x400, s28  }
0x9e: {  	[tilespmem:s19], [sflag:$0x2] =	stream.indirect.gather [hbm4b:s4+s18], $0x80, s29, s18, $0xb8;
	[tilespmem:$0x1E800] =	vst v63  }
0x9f: {  	p0 =	sne.s32 s28, $0x4800;
	_ =	swait.ge [sflag:s20], $0x4000  }
0xa0: {  	[sflag:s20] =	ssyncset.done $0x0  }
0xa1: {  	s28 =	sadd.s32 $0x1400, s26;
	[sflag:s20] =	ssyncadd.s32 $0xFFFFC000  }
0xa2: {  	[spmem:s1] =	stream.indirect.scatter.add.f32 [tilespmem:s15], [sflag:$0x3], $0x80, s28, s18, $0xb8;
	[tilespmem:$0x1E800] =	vst v63  }
0xa3: {  	_ =	swait.ge [sflag:s16], $0x4000  }
0xa4: {  	[sflag:s16] =	ssyncset.done $0x0  }
0xa5: {  	s28 =	sadd.s32 $0x100, s26;
	[sflag:s16] =	ssyncadd.s32 $0xFFFFC000  }
0xa6: {  	[tilespmem:s15], [sflag:$0x1] =	stream.indirect.gather [hbm4b:s4+s18], $0x80, s28, s18, $0xb8;
	[tilespmem:$0x1E800] =	vst v63  }
0xa7: {  	_ =	swait.ge [sflag:s21], $0x4000  }
.Ltmp2:
0xa8: {  	[sflag:s21] =	ssyncset.done $0x0;
	(pc) =	sbr.rel @p0 .LBB2_6-.Ltmp2, $4  }
0xa9: {  	s26 =	sadd.s32 $0x1480, s26;
	[sflag:s21] =	ssyncadd.s32 $0xFFFFC000  }
0xaa: {  	[spmem:s1] =	stream.indirect.scatter.add.f32 [tilespmem:s19], [sflag:$0x3], $0x80, s26, s18, $0xb8;
	[tilespmem:$0x1E800] =	vst v63  }
0xab: {  	_ =	swait.ge [sflag:s16], $0x4000  }
0xac: {  	s28 =	smov.u32 s31;
	s26 =	sshra.s32 s30, $0x2;
	[sflag:s16] =	ssyncset.done $0x0  }
0xad: {  	s28 =	sadd.s32 $0x80, s26;
	[sflag:s16] =	ssyncadd.s32 $0xFFFFC000  }
0xae: {  	[tilespmem:s19], [sflag:$0x2] =	stream.indirect.gather [hbm4b:s4+s18], $0x80, s28, s18, $0xb8;
	[tilespmem:$0x1E800] =	vst v63  }
0xaf: {  	_ =	swait.ge [sflag:s20], $0x4000  }
0xb0: {  	[sflag:s20] =	ssyncset.done $0x0  }
0xb1: {  	s30 =	sadd.s32 $0x1400, s26;
	[sflag:s20] =	ssyncadd.s32 $0xFFFFC000  }
0xb2: {  	[spmem:s1] =	stream.indirect.scatter.add.f32 [tilespmem:s15], [sflag:$0x3], $0x80, s30, s18, $0xb8;
	[tilespmem:$0x1E800] =	vst v63  }
0xb3: {  	_ =	swait.ge [sflag:s16], $0x4000  }
0xb4: {  	[sflag:s16] =	ssyncset.done $0x0  }
0xb5: {  	s31 =	sadd.s32 $0x100, s26;
	[sflag:s16] =	ssyncadd.s32 $0xFFFFC000  }
0xb6: {  	[tilespmem:s15], [sflag:$0x1] =	stream.indirect.gather [hbm4b:s4+s18], $0x80, s31, s18, $0xb8;
	[tilespmem:$0x1E800] =	vst v63  }
0xb7: {  	_ =	swait.ge [sflag:s21], $0x4000  }
0xb8: {  	[sflag:s21] =	ssyncset.done $0x0  }
0xb9: {  	s29 =	sadd.s32 $0x1480, s26;
	[sflag:s21] =	ssyncadd.s32 $0xFFFFC000  }
0xba: {  	[spmem:s1] =	stream.indirect.scatter.add.f32 [tilespmem:s19], [sflag:$0x3], $0x80, s29, s18, $0xb8;
	[tilespmem:$0x1E800] =	vst v63  }
0xbb: {  	_ =	swait.ge [sflag:s16], $0x4000  }
0xbc: {  	[sflag:s16] =	ssyncset.done $0x0  }
0xbd: {  	[sflag:s16] =	ssyncadd.s32 $0xFFFFC000  }
0xbe: {  	[tilespmem:s19], [sflag:$0x2] =	stream.indirect.gather [hbm4b:s4+s18], $0x80, s22, s18, $0xb8;
	[tilespmem:$0x1E800] =	vst v63  }
0xbf: {  	_ =	swait.ge [sflag:s20], $0x4000  }
0xc0: {  	[sflag:s20] =	ssyncset.done $0x0  }
0xc1: {  	[sflag:s20] =	ssyncadd.s32 $0xFFFFC000  }
0xc2: {  	[spmem:s1] =	stream.indirect.scatter.add.f32 [tilespmem:s15], [sflag:$0x3], $0x80, s23, s18, $0xb8;
	[tilespmem:$0x1E800] =	vst v63  }
0xc3: {  	_ =	swait.ge [sflag:s16], $0x4000  }
0xc4: {  	[sflag:s16] =	ssyncset.done $0x0  }
0xc5: {  	[sflag:s16] =	ssyncadd.s32 $0xFFFFC000  }
0xc6: {  	_ =	swait.ge [sflag:s21], $0x4000  }
0xc7: {  	[sflag:s21] =	ssyncset.done $0x0  }
0xc8: {  	[sflag:s21] =	ssyncadd.s32 $0xFFFFC000  }
0xc9: {  	[spmem:s1] =	stream.indirect.scatter.add.f32 [tilespmem:s19], [sflag:$0x3], $0x80, s25, s18, $0xb8;
	[tilespmem:$0x1E800] =	vst v63  }
0xca: {  	_ =	swait.ge [sflag:s16], $0x4000  }
0xcb: {  	s2 =	sadd.s32 $0x1, s2;
	s30 =	sshll.u32 s3, $0x6;
	[sflag:s16] =	ssyncset.done $0x0  }
0xcc: {  	p0 =	sne.s32 s2, s10;
	s26 =	sor.u32 $0x1C03, s30;
	[sflag:s16] =	ssyncadd.s32 $0xFFFFC000  }
.Ltmp3:
0xcd: {  	s31 =	sshrl.u32 s5, $0x3;
	[bflag:$0x0] =	sbarrier.arrive $0xFFFF;
	(pc) =	sbr.rel @p0 .LBB2_1-.Ltmp3, $4  }
0xce: {  	[hbm:s24], [sflag:s26] =	dma.local [spmem:s31], $0x2800  }
0xcf: {  	_ =	swait.ge [sflag:s16], $0x2800  }
0xd0: {  	[sflag:s16] =	ssyncset.done $0x0  }
0xd1: {  	[sflag:s16] =	ssyncadd.s32 $0xFFFFD800  }
0xd2: {  	_ =	sfence.sel $0x180000  }
0xd3: {  	[bflag:$0x0] =	sbarrier.arrive $0xFFFF  }
0xd4: {  	p0 =	sne.s32 s3, $0x0;
	_ =	strace $0x9000004A  }
0xd5: {  	s0 =	sadd.s32 @!p0 $0x100000, s0;
	[bflag:$0x2] =	sbarrier.arrive $0xFFFF  }
0xd6: {  	[sflag:s0] =	ssyncadd.tile.s32 @!p0 $0x1;
	_ =	shalt  }
.Lfunc_end2:
_tile_overlayer_lowered:
.L_overlay_start_2:
0xd7: {  	(tag) =	ssettag $0x2  }
0xd8: {  	s0 =	rddreg [dreg:$0x0];
	s2 =	stileid.u32  }
0xd9: {  	s1 =	rddreg [dreg:$0x1];
	p0 =	sne.s32 s2, $0x0  }
0xda: {  	s3 =	rddreg [dreg:$0x2];
	[bflag:$0x3] =	sbarrier.arrive $0xFFFF;
	s2 =	simm.s32 @!p0 $0x1C03  }
0xdb: {  	[timem:s3], [sflag:s2] =	dma.local @!p0 [hbm:s0], s1  }
0xdc: {  	s0 =	simm.s32 @!p0 $0x3  }
0xdd: {  	_ =	swait.ge @!p0 [sflag:s0], s1  }
0xde: {  	s1 =	ssub.s32 @!p0 $0x0, s1;
	[sflag:s0] =	ssyncset.done @!p0 $0x0  }
0xdf: {  	[sflag:s0] =	ssyncadd.s32 @!p0 s1  }
0xe0: {  	[bflag:$0x3] =	sbarrier.arrive $0xFFFF  }
0xe1: {  	_ =	shalt  }

// kernel: kernel.17.cloned.1.call-start
scs
__scs_entry_jumppad:
0x0: {  	(pc) =	sbr.rel $0x88, $3  }
0x1: {  	(tag) =	ssettag $0x0;
	lr =	simm.s32 $0x1  }
0x2: {  	[smem:$0x3F97] =	sst lr;
	_ =	strace $0xD0000000  }
0x3: {  	_ = 	snop  }
0x4: {  	_ = 	snop  }
0x5: {  	_ = 	snop  }
0x6: {  	_ = 	snop  }
0x7: {  	_ = 	snop  }
__scs_overlays_trampoline_lowered:
0x8: {  	[smem:$0x3FA6] =	sst s0  }
0x9: {  	[smem:$0x3FA7] =	sst s1  }
0xa: {  	[smem:$0x3FA8] =	sst s2  }
0xb: {  	[smem:$0x3FA9] =	sst s3  }
0xc: {  	[smem:$0x3FAA] =	sst s4  }
0xd: {  	[smem:$0x3FAB] =	sst s5  }
0xe: {  	[smem:$0x3FAC] =	sst s6  }
0xf: {  	[smem:$0x3FAD] =	sst s7  }
0x10: {  	[smem:$0x3FAE] =	sst s8  }
0x11: {  	[smem:$0x3FAF] =	sst s9;
	s0 =	simm.s32 @!p0 $0x0  }
0x12: {  	s1 =	sld [smem:$0x3F95];
	s0 =	simm.s32 @p0 $0x1  }
0x13: {  	[smem:$0x3FB0] =	sst s0;
	s0 =	simm.s32 @!p1 $0x0  }
0x14: {  	s2 =	sld [smem:$0x3F94];
	s0 =	simm.s32 @p1 $0x1  }
0x15: {  	[smem:$0x3FB1] =	sst s0;
	s0 =	simm.s32 @!p2 $0x0  }
0x16: {  	s3 =	sld [smem:$0x3FDB];
	s0 =	simm.s32 @p2 $0x1  }
0x17: {  	s4 =	simm.s32 $0x1BF5;
	[smem:$0x3FB3] =	sst s0  }
0x18: {  	s0 =	sld [smem:$0x3F96];
	_ =	swait.ge [sflag:s4], $0x0  }
0x19: {  	s7 =	sld [smem:$0x3F97]  }
0x1a: {  	s8 =	sadd.s32 $0xFFFFE003, lr  }
0x1b: {  	s9 =	sadd.s32 $0xFFFFFEF7, lr;
	s5 =	simm.s32 $0xFFFFFFFF;
	p2 =	slt.u32 s8, $0xFFFFF086  }
0x1c: {  	p1 =	slt.u32 s9, $0xF7A;
	s5 =	simm.s32 @!p2 $0x0  }
0x1d: {  	s5 =	simm.s32 @p1 $0x1;
	p0 =	seq.s32 s7, s2  }
0x1e: {  	s7 =	smul.u32 @!p0 $0xF7A, s2;
	p2 =	seq.s32 @!p0 s5, $0x0  }
0x1f: {  	s9 =	smul.u32 $0xF7A, s1;
	s8 =	simm.s32 @!p0 $0x1BF5;
	p2 =	por !p2, p0  }
0x20: {  	[sflag:s8] =	ssyncset.s32 @!p0 $0xFFFFF086;
	s6 =	sadd.s32 @!p0 s3, s7;
	s7 =	simm.s32 @!p0 $0x108  }
0x21: {  	s3 =	sadd.s32 s3, s9;
	s6 =	sadd.s32 @!p0 $0x88, s6;
	s7 =	simm.s32 @p2 $0x1082  }
0x22: {  	[simem:s7], [sflag:s8] =	dma.local @!p0 [hbm:s6], $0xF7A  }
0x23: {  	s9 =	sor.u32 $0xD0000000, s2;
	s6 =	simm.s32 $0x108;
	_ =	swait.ge @!p0 [sflag:s8], $0x0  }
0x24: {  	s3 =	sadd.s32 $0x88, s3;
	s6 =	simm.s32 @!p1 $0x1082;
	[sflag:s4] =	ssyncset.s32 $0xFFFFF086  }
0x25: {  	[simem:s6], [sflag:s4] =	dma.local [hbm:s3], $0xF7A  }
0x26: {  	[smem:$0x3F97] =	sst s1;
	(tag) =	ssettag s2;
	_ =	strace s9  }
0x27: {  	s1 =	sld [smem:$0x3FA7]  }
0x28: {  	s2 =	sld [smem:$0x3FA8]  }
0x29: {  	s4 =	sld [smem:$0x3FAA]  }
0x2a: {  	p0 =	seq.s32 s5, $0x0;
	s5 =	sld [smem:$0x3FAB]  }
0x2b: {  	s6 =	sld [smem:$0x3FAC]  }
0x2c: {  	s7 =	sld [smem:$0x3FAD]  }
0x2d: {  	s3 =	simm.s32 $0x108;
	s8 =	sld [smem:$0x3FAE]  }
0x2e: {  	s3 =	simm.s32 @!p0 $0x1082;
	s9 =	sld [smem:$0x3FAF]  }
0x2f: {  	lr =	sadd.s32 s0, s3;
	s0 =	sld [smem:$0x3FA6]  }
0x30: {  	s3 =	sld [smem:$0x3FA9]  }
0x31: {  	[smem:$0x3FB2] =	sst s10  }
0x32: {  	s10 =	sld [smem:$0x3FB0];
	_ =	sdelay $0x3  }
0x33: {  	p0 =	seq.s32 s10, $0x1;
	s10 =	sld [smem:$0x3FB2];
	_ =	sdelay $0x3  }
0x34: {  	[smem:$0x3FB2] =	sst s10  }
0x35: {  	s10 =	sld [smem:$0x3FB1];
	_ =	sdelay $0x3  }
0x36: {  	p1 =	seq.s32 s10, $0x1;
	s10 =	sld [smem:$0x3FB2];
	_ =	sdelay $0x3  }
0x37: {  	[smem:$0x3FB2] =	sst s10  }
0x38: {  	s10 =	sld [smem:$0x3FB3]  }
0x39: {  	_ = 	snop;
	(pc) =	sbr.ind lr, $3  }
0x3a: {  	_ = 	snop  }
0x3b: {  	_ = 	snop  }
0x3c: {  	p2 =	seq.s32 s10, $0x1;
	s10 =	sld [smem:$0x3FB2]  }
0x3d: {  	_ =	shalt  }
0x3e: {  	_ =	shalt  }
0x3f: {  	_ =	shalt  }
0x40: {  	_ =	shalt  }
0x41: {  	_ =	shalt  }
0x42: {  	_ =	shalt  }
0x43: {  	_ =	shalt  }
0x44: {  	_ =	shalt  }
0x45: {  	_ =	shalt  }
0x46: {  	_ =	shalt  }
0x47: {  	_ =	shalt  }
0x48: {  	_ =	shalt  }
0x49: {  	_ =	shalt  }
0x4a: {  	_ =	shalt  }
0x4b: {  	_ =	shalt  }
0x4c: {  	_ =	shalt  }
0x4d: {  	_ =	shalt  }
0x4e: {  	_ =	shalt  }
0x4f: {  	_ =	shalt  }
0x50: {  	_ =	shalt  }
0x51: {  	_ =	shalt  }
0x52: {  	_ =	shalt  }
0x53: {  	_ =	shalt  }
0x54: {  	_ =	shalt  }
0x55: {  	_ =	shalt  }
0x56: {  	_ =	shalt  }
0x57: {  	_ =	shalt  }
0x58: {  	_ =	shalt  }
0x59: {  	_ =	shalt  }
0x5a: {  	_ =	shalt  }
0x5b: {  	_ =	shalt  }
0x5c: {  	_ =	shalt  }
0x5d: {  	_ =	shalt  }
0x5e: {  	_ =	shalt  }
0x5f: {  	_ =	shalt  }
0x60: {  	_ =	shalt  }
0x61: {  	_ =	shalt  }
0x62: {  	_ =	shalt  }
0x63: {  	_ =	shalt  }
0x64: {  	_ =	shalt  }
0x65: {  	_ =	shalt  }
0x66: {  	_ =	shalt  }
0x67: {  	_ =	shalt  }
0x68: {  	_ =	shalt  }
0x69: {  	_ =	shalt  }
0x6a: {  	_ =	shalt  }
0x6b: {  	_ =	shalt  }
0x6c: {  	_ =	shalt  }
0x6d: {  	_ =	shalt  }
0x6e: {  	_ =	shalt  }
0x6f: {  	_ =	shalt  }
0x70: {  	_ =	shalt  }
0x71: {  	_ =	shalt  }
0x72: {  	_ =	shalt  }
0x73: {  	_ =	shalt  }
0x74: {  	_ =	shalt  }
0x75: {  	_ =	shalt  }
0x76: {  	_ =	shalt  }
0x77: {  	_ =	shalt  }
0x78: {  	_ =	shalt  }
0x79: {  	_ =	shalt  }
0x7a: {  	_ =	shalt  }
0x7b: {  	_ =	shalt  }
0x7c: {  	_ =	shalt  }
0x7d: {  	_ =	shalt  }
0x7e: {  	_ =	shalt  }
0x7f: {  	_ =	shalt  }
0x80: {  	_ =	shalt  }
0x81: {  	_ =	shalt  }
0x82: {  	_ =	shalt  }
0x83: {  	_ =	shalt  }
0x84: {  	_ =	shalt  }
0x85: {  	_ =	shalt  }
0x86: {  	_ =	shalt  }
0x87: {  	_ =	shalt  }
.Lfunc_end0:
.L_simem_size_0:
called_computation.2_lowered:
.L_overlay_start_0:
0x88: {  	s2 =	sld [smem:$0x3FD9]  }
0x89: {  	s3 =	sld [smem:$0x3FFE];
	_ =	sdelay $0x1  }
0x8a: {  	s1 =	srdreg.scid  }
0x8b: {  	s0 =	sand.u32 $0x1, s1  }
0x8c: {  	s16 =	sshll.u32 s0, $0xA;
	s2 =	sadd.s32 s3, s2  }
0x8d: {  	s2 =	sadd.s32 s2, s16  }
0x8e: {  	[smem:$0x3FBE] =	sst s2  }
0x8f: {  	_ = 	snop  }
0x90: {  	(tm) =	ssettm $0x1  }
0x91: {  	s17 =	sld [smem:$0x3FFB];
	_ =	sdelay $0x3  }
0x92: {  	_ =	strace s17  }
0x93: {  	s2 =	sld [smem:$0x3FFC];
	_ =	sdelay $0x3  }
0x94: {  	_ =	strace s2  }
0x95: {  	s2 =	sld [smem:$0x3FFD];
	_ =	sdelay $0x3  }
0x96: {  	_ =	strace s2  }
0x97: {  	_ =	strace $0x8FFFFFFF  }
0x98: {  	s18 =	sld [smem:$0x3FDB];
	_ =	sdelay $0x1  }
0x99: {  	s19 =	simm.s32 $_scs_section_size  }
0x9a: {  	s4 =	simm.s32 $_size__tile_overlayer_lowered;
	s5 =	simm.s32 $_tile_overlayer_lowered  }
0x9b: {  	s22 =	simm.s32 $0x1BFF;
	s21 =	sshll.u32 s5, $0x1;
	s2 =	sadd.s32 s19, s18  }
0x9c: {  	s6 =	simm.s32 $0x0;
	s20 =	sshll.u32 s4, $0x1;
	s4 =	sadd.s32 s21, s2  }
0x9d: {  	[timem:s6], [sflag:s22] =	dma.local [hbm:s4], s20  }
0x9e: {  	_ =	swait.ge [sflag:s22], s20  }
0x9f: {  	s3 =	ssub.s32 $0x0, s20;
	[sflag:s22] =	ssyncset.done $0x0  }
0xa0: {  	[sflag:s22] =	ssyncadd.s32 s3;
	_ =	sdelay $0x1  }
0xa1: {  	s23 =	simm.s32 $0x1B8B  }
0xa2: {  	_ =	swait.ge [sflag:s23], $0x1  }
0xa3: {  	[sflag:s23] =	ssyncset.done $0x0  }
0xa4: {  	s25 =	simm.s32 $0x1B8E;
	s24 =	sld [smem:$0x3FFE];
	[sflag:s23] =	ssyncadd.s32 $0xFFFFFFFF  }
0xa5: {  	s26 =	simm.s32 $execute0_lowered;
	[smem:$0x3FD2] =	sst s25  }
0xa6: {  	s4 =	sshll.u32 s26, $0x1;
	_ =	strace $0x8000004C;
	[dreg:$0x1] =	wrdreg $0xFFFFFFFF  }
0xa7: {  	s28 =	simm.s32 $_size_execute0_lowered;
	s2 =	sadd.s32 s2, s4;
	[dreg:$0x0] =	wrdreg $0x0  }
0xa8: {  	s4 =	sshll.u32 s28, $0x1;
	[dreg:$0x2] =	wrdreg s2  }
0xa9: {  	[dreg:$0x3] =	wrdreg s4  }
0xaa: {  	[dreg:$0x4] =	wrdreg $0xC0  }
0xab: {  	_ =	task [dreg:s6], $0x5FFFF  }
0xac: {  	[dreg:$0x1] =	wrdreg $0xFFFFFFFF  }
0xad: {  	[dreg:$0x0] =	wrdreg $0x60  }
0xae: {  	[dreg:$0x2] =	wrdreg s24  }
0xaf: {  	[dreg:$0x3] =	wrdreg $0xA8000  }
0xb0: {  	[dreg:$0x4] =	wrdreg $0x9  }
0xb1: {  	_ =	task.clear_ibuf [dreg:s6], $0x5FFFF;
	_ =	strace $0x9000004C  }
0xb2: {  	s29 =	simm.s32 $0x9;
	_ =	strace $0x8000004E  }
0xb3: {  	_ =	swait.ge [sflag:s29], $0x1  }
0xb4: {  	[sflag:s29] =	ssyncadd.s32 $0xFFFFFFFF  }
0xb5: {  	_ =	strace $0x9000004E  }
0xb6: {  	_ =	sfence  }
0xb7: {  	s30 =	sld [smem:$0x0];
	_ =	sdelay $0x2  }
0xb8: {  	s31 =	sshll.u32 s1, $0xD;
	s1 =	sshrl.u32 s1, $0x2  }
0xb9: {  	s3 =	sand.u32 $0x4000, s31;
	s1 =	sadd.s32 s1, s30  }
0xba: {  	s0 =	sor.u32 s3, s0;
	s1 =	sshll.u32 s1, $0x11  }
0xbb: {  	s0 =	sor.u32 s1, s0  }
0xbc: {  	s0 =	sadd.s32 $0x8F2B, s0  }
0xbd: {  	[sflag:s0] =	ssyncadd.remote.s32 $0x1  }
0xbe: {  	_ =	sfence.sel $0xFFFF  }
0xbf: {  	[dreg:$0x0] =	wrdreg $0xFFFFFFFF;
	(pc) =	sbr.abs _section_cstart, $3  }
0xc0: {  	[dreg:$0x1] =	wrdreg $0xFFFFFFFF  }
0xc1: {  	_ =	task.clear_ibuf [dreg:s6], $0x2FFFF;
	_ =	strace $0x9FFFFFFF  }
0xc2: {  	(tm) =	ssettm $0x7FFFFFFF  }
0xc3: {  	_ =	shalt  }
tec
execute0_lowered:
.L_overlay_start_1:
0x0: {  	(tag) =	ssettag $0x1  }
0x1: {  	s5 =	rddreg [dreg:$0x0]  }
0x2: {  	s1 =	rddreg [dreg:$0x1]  }
0x3: {  	s0 =	rddreg [dreg:$0x2]  }
0x4: {  	s2 =	simm.s32 $0x0;
	s3 =	srdreg.scid;
	s15 =	simm.s32 $0x2800  }
0x5: {  	s16 =	simm.s32 $0x3;
	s17 =	simm.s32 $0x1400;
	s18 =	simm.s32 $0x80  }
0x6: {  	s19 =	simm.s32 $0x6800;
	s20 =	simm.s32 $0x1;
	s21 =	simm.s32 $0x2  }
0x7: {  	s22 =	simm.s32 $0x1380;
	s23 =	simm.s32 $0x2700;
	[smem:$0x7FF] =	sst s2  }
0x8: {  	s6 =	sand.u32 $0x1, s3;
	s3 =	stileid.u32;
	s4 =	sadd.s32 $0x67000, s5  }
0x9: {  	s9 =	sadd.s32 $0xEC00, s5;
	s11 =	sadd.s32 $0x4C00, s5;
	s7 =	smul.u32 $0x28000, s6  }
0xa: {  	_ =	strace $0x8000004D;
	s8 =	sshll.u32 s3, $0x1;
	s10 =	smul.u32 $0x50000, s3  }
0xb: {  	s25 =	smul.u32 $0x2800, s3;
	s8 =	sor.u32 s6, s8;
	s6 =	ssub.s32 $0x2, s6  }
0xc: {  	s12 =	smul.u32 $0x2800, s8;
	s13 =	sadd.s32 s7, s5;
	s26 =	sshrl.u32 s6, $0x1  }
0xd: {  	s28 =	smul.u32 $0x500, s8;
	s29 =	sshrl.u32 s10, $0x2;
	s14 =	ssub.s32 s6, s26  }
0xe: {  	s5 =	sadd.s32 s29, s1;
	s24 =	sadd.s32 $0xB5400, s13;
	s30 =	sshrl.u32 s12, $0x3  }
0xf: {  	s6 =	sadd.s32 s9, s28;
	s7 =	sadd.s32 s11, s28;
	s10 =	smax.u32 s14, $0x1  }
0x10: {  	s12 =	sadd.s32 $0x8000, s5;
	s13 =	sadd.s32 $0xC000, s5;
	s14 =	sadd.s32 $0x10000, s5  }
0x11: {  	s24 =	sadd.s32 s25, s24;
	s25 =	simm.s32 $0x2780;
	s31 =	sadd.s32 $0x280, s30  }
0x12: {  	v0 =	vimm.f32 $0.0e+00;
	s8 =	sadd.s32 s9, s31;
	s9 =	sadd.s32 s11, s31;
	s11 =	sadd.s32 $0x4000, s5  }
.LBB2_1:
0x13: {  	s26 =	simm.s32 $0x0;
	s28 =	simm.s32 $0x200  }
.LBB2_2:
0x14: {  	p0 =	sne.s32 s28, $0xFE00;
	[tilespmem:s26+$0x2870] =	vst v0  }
0x15: {  	[tilespmem:s26+$0x2800] =	vst v0  }
0x16: {  	[tilespmem:s26+$0x2810] =	vst v0  }
.Ltmp0:
0x17: {  	[tilespmem:s26+$0x2820] =	vst v0;
	(pc) =	sbr.rel @p0 .LBB2_2-.Ltmp0, $4  }
0x18: {  	[tilespmem:s26+$0x2830] =	vst v0  }
0x19: {  	[tilespmem:s26+$0x2840] =	vst v0  }
0x1a: {  	[tilespmem:s26+$0x2850] =	vst v0  }
0x1b: {  	[tilespmem:s26+$0x2860] =	vst v0;
	s26 =	sshra.s32 s28, $0x2;
	s28 =	sadd.s32 $0x200, s28  }
0x1c: {  	[tilespmem:s26+$0x2870] =	vst v0  }
0x1d: {  	[tilespmem:s26+$0x2800] =	vst v0  }
0x1e: {  	[tilespmem:s26+$0x2810] =	vst v0  }
0x1f: {  	[tilespmem:s26+$0x2820] =	vst v0  }
0x20: {  	[tilespmem:s26+$0x2830] =	vst v0  }
0x21: {  	[tilespmem:s26+$0x2840] =	vst v0  }
0x22: {  	[tilespmem:s26+$0x2850] =	vst v0  }
0x23: {  	[tilespmem:s26+$0x2860] =	vst v0  }
0x24: {  	[spmem:s5] =	stream.linear.scatter [tilespmem:s15], [sflag:$0x3], $0x4000, $0x38;
	[tilespmem:$0x1E800] =	vst v63  }
0x25: {  	_ =	swait.ge [sflag:s16], $0x4000  }
0x26: {  	[sflag:s16] =	ssyncset.done $0x0  }
0x27: {  	[sflag:s16] =	ssyncadd.s32 $0xFFFFC000  }
0x28: {  	[spmem:s11] =	stream.linear.scatter [tilespmem:s15], [sflag:$0x3], $0x4000, $0x38;
	[tilespmem:$0x1E800] =	vst v63  }
0x29: {  	_ =	swait.ge [sflag:s16], $0x4000  }
0x2a: {  	[sflag:s16] =	ssyncset.done $0x0  }
0x2b: {  	[sflag:s16] =	ssyncadd.s32 $0xFFFFC000  }
0x2c: {  	[spmem:s12] =	stream.linear.scatter [tilespmem:s15], [sflag:$0x3], $0x4000, $0x38;
	[tilespmem:$0x1E800] =	vst v63  }
0x2d: {  	_ =	swait.ge [sflag:s16], $0x4000  }
0x2e: {  	[sflag:s16] =	ssyncset.done $0x0  }
0x2f: {  	[sflag:s16] =	ssyncadd.s32 $0xFFFFC000  }
0x30: {  	[spmem:s13] =	stream.linear.scatter [tilespmem:s15], [sflag:$0x3], $0x4000, $0x38;
	[tilespmem:$0x1E800] =	vst v63  }
0x31: {  	_ =	swait.ge [sflag:s16], $0x4000  }
0x32: {  	[sflag:s16] =	ssyncset.done $0x0  }
0x33: {  	[sflag:s16] =	ssyncadd.s32 $0xFFFFC000  }
0x34: {  	[spmem:s14] =	stream.linear.scatter [tilespmem:s15], [sflag:$0x3], $0x4000, $0x38;
	[tilespmem:$0x1E800] =	vst v63  }
0x35: {  	_ =	swait.ge [sflag:s16], $0x4000  }
0x36: {  	[sflag:s16] =	ssyncset.done $0x0  }
0x37: {  	[sflag:s16] =	ssyncadd.s32 $0xFFFFC000  }
0x38: {  	s30 =	simm.s32 $0x0;
	[bflag:$0x0] =	sbarrier.arrive $0xFFFF  }
0x39: {  	[tilespmem:s30], [sflag:$0x3] =	stream.linear.gather [hbm4b:s6+s30], $0x1400, $0x38;
	[tilespmem:$0x1E800] =	vst v63  }
0x3a: {  	_ =	swait.ge [sflag:s16], $0x1400  }
0x3b: {  	[sflag:s16] =	ssyncset.done $0x0  }
0x3c: {  	[sflag:s16] =	ssyncadd.s32 $0xFFFFEC00  }
0x3d: {  	[tilespmem:s17], [sflag:$0x3] =	stream.linear.gather [hbm4b:s7+s30], $0x1400, $0x38;
	[tilespmem:$0x1E800] =	vst v63  }
0x3e: {  	_ =	swait.ge [sflag:s16], $0x1400  }
0x3f: {  	[sflag:s16] =	ssyncset.done $0x0  }
0x40: {  	[sflag:s16] =	ssyncadd.s32 $0xFFFFEC00  }
0x41: {  	[tilespmem:s15], [sflag:$0x1] =	stream.indirect.gather [hbm4b:s4+s18], $0x80, s30, s18, $0xb8;
	[tilespmem:$0x1E800] =	vst v63  }
0x42: {  	s31 =	simm.s32 $0x80  }
0x43: {  	[tilespmem:s19], [sflag:$0x2] =	stream.indirect.gather [hbm4b:s4+s18], $0x80, s31, s18, $0xb8;
	[tilespmem:$0x1E800] =	vst v63  }
0x44: {  	_ =	swait.ge [sflag:s20], $0x4000  }
0x45: {  	[sflag:s20] =	ssyncset.done $0x0  }
0x46: {  	s29 =	simm.s32 $0x1400;
	[sflag:s20] =	ssyncadd.s32 $0xFFFFC000  }
0x47: {  	[spmem:s1] =	stream.indirect.scatter.add.f32 [tilespmem:s15], [sflag:$0x3], $0x80, s29, s18, $0xb8;
	[tilespmem:$0x1E800] =	vst v63  }
0x48: {  	_ =	swait.ge [sflag:s16], $0x4000  }
0x49: {  	[sflag:s16] =	ssyncset.done $0x0  }
0x4a: {  	s30 =	simm.s32 $0x100;
	[sflag:s16] =	ssyncadd.s32 $0xFFFFC000  }
0x4b: {  	[tilespmem:s15], [sflag:$0x1] =	stream.indirect.gather [hbm4b:s4+s18], $0x80, s30, s18, $0xb8;
	[tilespmem:$0x1E800] =	vst v63  }
0x4c: {  	_ =	swait.ge [sflag:s21], $0x4000  }
0x4d: {  	[sflag:s21] =	ssyncset.done $0x0  }
0x4e: {  	s31 =	simm.s32 $0x1480;
	[sflag:s21] =	ssyncadd.s32 $0xFFFFC000  }
0x4f: {  	[spmem:s1] =	stream.indirect.scatter.add.f32 [tilespmem:s19], [sflag:$0x3], $0x80, s31, s18, $0xb8;
	[tilespmem:$0x1E800] =	vst v63  }
0x50: {  	_ =	swait.ge [sflag:s16], $0x4000  }
0x51: {  	s28 =	simm.s32 $0x800;
	s26 =	simm.s32 $0x100;
	[sflag:s16] =	ssyncset.done $0x0  }
.LBB2_4:
0x52: {  	s29 =	sadd.s32 $0x80, s26  }
0x53: {  	[sflag:s16] =	ssyncadd.s32 $0xFFFFC000;
	s30 =	smov.u32 s28;
	s31 =	sadd.s32 $0x400, s28  }
0x54: {  	[tilespmem:s19], [sflag:$0x2] =	stream.indirect.gather [hbm4b:s4+s18], $0x80, s29, s18, $0xb8;
	[tilespmem:$0x1E800] =	vst v63  }
0x55: {  	p0 =	sne.s32 s28, $0x4800;
	_ =	swait.ge [sflag:s20], $0x4000  }
0x56: {  	[sflag:s20] =	ssyncset.done $0x0  }
0x57: {  	s28 =	sadd.s32 $0x1400, s26;
	[sflag:s20] =	ssyncadd.s32 $0xFFFFC000  }
0x58: {  	[spmem:s1] =	stream.indirect.scatter.add.f32 [tilespmem:s15], [sflag:$0x3], $0x80, s28, s18, $0xb8;
	[tilespmem:$0x1E800] =	vst v63  }
0x59: {  	_ =	swait.ge [sflag:s16], $0x4000  }
0x5a: {  	[sflag:s16] =	ssyncset.done $0x0  }
0x5b: {  	s28 =	sadd.s32 $0x100, s26;
	[sflag:s16] =	ssyncadd.s32 $0xFFFFC000  }
0x5c: {  	[tilespmem:s15], [sflag:$0x1] =	stream.indirect.gather [hbm4b:s4+s18], $0x80, s28, s18, $0xb8;
	[tilespmem:$0x1E800] =	vst v63  }
0x5d: {  	_ =	swait.ge [sflag:s21], $0x4000  }
.Ltmp1:
0x5e: {  	[sflag:s21] =	ssyncset.done $0x0;
	(pc) =	sbr.rel @p0 .LBB2_4-.Ltmp1, $4  }
0x5f: {  	s26 =	sadd.s32 $0x1480, s26;
	[sflag:s21] =	ssyncadd.s32 $0xFFFFC000  }
0x60: {  	[spmem:s1] =	stream.indirect.scatter.add.f32 [tilespmem:s19], [sflag:$0x3], $0x80, s26, s18, $0xb8;
	[tilespmem:$0x1E800] =	vst v63  }
0x61: {  	_ =	swait.ge [sflag:s16], $0x4000  }
0x62: {  	s28 =	smov.u32 s31;
	s26 =	sshra.s32 s30, $0x2;
	[sflag:s16] =	ssyncset.done $0x0  }
0x63: {  	s28 =	sadd.s32 $0x80, s26;
	[sflag:s16] =	ssyncadd.s32 $0xFFFFC000  }
0x64: {  	[tilespmem:s19], [sflag:$0x2] =	stream.indirect.gather [hbm4b:s4+s18], $0x80, s28, s18, $0xb8;
	[tilespmem:$0x1E800] =	vst v63  }
0x65: {  	_ =	swait.ge [sflag:s20], $0x4000  }
0x66: {  	[sflag:s20] =	ssyncset.done $0x0  }
0x67: {  	s28 =	sadd.s32 $0x1400, s26;
	[sflag:s20] =	ssyncadd.s32 $0xFFFFC000  }
0x68: {  	[spmem:s1] =	stream.indirect.scatter.add.f32 [tilespmem:s15], [sflag:$0x3], $0x80, s28, s18, $0xb8;
	[tilespmem:$0x1E800] =	vst v63  }
0x69: {  	_ =	swait.ge [sflag:s16], $0x4000  }
0x6a: {  	[sflag:s16] =	ssyncset.done $0x0  }
0x6b: {  	s28 =	sadd.s32 $0x100, s26;
	[sflag:s16] =	ssyncadd.s32 $0xFFFFC000  }
0x6c: {  	[tilespmem:s15], [sflag:$0x1] =	stream.indirect.gather [hbm4b:s4+s18], $0x80, s28, s18, $0xb8;
	[tilespmem:$0x1E800] =	vst v63  }
0x6d: {  	_ =	swait.ge [sflag:s21], $0x4000  }
0x6e: {  	[sflag:s21] =	ssyncset.done $0x0  }
0x6f: {  	s29 =	sadd.s32 $0x1480, s26;
	[sflag:s21] =	ssyncadd.s32 $0xFFFFC000  }
0x70: {  	[spmem:s1] =	stream.indirect.scatter.add.f32 [tilespmem:s19], [sflag:$0x3], $0x80, s29, s18, $0xb8;
	[tilespmem:$0x1E800] =	vst v63  }
0x71: {  	_ =	swait.ge [sflag:s16], $0x4000  }
0x72: {  	[sflag:s16] =	ssyncset.done $0x0  }
0x73: {  	[sflag:s16] =	ssyncadd.s32 $0xFFFFC000  }
0x74: {  	[tilespmem:s19], [sflag:$0x2] =	stream.indirect.gather [hbm4b:s4+s18], $0x80, s22, s18, $0xb8;
	[tilespmem:$0x1E800] =	vst v63  }
0x75: {  	_ =	swait.ge [sflag:s20], $0x4000  }
0x76: {  	[sflag:s20] =	ssyncset.done $0x0  }
0x77: {  	[sflag:s20] =	ssyncadd.s32 $0xFFFFC000  }
0x78: {  	[spmem:s1] =	stream.indirect.scatter.add.f32 [tilespmem:s15], [sflag:$0x3], $0x80, s23, s18, $0xb8;
	[tilespmem:$0x1E800] =	vst v63  }
0x79: {  	_ =	swait.ge [sflag:s16], $0x4000  }
0x7a: {  	[sflag:s16] =	ssyncset.done $0x0  }
0x7b: {  	[sflag:s16] =	ssyncadd.s32 $0xFFFFC000  }
0x7c: {  	_ =	swait.ge [sflag:s21], $0x4000  }
0x7d: {  	[sflag:s21] =	ssyncset.done $0x0  }
0x7e: {  	[sflag:s21] =	ssyncadd.s32 $0xFFFFC000  }
0x7f: {  	[spmem:s1] =	stream.indirect.scatter.add.f32 [tilespmem:s19], [sflag:$0x3], $0x80, s25, s18, $0xb8;
	[tilespmem:$0x1E800] =	vst v63  }
0x80: {  	_ =	swait.ge [sflag:s16], $0x4000  }
0x81: {  	[sflag:s16] =	ssyncset.done $0x0  }
0x82: {  	s30 =	simm.s32 $0x0;
	[sflag:s16] =	ssyncadd.s32 $0xFFFFC000  }
0x83: {  	[tilespmem:s30], [sflag:$0x3] =	stream.linear.gather [hbm4b:s8+s30], $0x1400, $0x38;
	[tilespmem:$0x1E800] =	vst v63  }
0x84: {  	_ =	swait.ge [sflag:s16], $0x1400  }
0x85: {  	[sflag:s16] =	ssyncset.done $0x0  }
0x86: {  	[sflag:s16] =	ssyncadd.s32 $0xFFFFEC00  }
0x87: {  	[tilespmem:s17], [sflag:$0x3] =	stream.linear.gather [hbm4b:s9+s30], $0x1400, $0x38;
	[tilespmem:$0x1E800] =	vst v63  }
0x88: {  	_ =	swait.ge [sflag:s16], $0x1400  }
0x89: {  	[sflag:s16] =	ssyncset.done $0x0  }
0x8a: {  	[sflag:s16] =	ssyncadd.s32 $0xFFFFEC00  }
0x8b: {  	[tilespmem:s15], [sflag:$0x1] =	stream.indirect.gather [hbm4b:s4+s18], $0x80, s30, s18, $0xb8;
	[tilespmem:$0x1E800] =	vst v63  }
0x8c: {  	s31 =	simm.s32 $0x80  }
0x8d: {  	[tilespmem:s19], [sflag:$0x2] =	stream.indirect.gather [hbm4b:s4+s18], $0x80, s31, s18, $0xb8;
	[tilespmem:$0x1E800] =	vst v63  }
0x8e: {  	_ =	swait.ge [sflag:s20], $0x4000  }
0x8f: {  	[sflag:s20] =	ssyncset.done $0x0  }
0x90: {  	s29 =	simm.s32 $0x1400;
	[sflag:s20] =	ssyncadd.s32 $0xFFFFC000  }
0x91: {  	[spmem:s1] =	stream.indirect.scatter.add.f32 [tilespmem:s15], [sflag:$0x3], $0x80, s29, s18, $0xb8;
	[tilespmem:$0x1E800] =	vst v63  }
0x92: {  	_ =	swait.ge [sflag:s16], $0x4000  }
0x93: {  	[sflag:s16] =	ssyncset.done $0x0  }
0x94: {  	s30 =	simm.s32 $0x100;
	[sflag:s16] =	ssyncadd.s32 $0xFFFFC000  }
0x95: {  	[tilespmem:s15], [sflag:$0x1] =	stream.indirect.gather [hbm4b:s4+s18], $0x80, s30, s18, $0xb8;
	[tilespmem:$0x1E800] =	vst v63  }
0x96: {  	_ =	swait.ge [sflag:s21], $0x4000  }
0x97: {  	[sflag:s21] =	ssyncset.done $0x0  }
0x98: {  	s31 =	simm.s32 $0x1480;
	[sflag:s21] =	ssyncadd.s32 $0xFFFFC000  }
0x99: {  	[spmem:s1] =	stream.indirect.scatter.add.f32 [tilespmem:s19], [sflag:$0x3], $0x80, s31, s18, $0xb8;
	[tilespmem:$0x1E800] =	vst v63  }
0x9a: {  	_ =	swait.ge [sflag:s16], $0x4000  }
0x9b: {  	s26 =	simm.s32 $0x100;
	s28 =	simm.s32 $0x800;
	[sflag:s16] =	ssyncset.done $0x0  }
.LBB2_6:
0x9c: {  	s29 =	sadd.s32 $0x80, s26  }
0x9d: {  	[sflag:s16] =	ssyncadd.s32 $0xFFFFC000;
	s30 =	smov.u32 s28;
	s31 =	sadd.s32 $0x400, s28  }
0x9e: {  	[tilespmem:s19], [sflag:$0x2] =	stream.indirect.gather [hbm4b:s4+s18], $0x80, s29, s18, $0xb8;
	[tilespmem:$0x1E800] =	vst v63  }
0x9f: {  	p0 =	sne.s32 s28, $0x4800;
	_ =	swait.ge [sflag:s20], $0x4000  }
0xa0: {  	[sflag:s20] =	ssyncset.done $0x0  }
0xa1: {  	s28 =	sadd.s32 $0x1400, s26;
	[sflag:s20] =	ssyncadd.s32 $0xFFFFC000  }
0xa2: {  	[spmem:s1] =	stream.indirect.scatter.add.f32 [tilespmem:s15], [sflag:$0x3], $0x80, s28, s18, $0xb8;
	[tilespmem:$0x1E800] =	vst v63  }
0xa3: {  	_ =	swait.ge [sflag:s16], $0x4000  }
0xa4: {  	[sflag:s16] =	ssyncset.done $0x0  }
0xa5: {  	s28 =	sadd.s32 $0x100, s26;
	[sflag:s16] =	ssyncadd.s32 $0xFFFFC000  }
0xa6: {  	[tilespmem:s15], [sflag:$0x1] =	stream.indirect.gather [hbm4b:s4+s18], $0x80, s28, s18, $0xb8;
	[tilespmem:$0x1E800] =	vst v63  }
0xa7: {  	_ =	swait.ge [sflag:s21], $0x4000  }
.Ltmp2:
0xa8: {  	[sflag:s21] =	ssyncset.done $0x0;
	(pc) =	sbr.rel @p0 .LBB2_6-.Ltmp2, $4  }
0xa9: {  	s26 =	sadd.s32 $0x1480, s26;
	[sflag:s21] =	ssyncadd.s32 $0xFFFFC000  }
0xaa: {  	[spmem:s1] =	stream.indirect.scatter.add.f32 [tilespmem:s19], [sflag:$0x3], $0x80, s26, s18, $0xb8;
	[tilespmem:$0x1E800] =	vst v63  }
0xab: {  	_ =	swait.ge [sflag:s16], $0x4000  }
0xac: {  	s28 =	smov.u32 s31;
	s26 =	sshra.s32 s30, $0x2;
	[sflag:s16] =	ssyncset.done $0x0  }
0xad: {  	s28 =	sadd.s32 $0x80, s26;
	[sflag:s16] =	ssyncadd.s32 $0xFFFFC000  }
0xae: {  	[tilespmem:s19], [sflag:$0x2] =	stream.indirect.gather [hbm4b:s4+s18], $0x80, s28, s18, $0xb8;
	[tilespmem:$0x1E800] =	vst v63  }
0xaf: {  	_ =	swait.ge [sflag:s20], $0x4000  }
0xb0: {  	[sflag:s20] =	ssyncset.done $0x0  }
0xb1: {  	s30 =	sadd.s32 $0x1400, s26;
	[sflag:s20] =	ssyncadd.s32 $0xFFFFC000  }
0xb2: {  	[spmem:s1] =	stream.indirect.scatter.add.f32 [tilespmem:s15], [sflag:$0x3], $0x80, s30, s18, $0xb8;
	[tilespmem:$0x1E800] =	vst v63  }
0xb3: {  	_ =	swait.ge [sflag:s16], $0x4000  }
0xb4: {  	[sflag:s16] =	ssyncset.done $0x0  }
0xb5: {  	s31 =	sadd.s32 $0x100, s26;
	[sflag:s16] =	ssyncadd.s32 $0xFFFFC000  }
0xb6: {  	[tilespmem:s15], [sflag:$0x1] =	stream.indirect.gather [hbm4b:s4+s18], $0x80, s31, s18, $0xb8;
	[tilespmem:$0x1E800] =	vst v63  }
0xb7: {  	_ =	swait.ge [sflag:s21], $0x4000  }
0xb8: {  	[sflag:s21] =	ssyncset.done $0x0  }
0xb9: {  	s29 =	sadd.s32 $0x1480, s26;
	[sflag:s21] =	ssyncadd.s32 $0xFFFFC000  }
0xba: {  	[spmem:s1] =	stream.indirect.scatter.add.f32 [tilespmem:s19], [sflag:$0x3], $0x80, s29, s18, $0xb8;
	[tilespmem:$0x1E800] =	vst v63  }
0xbb: {  	_ =	swait.ge [sflag:s16], $0x4000  }
0xbc: {  	[sflag:s16] =	ssyncset.done $0x0  }
0xbd: {  	[sflag:s16] =	ssyncadd.s32 $0xFFFFC000  }
0xbe: {  	[tilespmem:s19], [sflag:$0x2] =	stream.indirect.gather [hbm4b:s4+s18], $0x80, s22, s18, $0xb8;
	[tilespmem:$0x1E800] =	vst v63  }
0xbf: {  	_ =	swait.ge [sflag:s20], $0x4000  }
0xc0: {  	[sflag:s20] =	ssyncset.done $0x0  }
0xc1: {  	[sflag:s20] =	ssyncadd.s32 $0xFFFFC000  }
0xc2: {  	[spmem:s1] =	stream.indirect.scatter.add.f32 [tilespmem:s15], [sflag:$0x3], $0x80, s23, s18, $0xb8;
	[tilespmem:$0x1E800] =	vst v63  }
0xc3: {  	_ =	swait.ge [sflag:s16], $0x4000  }
0xc4: {  	[sflag:s16] =	ssyncset.done $0x0  }
0xc5: {  	[sflag:s16] =	ssyncadd.s32 $0xFFFFC000  }
0xc6: {  	_ =	swait.ge [sflag:s21], $0x4000  }
0xc7: {  	[sflag:s21] =	ssyncset.done $0x0  }
0xc8: {  	[sflag:s21] =	ssyncadd.s32 $0xFFFFC000  }
0xc9: {  	[spmem:s1] =	stream.indirect.scatter.add.f32 [tilespmem:s19], [sflag:$0x3], $0x80, s25, s18, $0xb8;
	[tilespmem:$0x1E800] =	vst v63  }
0xca: {  	_ =	swait.ge [sflag:s16], $0x4000  }
0xcb: {  	s2 =	sadd.s32 $0x1, s2;
	s30 =	sshll.u32 s3, $0x6;
	[sflag:s16] =	ssyncset.done $0x0  }
0xcc: {  	p0 =	sne.s32 s2, s10;
	s26 =	sor.u32 $0x1C03, s30;
	[sflag:s16] =	ssyncadd.s32 $0xFFFFC000  }
.Ltmp3:
0xcd: {  	s31 =	sshrl.u32 s5, $0x3;
	[bflag:$0x0] =	sbarrier.arrive $0xFFFF;
	(pc) =	sbr.rel @p0 .LBB2_1-.Ltmp3, $4  }
0xce: {  	[hbm:s24], [sflag:s26] =	dma.local [spmem:s31], $0x2800  }
0xcf: {  	_ =	swait.ge [sflag:s16], $0x2800  }
0xd0: {  	[sflag:s16] =	ssyncset.done $0x0  }
0xd1: {  	[sflag:s16] =	ssyncadd.s32 $0xFFFFD800  }
0xd2: {  	_ =	sfence.sel $0x180000  }
0xd3: {  	[bflag:$0x0] =	sbarrier.arrive $0xFFFF  }
0xd4: {  	p0 =	sne.s32 s3, $0x0;
	_ =	strace $0x9000004D  }
0xd5: {  	s0 =	sadd.s32 @!p0 $0x100000, s0;
	[bflag:$0x2] =	sbarrier.arrive $0xFFFF  }
0xd6: {  	[sflag:s0] =	ssyncadd.tile.s32 @!p0 $0x1;
	_ =	shalt  }
.Lfunc_end2:
_tile_overlayer_lowered:
.L_overlay_start_2:
0xd7: {  	(tag) =	ssettag $0x2  }
0xd8: {  	s0 =	rddreg [dreg:$0x0];
	s2 =	stileid.u32  }
0xd9: {  	s1 =	rddreg [dreg:$0x1];
	p0 =	sne.s32 s2, $0x0  }
0xda: {  	s3 =	rddreg [dreg:$0x2];
	[bflag:$0x3] =	sbarrier.arrive $0xFFFF;
	s2 =	simm.s32 @!p0 $0x1C03  }
0xdb: {  	[timem:s3], [sflag:s2] =	dma.local @!p0 [hbm:s0], s1  }
0xdc: {  	s0 =	simm.s32 @!p0 $0x3  }
0xdd: {  	_ =	swait.ge @!p0 [sflag:s0], s1  }
0xde: {  	s1 =	ssub.s32 @!p0 $0x0, s1;
	[sflag:s0] =	ssyncset.done @!p0 $0x0  }
0xdf: {  	[sflag:s0] =	ssyncadd.s32 @!p0 s1  }
0xe0: {  	[bflag:$0x3] =	sbarrier.arrive $0xFFFF  }
0xe1: {  	_ =	shalt  }

// kernel: kernel.20.cloned.1.call-start
scs
__scs_entry_jumppad:
0x0: {  	(pc) =	sbr.rel $0x88, $3  }
0x1: {  	(tag) =	ssettag $0x0;
	lr =	simm.s32 $0x1  }
0x2: {  	[smem:$0x3F97] =	sst lr;
	_ =	strace $0xD0000000  }
0x3: {  	_ = 	snop  }
0x4: {  	_ = 	snop  }
0x5: {  	_ = 	snop  }
0x6: {  	_ = 	snop  }
0x7: {  	_ = 	snop  }
__scs_overlays_trampoline_lowered:
0x8: {  	[smem:$0x3FA6] =	sst s0  }
0x9: {  	[smem:$0x3FA7] =	sst s1  }
0xa: {  	[smem:$0x3FA8] =	sst s2  }
0xb: {  	[smem:$0x3FA9] =	sst s3  }
0xc: {  	[smem:$0x3FAA] =	sst s4  }
0xd: {  	[smem:$0x3FAB] =	sst s5  }
0xe: {  	[smem:$0x3FAC] =	sst s6  }
0xf: {  	[smem:$0x3FAD] =	sst s7  }
0x10: {  	[smem:$0x3FAE] =	sst s8  }
0x11: {  	[smem:$0x3FAF] =	sst s9;
	s0 =	simm.s32 @!p0 $0x0  }
0x12: {  	s1 =	sld [smem:$0x3F95];
	s0 =	simm.s32 @p0 $0x1  }
0x13: {  	[smem:$0x3FB0] =	sst s0;
	s0 =	simm.s32 @!p1 $0x0  }
0x14: {  	s2 =	sld [smem:$0x3F94];
	s0 =	simm.s32 @p1 $0x1  }
0x15: {  	[smem:$0x3FB1] =	sst s0;
	s0 =	simm.s32 @!p2 $0x0  }
0x16: {  	s3 =	sld [smem:$0x3FDB];
	s0 =	simm.s32 @p2 $0x1  }
0x17: {  	s4 =	simm.s32 $0x1BF5;
	[smem:$0x3FB3] =	sst s0  }
0x18: {  	s0 =	sld [smem:$0x3F96];
	_ =	swait.ge [sflag:s4], $0x0  }
0x19: {  	s7 =	sld [smem:$0x3F97]  }
0x1a: {  	s8 =	sadd.s32 $0xFFFFE003, lr  }
0x1b: {  	s9 =	sadd.s32 $0xFFFFFEF7, lr;
	s5 =	simm.s32 $0xFFFFFFFF;
	p2 =	slt.u32 s8, $0xFFFFF086  }
0x1c: {  	p1 =	slt.u32 s9, $0xF7A;
	s5 =	simm.s32 @!p2 $0x0  }
0x1d: {  	s5 =	simm.s32 @p1 $0x1;
	p0 =	seq.s32 s7, s2  }
0x1e: {  	s7 =	smul.u32 @!p0 $0xF7A, s2;
	p2 =	seq.s32 @!p0 s5, $0x0  }
0x1f: {  	s9 =	smul.u32 $0xF7A, s1;
	s8 =	simm.s32 @!p0 $0x1BF5;
	p2 =	por !p2, p0  }
0x20: {  	[sflag:s8] =	ssyncset.s32 @!p0 $0xFFFFF086;
	s6 =	sadd.s32 @!p0 s3, s7;
	s7 =	simm.s32 @!p0 $0x108  }
0x21: {  	s3 =	sadd.s32 s3, s9;
	s6 =	sadd.s32 @!p0 $0x88, s6;
	s7 =	simm.s32 @p2 $0x1082  }
0x22: {  	[simem:s7], [sflag:s8] =	dma.local @!p0 [hbm:s6], $0xF7A  }
0x23: {  	s9 =	sor.u32 $0xD0000000, s2;
	s6 =	simm.s32 $0x108;
	_ =	swait.ge @!p0 [sflag:s8], $0x0  }
0x24: {  	s3 =	sadd.s32 $0x88, s3;
	s6 =	simm.s32 @!p1 $0x1082;
	[sflag:s4] =	ssyncset.s32 $0xFFFFF086  }
0x25: {  	[simem:s6], [sflag:s4] =	dma.local [hbm:s3], $0xF7A  }
0x26: {  	[smem:$0x3F97] =	sst s1;
	(tag) =	ssettag s2;
	_ =	strace s9  }
0x27: {  	s1 =	sld [smem:$0x3FA7]  }
0x28: {  	s2 =	sld [smem:$0x3FA8]  }
0x29: {  	s4 =	sld [smem:$0x3FAA]  }
0x2a: {  	p0 =	seq.s32 s5, $0x0;
	s5 =	sld [smem:$0x3FAB]  }
0x2b: {  	s6 =	sld [smem:$0x3FAC]  }
0x2c: {  	s7 =	sld [smem:$0x3FAD]  }
0x2d: {  	s3 =	simm.s32 $0x108;
	s8 =	sld [smem:$0x3FAE]  }
0x2e: {  	s3 =	simm.s32 @!p0 $0x1082;
	s9 =	sld [smem:$0x3FAF]  }
0x2f: {  	lr =	sadd.s32 s0, s3;
	s0 =	sld [smem:$0x3FA6]  }
0x30: {  	s3 =	sld [smem:$0x3FA9]  }
0x31: {  	[smem:$0x3FB2] =	sst s10  }
0x32: {  	s10 =	sld [smem:$0x3FB0];
	_ =	sdelay $0x3  }
0x33: {  	p0 =	seq.s32 s10, $0x1;
	s10 =	sld [smem:$0x3FB2];
	_ =	sdelay $0x3  }
0x34: {  	[smem:$0x3FB2] =	sst s10  }
0x35: {  	s10 =	sld [smem:$0x3FB1];
	_ =	sdelay $0x3  }
0x36: {  	p1 =	seq.s32 s10, $0x1;
	s10 =	sld [smem:$0x3FB2];
	_ =	sdelay $0x3  }
0x37: {  	[smem:$0x3FB2] =	sst s10  }
0x38: {  	s10 =	sld [smem:$0x3FB3]  }
0x39: {  	_ = 	snop;
	(pc) =	sbr.ind lr, $3  }
0x3a: {  	_ = 	snop  }
0x3b: {  	_ = 	snop  }
0x3c: {  	p2 =	seq.s32 s10, $0x1;
	s10 =	sld [smem:$0x3FB2]  }
0x3d: {  	_ =	shalt  }
0x3e: {  	_ =	shalt  }
0x3f: {  	_ =	shalt  }
0x40: {  	_ =	shalt  }
0x41: {  	_ =	shalt  }
0x42: {  	_ =	shalt  }
0x43: {  	_ =	shalt  }
0x44: {  	_ =	shalt  }
0x45: {  	_ =	shalt  }
0x46: {  	_ =	shalt  }
0x47: {  	_ =	shalt  }
0x48: {  	_ =	shalt  }
0x49: {  	_ =	shalt  }
0x4a: {  	_ =	shalt  }
0x4b: {  	_ =	shalt  }
0x4c: {  	_ =	shalt  }
0x4d: {  	_ =	shalt  }
0x4e: {  	_ =	shalt  }
0x4f: {  	_ =	shalt  }
0x50: {  	_ =	shalt  }
0x51: {  	_ =	shalt  }
0x52: {  	_ =	shalt  }
0x53: {  	_ =	shalt  }
0x54: {  	_ =	shalt  }
0x55: {  	_ =	shalt  }
0x56: {  	_ =	shalt  }
0x57: {  	_ =	shalt  }
0x58: {  	_ =	shalt  }
0x59: {  	_ =	shalt  }
0x5a: {  	_ =	shalt  }
0x5b: {  	_ =	shalt  }
0x5c: {  	_ =	shalt  }
0x5d: {  	_ =	shalt  }
0x5e: {  	_ =	shalt  }
0x5f: {  	_ =	shalt  }
0x60: {  	_ =	shalt  }
0x61: {  	_ =	shalt  }
0x62: {  	_ =	shalt  }
0x63: {  	_ =	shalt  }
0x64: {  	_ =	shalt  }
0x65: {  	_ =	shalt  }
0x66: {  	_ =	shalt  }
0x67: {  	_ =	shalt  }
0x68: {  	_ =	shalt  }
0x69: {  	_ =	shalt  }
0x6a: {  	_ =	shalt  }
0x6b: {  	_ =	shalt  }
0x6c: {  	_ =	shalt  }
0x6d: {  	_ =	shalt  }
0x6e: {  	_ =	shalt  }
0x6f: {  	_ =	shalt  }
0x70: {  	_ =	shalt  }
0x71: {  	_ =	shalt  }
0x72: {  	_ =	shalt  }
0x73: {  	_ =	shalt  }
0x74: {  	_ =	shalt  }
0x75: {  	_ =	shalt  }
0x76: {  	_ =	shalt  }
0x77: {  	_ =	shalt  }
0x78: {  	_ =	shalt  }
0x79: {  	_ =	shalt  }
0x7a: {  	_ =	shalt  }
0x7b: {  	_ =	shalt  }
0x7c: {  	_ =	shalt  }
0x7d: {  	_ =	shalt  }
0x7e: {  	_ =	shalt  }
0x7f: {  	_ =	shalt  }
0x80: {  	_ =	shalt  }
0x81: {  	_ =	shalt  }
0x82: {  	_ =	shalt  }
0x83: {  	_ =	shalt  }
0x84: {  	_ =	shalt  }
0x85: {  	_ =	shalt  }
0x86: {  	_ =	shalt  }
0x87: {  	_ =	shalt  }
.Lfunc_end0:
.L_simem_size_0:
called_computation.3_lowered:
.L_overlay_start_0:
0x88: {  	s2 =	sld [smem:$0x3FD9]  }
0x89: {  	s3 =	sld [smem:$0x3FFE];
	_ =	sdelay $0x1  }
0x8a: {  	s1 =	srdreg.scid  }
0x8b: {  	s0 =	sand.u32 $0x1, s1  }
0x8c: {  	s16 =	sshll.u32 s0, $0xA;
	s2 =	sadd.s32 s3, s2  }
0x8d: {  	s2 =	sadd.s32 s2, s16  }
0x8e: {  	[smem:$0x3FBE] =	sst s2  }
0x8f: {  	_ = 	snop  }
0x90: {  	(tm) =	ssettm $0x1  }
0x91: {  	s17 =	sld [smem:$0x3FFB];
	_ =	sdelay $0x3  }
0x92: {  	_ =	strace s17  }
0x93: {  	s2 =	sld [smem:$0x3FFC];
	_ =	sdelay $0x3  }
0x94: {  	_ =	strace s2  }
0x95: {  	s2 =	sld [smem:$0x3FFD];
	_ =	sdelay $0x3  }
0x96: {  	_ =	strace s2  }
0x97: {  	_ =	strace $0x8FFFFFFF  }
0x98: {  	s18 =	sld [smem:$0x3FDB];
	_ =	sdelay $0x1  }
0x99: {  	s19 =	simm.s32 $_scs_section_size  }
0x9a: {  	s4 =	simm.s32 $_size__tile_overlayer_lowered;
	s5 =	simm.s32 $_tile_overlayer_lowered  }
0x9b: {  	s22 =	simm.s32 $0x1BFF;
	s21 =	sshll.u32 s5, $0x1;
	s2 =	sadd.s32 s19, s18  }
0x9c: {  	s6 =	simm.s32 $0x0;
	s20 =	sshll.u32 s4, $0x1;
	s4 =	sadd.s32 s21, s2  }
0x9d: {  	[timem:s6], [sflag:s22] =	dma.local [hbm:s4], s20  }
0x9e: {  	_ =	swait.ge [sflag:s22], s20  }
0x9f: {  	s3 =	ssub.s32 $0x0, s20;
	[sflag:s22] =	ssyncset.done $0x0  }
0xa0: {  	[sflag:s22] =	ssyncadd.s32 s3;
	_ =	sdelay $0x1  }
0xa1: {  	s23 =	simm.s32 $0x1B8B  }
0xa2: {  	_ =	swait.ge [sflag:s23], $0x1  }
0xa3: {  	[sflag:s23] =	ssyncset.done $0x0  }
0xa4: {  	s25 =	simm.s32 $0x1B8E;
	s24 =	sld [smem:$0x3FFE];
	[sflag:s23] =	ssyncadd.s32 $0xFFFFFFFF  }
0xa5: {  	s26 =	simm.s32 $execute0_lowered;
	[smem:$0x3FD2] =	sst s25  }
0xa6: {  	s4 =	sshll.u32 s26, $0x1;
	_ =	strace $0x8000004F;
	[dreg:$0x1] =	wrdreg $0xFFFFFFFF  }
0xa7: {  	s28 =	simm.s32 $_size_execute0_lowered;
	s2 =	sadd.s32 s2, s4;
	[dreg:$0x0] =	wrdreg $0x0  }
0xa8: {  	s4 =	sshll.u32 s28, $0x1;
	[dreg:$0x2] =	wrdreg s2  }
0xa9: {  	[dreg:$0x3] =	wrdreg s4  }
0xaa: {  	[dreg:$0x4] =	wrdreg $0xC0  }
0xab: {  	_ =	task [dreg:s6], $0x5FFFF  }
0xac: {  	[dreg:$0x1] =	wrdreg $0xFFFFFFFF  }
0xad: {  	[dreg:$0x0] =	wrdreg $0x60  }
0xae: {  	[dreg:$0x2] =	wrdreg s24  }
0xaf: {  	[dreg:$0x3] =	wrdreg $0xA8000  }
0xb0: {  	[dreg:$0x4] =	wrdreg $0x9  }
0xb1: {  	_ =	task.clear_ibuf [dreg:s6], $0x5FFFF;
	_ =	strace $0x9000004F  }
0xb2: {  	s29 =	simm.s32 $0x9;
	_ =	strace $0x80000051  }
0xb3: {  	_ =	swait.ge [sflag:s29], $0x1  }
0xb4: {  	[sflag:s29] =	ssyncadd.s32 $0xFFFFFFFF  }
0xb5: {  	_ =	strace $0x90000051  }
0xb6: {  	_ =	sfence  }
0xb7: {  	s30 =	sld [smem:$0x0];
	_ =	sdelay $0x2  }
0xb8: {  	s31 =	sshll.u32 s1, $0xD;
	s1 =	sshrl.u32 s1, $0x2  }
0xb9: {  	s3 =	sand.u32 $0x4000, s31;
	s1 =	sadd.s32 s1, s30  }
0xba: {  	s0 =	sor.u32 s3, s0;
	s1 =	sshll.u32 s1, $0x11  }
0xbb: {  	s0 =	sor.u32 s1, s0  }
0xbc: {  	s0 =	sadd.s32 $0x8F2B, s0  }
0xbd: {  	[sflag:s0] =	ssyncadd.remote.s32 $0x1  }
0xbe: {  	_ =	sfence.sel $0xFFFF  }
0xbf: {  	[dreg:$0x0] =	wrdreg $0xFFFFFFFF;
	(pc) =	sbr.abs _section_cstart, $3  }
0xc0: {  	[dreg:$0x1] =	wrdreg $0xFFFFFFFF  }
0xc1: {  	_ =	task.clear_ibuf [dreg:s6], $0x2FFFF;
	_ =	strace $0x9FFFFFFF  }
0xc2: {  	(tm) =	ssettm $0x7FFFFFFF  }
0xc3: {  	_ =	shalt  }
tec
execute0_lowered:
.L_overlay_start_1:
0x0: {  	(tag) =	ssettag $0x1  }
0x1: {  	s5 =	rddreg [dreg:$0x0]  }
0x2: {  	s1 =	rddreg [dreg:$0x1]  }
0x3: {  	s0 =	rddreg [dreg:$0x2]  }
0x4: {  	s2 =	simm.s32 $0x0;
	s3 =	srdreg.scid;
	s15 =	simm.s32 $0x2800  }
0x5: {  	s16 =	simm.s32 $0x3;
	s17 =	simm.s32 $0x1400;
	s18 =	simm.s32 $0x80  }
0x6: {  	s19 =	simm.s32 $0x6800;
	s20 =	simm.s32 $0x1;
	s21 =	simm.s32 $0x2  }
0x7: {  	s22 =	simm.s32 $0x1380;
	s23 =	simm.s32 $0x2700;
	[smem:$0x7FF] =	sst s2  }
0x8: {  	s6 =	sand.u32 $0x1, s3;
	s3 =	stileid.u32;
	s4 =	sadd.s32 $0x67000, s5  }
0x9: {  	s9 =	sadd.s32 $0xEC00, s5;
	s11 =	sadd.s32 $0x4C00, s5;
	s7 =	smul.u32 $0x28000, s6  }
0xa: {  	_ =	strace $0x80000050;
	s8 =	sshll.u32 s3, $0x1;
	s10 =	smul.u32 $0x50000, s3  }
0xb: {  	s25 =	smul.u32 $0x2800, s3;
	s8 =	sor.u32 s6, s8;
	s6 =	ssub.s32 $0x2, s6  }
0xc: {  	s12 =	smul.u32 $0x2800, s8;
	s13 =	sadd.s32 s7, s5;
	s26 =	sshrl.u32 s6, $0x1  }
0xd: {  	s28 =	smul.u32 $0x500, s8;
	s29 =	sshrl.u32 s10, $0x2;
	s14 =	ssub.s32 s6, s26  }
0xe: {  	s5 =	sadd.s32 s29, s1;
	s24 =	sadd.s32 $0xB5400, s13;
	s30 =	sshrl.u32 s12, $0x3  }
0xf: {  	s6 =	sadd.s32 s9, s28;
	s7 =	sadd.s32 s11, s28;
	s10 =	smax.u32 s14, $0x1  }
0x10: {  	s12 =	sadd.s32 $0x8000, s5;
	s13 =	sadd.s32 $0xC000, s5;
	s14 =	sadd.s32 $0x10000, s5  }
0x11: {  	s24 =	sadd.s32 s25, s24;
	s25 =	simm.s32 $0x2780;
	s31 =	sadd.s32 $0x280, s30  }
0x12: {  	v0 =	vimm.f32 $0.0e+00;
	s8 =	sadd.s32 s9, s31;
	s9 =	sadd.s32 s11, s31;
	s11 =	sadd.s32 $0x4000, s5  }
.LBB2_1:
0x13: {  	s26 =	simm.s32 $0x0;
	s28 =	simm.s32 $0x200  }
.LBB2_2:
0x14: {  	p0 =	sne.s32 s28, $0xFE00;
	[tilespmem:s26+$0x2870] =	vst v0  }
0x15: {  	[tilespmem:s26+$0x2800] =	vst v0  }
0x16: {  	[tilespmem:s26+$0x2810] =	vst v0  }
.Ltmp0:
0x17: {  	[tilespmem:s26+$0x2820] =	vst v0;
	(pc) =	sbr.rel @p0 .LBB2_2-.Ltmp0, $4  }
0x18: {  	[tilespmem:s26+$0x2830] =	vst v0  }
0x19: {  	[tilespmem:s26+$0x2840] =	vst v0  }
0x1a: {  	[tilespmem:s26+$0x2850] =	vst v0  }
0x1b: {  	[tilespmem:s26+$0x2860] =	vst v0;
	s26 =	sshra.s32 s28, $0x2;
	s28 =	sadd.s32 $0x200, s28  }
0x1c: {  	[tilespmem:s26+$0x2870] =	vst v0  }
0x1d: {  	[tilespmem:s26+$0x2800] =	vst v0  }
0x1e: {  	[tilespmem:s26+$0x2810] =	vst v0  }
0x1f: {  	[tilespmem:s26+$0x2820] =	vst v0  }
0x20: {  	[tilespmem:s26+$0x2830] =	vst v0  }
0x21: {  	[tilespmem:s26+$0x2840] =	vst v0  }
0x22: {  	[tilespmem:s26+$0x2850] =	vst v0  }
0x23: {  	[tilespmem:s26+$0x2860] =	vst v0  }
0x24: {  	[spmem:s5] =	stream.linear.scatter [tilespmem:s15], [sflag:$0x3], $0x4000, $0x38;
	[tilespmem:$0x1E800] =	vst v63  }
0x25: {  	_ =	swait.ge [sflag:s16], $0x4000  }
0x26: {  	[sflag:s16] =	ssyncset.done $0x0  }
0x27: {  	[sflag:s16] =	ssyncadd.s32 $0xFFFFC000  }
0x28: {  	[spmem:s11] =	stream.linear.scatter [tilespmem:s15], [sflag:$0x3], $0x4000, $0x38;
	[tilespmem:$0x1E800] =	vst v63  }
0x29: {  	_ =	swait.ge [sflag:s16], $0x4000  }
0x2a: {  	[sflag:s16] =	ssyncset.done $0x0  }
0x2b: {  	[sflag:s16] =	ssyncadd.s32 $0xFFFFC000  }
0x2c: {  	[spmem:s12] =	stream.linear.scatter [tilespmem:s15], [sflag:$0x3], $0x4000, $0x38;
	[tilespmem:$0x1E800] =	vst v63  }
0x2d: {  	_ =	swait.ge [sflag:s16], $0x4000  }
0x2e: {  	[sflag:s16] =	ssyncset.done $0x0  }
0x2f: {  	[sflag:s16] =	ssyncadd.s32 $0xFFFFC000  }
0x30: {  	[spmem:s13] =	stream.linear.scatter [tilespmem:s15], [sflag:$0x3], $0x4000, $0x38;
	[tilespmem:$0x1E800] =	vst v63  }
0x31: {  	_ =	swait.ge [sflag:s16], $0x4000  }
0x32: {  	[sflag:s16] =	ssyncset.done $0x0  }
0x33: {  	[sflag:s16] =	ssyncadd.s32 $0xFFFFC000  }
0x34: {  	[spmem:s14] =	stream.linear.scatter [tilespmem:s15], [sflag:$0x3], $0x4000, $0x38;
	[tilespmem:$0x1E800] =	vst v63  }
0x35: {  	_ =	swait.ge [sflag:s16], $0x4000  }
0x36: {  	[sflag:s16] =	ssyncset.done $0x0  }
0x37: {  	[sflag:s16] =	ssyncadd.s32 $0xFFFFC000  }
0x38: {  	s30 =	simm.s32 $0x0;
	[bflag:$0x0] =	sbarrier.arrive $0xFFFF  }
0x39: {  	[tilespmem:s30], [sflag:$0x3] =	stream.linear.gather [hbm4b:s6+s30], $0x1400, $0x38;
	[tilespmem:$0x1E800] =	vst v63  }
0x3a: {  	_ =	swait.ge [sflag:s16], $0x1400  }
0x3b: {  	[sflag:s16] =	ssyncset.done $0x0  }
0x3c: {  	[sflag:s16] =	ssyncadd.s32 $0xFFFFEC00  }
0x3d: {  	[tilespmem:s17], [sflag:$0x3] =	stream.linear.gather [hbm4b:s7+s30], $0x1400, $0x38;
	[tilespmem:$0x1E800] =	vst v63  }
0x3e: {  	_ =	swait.ge [sflag:s16], $0x1400  }
0x3f: {  	[sflag:s16] =	ssyncset.done $0x0  }
0x40: {  	[sflag:s16] =	ssyncadd.s32 $0xFFFFEC00  }
0x41: {  	[tilespmem:s15], [sflag:$0x1] =	stream.indirect.gather [hbm4b:s4+s18], $0x80, s30, s18, $0xb8;
	[tilespmem:$0x1E800] =	vst v63  }
0x42: {  	s31 =	simm.s32 $0x80  }
0x43: {  	[tilespmem:s19], [sflag:$0x2] =	stream.indirect.gather [hbm4b:s4+s18], $0x80, s31, s18, $0xb8;
	[tilespmem:$0x1E800] =	vst v63  }
0x44: {  	_ =	swait.ge [sflag:s20], $0x4000  }
0x45: {  	[sflag:s20] =	ssyncset.done $0x0  }
0x46: {  	s29 =	simm.s32 $0x1400;
	[sflag:s20] =	ssyncadd.s32 $0xFFFFC000  }
0x47: {  	[spmem:s1] =	stream.indirect.scatter.add.f32 [tilespmem:s15], [sflag:$0x3], $0x80, s29, s18, $0xb8;
	[tilespmem:$0x1E800] =	vst v63  }
0x48: {  	_ =	swait.ge [sflag:s16], $0x4000  }
0x49: {  	[sflag:s16] =	ssyncset.done $0x0  }
0x4a: {  	s30 =	simm.s32 $0x100;
	[sflag:s16] =	ssyncadd.s32 $0xFFFFC000  }
0x4b: {  	[tilespmem:s15], [sflag:$0x1] =	stream.indirect.gather [hbm4b:s4+s18], $0x80, s30, s18, $0xb8;
	[tilespmem:$0x1E800] =	vst v63  }
0x4c: {  	_ =	swait.ge [sflag:s21], $0x4000  }
0x4d: {  	[sflag:s21] =	ssyncset.done $0x0  }
0x4e: {  	s31 =	simm.s32 $0x1480;
	[sflag:s21] =	ssyncadd.s32 $0xFFFFC000  }
0x4f: {  	[spmem:s1] =	stream.indirect.scatter.add.f32 [tilespmem:s19], [sflag:$0x3], $0x80, s31, s18, $0xb8;
	[tilespmem:$0x1E800] =	vst v63  }
0x50: {  	_ =	swait.ge [sflag:s16], $0x4000  }
0x51: {  	s28 =	simm.s32 $0x800;
	s26 =	simm.s32 $0x100;
	[sflag:s16] =	ssyncset.done $0x0  }
.LBB2_4:
0x52: {  	s29 =	sadd.s32 $0x80, s26  }
0x53: {  	[sflag:s16] =	ssyncadd.s32 $0xFFFFC000;
	s30 =	smov.u32 s28;
	s31 =	sadd.s32 $0x400, s28  }
0x54: {  	[tilespmem:s19], [sflag:$0x2] =	stream.indirect.gather [hbm4b:s4+s18], $0x80, s29, s18, $0xb8;
	[tilespmem:$0x1E800] =	vst v63  }
0x55: {  	p0 =	sne.s32 s28, $0x4800;
	_ =	swait.ge [sflag:s20], $0x4000  }
0x56: {  	[sflag:s20] =	ssyncset.done $0x0  }
0x57: {  	s28 =	sadd.s32 $0x1400, s26;
	[sflag:s20] =	ssyncadd.s32 $0xFFFFC000  }
0x58: {  	[spmem:s1] =	stream.indirect.scatter.add.f32 [tilespmem:s15], [sflag:$0x3], $0x80, s28, s18, $0xb8;
	[tilespmem:$0x1E800] =	vst v63  }
0x59: {  	_ =	swait.ge [sflag:s16], $0x4000  }
0x5a: {  	[sflag:s16] =	ssyncset.done $0x0  }
0x5b: {  	s28 =	sadd.s32 $0x100, s26;
	[sflag:s16] =	ssyncadd.s32 $0xFFFFC000  }
0x5c: {  	[tilespmem:s15], [sflag:$0x1] =	stream.indirect.gather [hbm4b:s4+s18], $0x80, s28, s18, $0xb8;
	[tilespmem:$0x1E800] =	vst v63  }
0x5d: {  	_ =	swait.ge [sflag:s21], $0x4000  }
.Ltmp1:
0x5e: {  	[sflag:s21] =	ssyncset.done $0x0;
	(pc) =	sbr.rel @p0 .LBB2_4-.Ltmp1, $4  }
0x5f: {  	s26 =	sadd.s32 $0x1480, s26;
	[sflag:s21] =	ssyncadd.s32 $0xFFFFC000  }
0x60: {  	[spmem:s1] =	stream.indirect.scatter.add.f32 [tilespmem:s19], [sflag:$0x3], $0x80, s26, s18, $0xb8;
	[tilespmem:$0x1E800] =	vst v63  }
0x61: {  	_ =	swait.ge [sflag:s16], $0x4000  }
0x62: {  	s28 =	smov.u32 s31;
	s26 =	sshra.s32 s30, $0x2;
	[sflag:s16] =	ssyncset.done $0x0  }
0x63: {  	s28 =	sadd.s32 $0x80, s26;
	[sflag:s16] =	ssyncadd.s32 $0xFFFFC000  }
0x64: {  	[tilespmem:s19], [sflag:$0x2] =	stream.indirect.gather [hbm4b:s4+s18], $0x80, s28, s18, $0xb8;
	[tilespmem:$0x1E800] =	vst v63  }
0x65: {  	_ =	swait.ge [sflag:s20], $0x4000  }
0x66: {  	[sflag:s20] =	ssyncset.done $0x0  }
0x67: {  	s28 =	sadd.s32 $0x1400, s26;
	[sflag:s20] =	ssyncadd.s32 $0xFFFFC000  }
0x68: {  	[spmem:s1] =	stream.indirect.scatter.add.f32 [tilespmem:s15], [sflag:$0x3], $0x80, s28, s18, $0xb8;
	[tilespmem:$0x1E800] =	vst v63  }
0x69: {  	_ =	swait.ge [sflag:s16], $0x4000  }
0x6a: {  	[sflag:s16] =	ssyncset.done $0x0  }
0x6b: {  	s28 =	sadd.s32 $0x100, s26;
	[sflag:s16] =	ssyncadd.s32 $0xFFFFC000  }
0x6c: {  	[tilespmem:s15], [sflag:$0x1] =	stream.indirect.gather [hbm4b:s4+s18], $0x80, s28, s18, $0xb8;
	[tilespmem:$0x1E800] =	vst v63  }
0x6d: {  	_ =	swait.ge [sflag:s21], $0x4000  }
0x6e: {  	[sflag:s21] =	ssyncset.done $0x0  }
0x6f: {  	s29 =	sadd.s32 $0x1480, s26;
	[sflag:s21] =	ssyncadd.s32 $0xFFFFC000  }
0x70: {  	[spmem:s1] =	stream.indirect.scatter.add.f32 [tilespmem:s19], [sflag:$0x3], $0x80, s29, s18, $0xb8;
	[tilespmem:$0x1E800] =	vst v63  }
0x71: {  	_ =	swait.ge [sflag:s16], $0x4000  }
0x72: {  	[sflag:s16] =	ssyncset.done $0x0  }
0x73: {  	[sflag:s16] =	ssyncadd.s32 $0xFFFFC000  }
0x74: {  	[tilespmem:s19], [sflag:$0x2] =	stream.indirect.gather [hbm4b:s4+s18], $0x80, s22, s18, $0xb8;
	[tilespmem:$0x1E800] =	vst v63  }
0x75: {  	_ =	swait.ge [sflag:s20], $0x4000  }
0x76: {  	[sflag:s20] =	ssyncset.done $0x0  }
0x77: {  	[sflag:s20] =	ssyncadd.s32 $0xFFFFC000  }
0x78: {  	[spmem:s1] =	stream.indirect.scatter.add.f32 [tilespmem:s15], [sflag:$0x3], $0x80, s23, s18, $0xb8;
	[tilespmem:$0x1E800] =	vst v63  }
0x79: {  	_ =	swait.ge [sflag:s16], $0x4000  }
0x7a: {  	[sflag:s16] =	ssyncset.done $0x0  }
0x7b: {  	[sflag:s16] =	ssyncadd.s32 $0xFFFFC000  }
0x7c: {  	_ =	swait.ge [sflag:s21], $0x4000  }
0x7d: {  	[sflag:s21] =	ssyncset.done $0x0  }
0x7e: {  	[sflag:s21] =	ssyncadd.s32 $0xFFFFC000  }
0x7f: {  	[spmem:s1] =	stream.indirect.scatter.add.f32 [tilespmem:s19], [sflag:$0x3], $0x80, s25, s18, $0xb8;
	[tilespmem:$0x1E800] =	vst v63  }
0x80: {  	_ =	swait.ge [sflag:s16], $0x4000  }
0x81: {  	[sflag:s16] =	ssyncset.done $0x0  }
0x82: {  	s30 =	simm.s32 $0x0;
	[sflag:s16] =	ssyncadd.s32 $0xFFFFC000  }
0x83: {  	[tilespmem:s30], [sflag:$0x3] =	stream.linear.gather [hbm4b:s8+s30], $0x1400, $0x38;
	[tilespmem:$0x1E800] =	vst v63  }
0x84: {  	_ =	swait.ge [sflag:s16], $0x1400  }
0x85: {  	[sflag:s16] =	ssyncset.done $0x0  }
0x86: {  	[sflag:s16] =	ssyncadd.s32 $0xFFFFEC00  }
0x87: {  	[tilespmem:s17], [sflag:$0x3] =	stream.linear.gather [hbm4b:s9+s30], $0x1400, $0x38;
	[tilespmem:$0x1E800] =	vst v63  }
0x88: {  	_ =	swait.ge [sflag:s16], $0x1400  }
0x89: {  	[sflag:s16] =	ssyncset.done $0x0  }
0x8a: {  	[sflag:s16] =	ssyncadd.s32 $0xFFFFEC00  }
0x8b: {  	[tilespmem:s15], [sflag:$0x1] =	stream.indirect.gather [hbm4b:s4+s18], $0x80, s30, s18, $0xb8;
	[tilespmem:$0x1E800] =	vst v63  }
0x8c: {  	s31 =	simm.s32 $0x80  }
0x8d: {  	[tilespmem:s19], [sflag:$0x2] =	stream.indirect.gather [hbm4b:s4+s18], $0x80, s31, s18, $0xb8;
	[tilespmem:$0x1E800] =	vst v63  }
0x8e: {  	_ =	swait.ge [sflag:s20], $0x4000  }
0x8f: {  	[sflag:s20] =	ssyncset.done $0x0  }
0x90: {  	s29 =	simm.s32 $0x1400;
	[sflag:s20] =	ssyncadd.s32 $0xFFFFC000  }
0x91: {  	[spmem:s1] =	stream.indirect.scatter.add.f32 [tilespmem:s15], [sflag:$0x3], $0x80, s29, s18, $0xb8;
	[tilespmem:$0x1E800] =	vst v63  }
0x92: {  	_ =	swait.ge [sflag:s16], $0x4000  }
0x93: {  	[sflag:s16] =	ssyncset.done $0x0  }
0x94: {  	s30 =	simm.s32 $0x100;
	[sflag:s16] =	ssyncadd.s32 $0xFFFFC000  }
0x95: {  	[tilespmem:s15], [sflag:$0x1] =	stream.indirect.gather [hbm4b:s4+s18], $0x80, s30, s18, $0xb8;
	[tilespmem:$0x1E800] =	vst v63  }
0x96: {  	_ =	swait.ge [sflag:s21], $0x4000  }
0x97: {  	[sflag:s21] =	ssyncset.done $0x0  }
0x98: {  	s31 =	simm.s32 $0x1480;
	[sflag:s21] =	ssyncadd.s32 $0xFFFFC000  }
0x99: {  	[spmem:s1] =	stream.indirect.scatter.add.f32 [tilespmem:s19], [sflag:$0x3], $0x80, s31, s18, $0xb8;
	[tilespmem:$0x1E800] =	vst v63  }
0x9a: {  	_ =	swait.ge [sflag:s16], $0x4000  }
0x9b: {  	s26 =	simm.s32 $0x100;
	s28 =	simm.s32 $0x800;
	[sflag:s16] =	ssyncset.done $0x0  }
.LBB2_6:
0x9c: {  	s29 =	sadd.s32 $0x80, s26  }
0x9d: {  	[sflag:s16] =	ssyncadd.s32 $0xFFFFC000;
	s30 =	smov.u32 s28;
	s31 =	sadd.s32 $0x400, s28  }
0x9e: {  	[tilespmem:s19], [sflag:$0x2] =	stream.indirect.gather [hbm4b:s4+s18], $0x80, s29, s18, $0xb8;
	[tilespmem:$0x1E800] =	vst v63  }
0x9f: {  	p0 =	sne.s32 s28, $0x4800;
	_ =	swait.ge [sflag:s20], $0x4000  }
0xa0: {  	[sflag:s20] =	ssyncset.done $0x0  }
0xa1: {  	s28 =	sadd.s32 $0x1400, s26;
	[sflag:s20] =	ssyncadd.s32 $0xFFFFC000  }
0xa2: {  	[spmem:s1] =	stream.indirect.scatter.add.f32 [tilespmem:s15], [sflag:$0x3], $0x80, s28, s18, $0xb8;
	[tilespmem:$0x1E800] =	vst v63  }
0xa3: {  	_ =	swait.ge [sflag:s16], $0x4000  }
0xa4: {  	[sflag:s16] =	ssyncset.done $0x0  }
0xa5: {  	s28 =	sadd.s32 $0x100, s26;
	[sflag:s16] =	ssyncadd.s32 $0xFFFFC000  }
0xa6: {  	[tilespmem:s15], [sflag:$0x1] =	stream.indirect.gather [hbm4b:s4+s18], $0x80, s28, s18, $0xb8;
	[tilespmem:$0x1E800] =	vst v63  }
0xa7: {  	_ =	swait.ge [sflag:s21], $0x4000  }
.Ltmp2:
0xa8: {  	[sflag:s21] =	ssyncset.done $0x0;
	(pc) =	sbr.rel @p0 .LBB2_6-.Ltmp2, $4  }
0xa9: {  	s26 =	sadd.s32 $0x1480, s26;
	[sflag:s21] =	ssyncadd.s32 $0xFFFFC000  }
0xaa: {  	[spmem:s1] =	stream.indirect.scatter.add.f32 [tilespmem:s19], [sflag:$0x3], $0x80, s26, s18, $0xb8;
	[tilespmem:$0x1E800] =	vst v63  }
0xab: {  	_ =	swait.ge [sflag:s16], $0x4000  }
0xac: {  	s28 =	smov.u32 s31;
	s26 =	sshra.s32 s30, $0x2;
	[sflag:s16] =	ssyncset.done $0x0  }
0xad: {  	s28 =	sadd.s32 $0x80, s26;
	[sflag:s16] =	ssyncadd.s32 $0xFFFFC000  }
0xae: {  	[tilespmem:s19], [sflag:$0x2] =	stream.indirect.gather [hbm4b:s4+s18], $0x80, s28, s18, $0xb8;
	[tilespmem:$0x1E800] =	vst v63  }
0xaf: {  	_ =	swait.ge [sflag:s20], $0x4000  }
0xb0: {  	[sflag:s20] =	ssyncset.done $0x0  }
0xb1: {  	s30 =	sadd.s32 $0x1400, s26;
	[sflag:s20] =	ssyncadd.s32 $0xFFFFC000  }
0xb2: {  	[spmem:s1] =	stream.indirect.scatter.add.f32 [tilespmem:s15], [sflag:$0x3], $0x80, s30, s18, $0xb8;
	[tilespmem:$0x1E800] =	vst v63  }
0xb3: {  	_ =	swait.ge [sflag:s16], $0x4000  }
0xb4: {  	[sflag:s16] =	ssyncset.done $0x0  }
0xb5: {  	s31 =	sadd.s32 $0x100, s26;
	[sflag:s16] =	ssyncadd.s32 $0xFFFFC000  }
0xb6: {  	[tilespmem:s15], [sflag:$0x1] =	stream.indirect.gather [hbm4b:s4+s18], $0x80, s31, s18, $0xb8;
	[tilespmem:$0x1E800] =	vst v63  }
0xb7: {  	_ =	swait.ge [sflag:s21], $0x4000  }
0xb8: {  	[sflag:s21] =	ssyncset.done $0x0  }
0xb9: {  	s29 =	sadd.s32 $0x1480, s26;
	[sflag:s21] =	ssyncadd.s32 $0xFFFFC000  }
0xba: {  	[spmem:s1] =	stream.indirect.scatter.add.f32 [tilespmem:s19], [sflag:$0x3], $0x80, s29, s18, $0xb8;
	[tilespmem:$0x1E800] =	vst v63  }
0xbb: {  	_ =	swait.ge [sflag:s16], $0x4000  }
0xbc: {  	[sflag:s16] =	ssyncset.done $0x0  }
0xbd: {  	[sflag:s16] =	ssyncadd.s32 $0xFFFFC000  }
0xbe: {  	[tilespmem:s19], [sflag:$0x2] =	stream.indirect.gather [hbm4b:s4+s18], $0x80, s22, s18, $0xb8;
	[tilespmem:$0x1E800] =	vst v63  }
0xbf: {  	_ =	swait.ge [sflag:s20], $0x4000  }
0xc0: {  	[sflag:s20] =	ssyncset.done $0x0  }
0xc1: {  	[sflag:s20] =	ssyncadd.s32 $0xFFFFC000  }
0xc2: {  	[spmem:s1] =	stream.indirect.scatter.add.f32 [tilespmem:s15], [sflag:$0x3], $0x80, s23, s18, $0xb8;
	[tilespmem:$0x1E800] =	vst v63  }
0xc3: {  	_ =	swait.ge [sflag:s16], $0x4000  }
0xc4: {  	[sflag:s16] =	ssyncset.done $0x0  }
0xc5: {  	[sflag:s16] =	ssyncadd.s32 $0xFFFFC000  }
0xc6: {  	_ =	swait.ge [sflag:s21], $0x4000  }
0xc7: {  	[sflag:s21] =	ssyncset.done $0x0  }
0xc8: {  	[sflag:s21] =	ssyncadd.s32 $0xFFFFC000  }
0xc9: {  	[spmem:s1] =	stream.indirect.scatter.add.f32 [tilespmem:s19], [sflag:$0x3], $0x80, s25, s18, $0xb8;
	[tilespmem:$0x1E800] =	vst v63  }
0xca: {  	_ =	swait.ge [sflag:s16], $0x4000  }
0xcb: {  	s2 =	sadd.s32 $0x1, s2;
	s30 =	sshll.u32 s3, $0x6;
	[sflag:s16] =	ssyncset.done $0x0  }
0xcc: {  	p0 =	sne.s32 s2, s10;
	s26 =	sor.u32 $0x1C03, s30;
	[sflag:s16] =	ssyncadd.s32 $0xFFFFC000  }
.Ltmp3:
0xcd: {  	s31 =	sshrl.u32 s5, $0x3;
	[bflag:$0x0] =	sbarrier.arrive $0xFFFF;
	(pc) =	sbr.rel @p0 .LBB2_1-.Ltmp3, $4  }
0xce: {  	[hbm:s24], [sflag:s26] =	dma.local [spmem:s31], $0x2800  }
0xcf: {  	_ =	swait.ge [sflag:s16], $0x2800  }
0xd0: {  	[sflag:s16] =	ssyncset.done $0x0  }
0xd1: {  	[sflag:s16] =	ssyncadd.s32 $0xFFFFD800  }
0xd2: {  	_ =	sfence.sel $0x180000  }
0xd3: {  	[bflag:$0x0] =	sbarrier.arrive $0xFFFF  }
0xd4: {  	p0 =	sne.s32 s3, $0x0;
	_ =	strace $0x90000050  }
0xd5: {  	s0 =	sadd.s32 @!p0 $0x100000, s0;
	[bflag:$0x2] =	sbarrier.arrive $0xFFFF  }
0xd6: {  	[sflag:s0] =	ssyncadd.tile.s32 @!p0 $0x1;
	_ =	shalt  }
.Lfunc_end2:
_tile_overlayer_lowered:
.L_overlay_start_2:
0xd7: {  	(tag) =	ssettag $0x2  }
0xd8: {  	s0 =	rddreg [dreg:$0x0];
	s2 =	stileid.u32  }
0xd9: {  	s1 =	rddreg [dreg:$0x1];
	p0 =	sne.s32 s2, $0x0  }
0xda: {  	s3 =	rddreg [dreg:$0x2];
	[bflag:$0x3] =	sbarrier.arrive $0xFFFF;
	s2 =	simm.s32 @!p0 $0x1C03  }
0xdb: {  	[timem:s3], [sflag:s2] =	dma.local @!p0 [hbm:s0], s1  }
0xdc: {  	s0 =	simm.s32 @!p0 $0x3  }
0xdd: {  	_ =	swait.ge @!p0 [sflag:s0], s1  }
0xde: {  	s1 =	ssub.s32 @!p0 $0x0, s1;
	[sflag:s0] =	ssyncset.done @!p0 $0x0  }
0xdf: {  	[sflag:s0] =	ssyncadd.s32 @!p0 s1  }
0xe0: {  	[bflag:$0x3] =	sbarrier.arrive $0xFFFF  }
0xe1: {  	_ =	shalt  }

</sc_bundles>
